<compile_context>
chip_gen: v7x
topology: tpu7x:2x2x1
jax: 0.10.2.dev20260603
libtpu: 0.0.44.dev20260713+nightly
codegen_flags: <defaults>
</compile_context>

<pallas_src>
import functools

import jax
import jax.numpy as jnp
from jax import lax
from jax.experimental import pallas as pl
from jax.experimental.pallas import tpu as pltpu
from jax.experimental.pallas import tpu_sc as plsc

N_NODES = 10000
N_EDGES = 320000
D_IN = 128
D_H = 256
D_OUT = 128
DHF = 64

NC = 2
NS = 16
NW = NC * NS
L = 16

N_PAD = 10240
E_PW = 10240
E_PAD = NW * E_PW
CHUNK = 128
N_CHUNKS = E_PW // CHUNK
ROWS_PT = N_PAD // NS
NBUF = 4


def _sc_mesh():
    return plsc.VectorSubcoreMesh(core_axis_name="c", subcore_axis_name="s",
                                  num_cores=NC, num_subcores=NS)


def _deg_body(dst_hbm, zeros_hbm, out_hbm, didx2, ones_v, acc_sh):
    c = lax.axis_index("c")
    s = lax.axis_index("s")
    wid = s * NC + c
    pltpu.sync_copy(zeros_hbm.at[pl.ds(s * ROWS_PT, ROWS_PT)],
                    acc_sh.at[pl.ds(s * ROWS_PT, ROWS_PT)])
    pltpu.sync_copy(dst_hbm.at[wid], didx2)
    for i in range(CHUNK // L):
        ones_v[pl.ds(i * L, L)] = jnp.ones((L,), jnp.float32)
    plsc.subcore_barrier()

    @pl.loop(0, N_CHUNKS)
    def _chunk(i):
        pltpu.sync_copy(ones_v, acc_sh.at[didx2.at[i]], add=True)

    plsc.subcore_barrier()
    pltpu.sync_copy(acc_sh.at[pl.ds(s * ROWS_PT, ROWS_PT)],
                    out_hbm.at[c, pl.ds(s * ROWS_PT, ROWS_PT)])


@functools.lru_cache(maxsize=None)
def _deg_kernel():
    return pl.kernel(
        _deg_body,
        out_type=jax.ShapeDtypeStruct((NC, N_PAD), jnp.float32),
        mesh=_sc_mesh(),
        scratch_types=[
            pltpu.VMEM((N_CHUNKS, CHUNK), jnp.int32),
            pltpu.VMEM((CHUNK,), jnp.float32),
            pltpu.VMEM_SHARED((N_PAD,), jnp.float32),
        ],
    )


def _agg_body(u_lo_hbm, u_hi_hbm, src_hbm, dst_hbm, zeros_hbm, out_hbm,
              sidx2, didx2, rows0, rows1, rows2, rows3,
              acc_sh, sem0, sem1, sem2, sem3):
    rows = (rows0, rows1, rows2, rows3)
    sems = (sem0, sem1, sem2, sem3)
    c = lax.axis_index("c")
    s = lax.axis_index("s")
    wid = s * NC + c
    pltpu.sync_copy(src_hbm.at[wid], sidx2)
    pltpu.sync_copy(dst_hbm.at[wid], didx2)

    for h in range(2):
        u_hbm = (u_lo_hbm, u_hi_hbm)[h]
        pltpu.sync_copy(zeros_hbm.at[pl.ds(s * ROWS_PT, ROWS_PT)],
                        acc_sh.at[pl.ds(s * ROWS_PT, ROWS_PT)])
        plsc.subcore_barrier()
        for b in range(NBUF):
            pltpu.async_copy(u_hbm.at[sidx2.at[b]], rows[b], sems[b])

        @pl.loop(0, N_CHUNKS, step=NBUF)
        def _grp(g):
            for b in range(NBUF):
                i = g + b
                pltpu.make_async_copy(u_hbm.at[sidx2.at[i]], rows[b],
                                      sems[b]).wait()
                pltpu.sync_copy(rows[b], acc_sh.at[didx2.at[i]], add=True)
                nxt = i + NBUF

                @pl.when(nxt < N_CHUNKS)
                def _prefetch():
                    pltpu.async_copy(u_hbm.at[sidx2.at[nxt]], rows[b], sems[b])

        plsc.subcore_barrier()
        pltpu.sync_copy(acc_sh.at[pl.ds(s * ROWS_PT, ROWS_PT)],
                        out_hbm.at[c, h, pl.ds(s * ROWS_PT, ROWS_PT)])


@functools.lru_cache(maxsize=None)
def _agg_kernel():
    return pl.kernel(
        _agg_body,
        out_type=jax.ShapeDtypeStruct((NC, 2, N_PAD, DHF), jnp.float32),
        mesh=_sc_mesh(),
        compiler_params=pltpu.CompilerParams(use_tc_tiling_on_sc=False),
        scratch_types=[
            pltpu.VMEM((N_CHUNKS, CHUNK), jnp.int32),
            pltpu.VMEM((N_CHUNKS, CHUNK), jnp.int32),
            pltpu.VMEM((CHUNK, DHF), jnp.float32),
            pltpu.VMEM((CHUNK, DHF), jnp.float32),
            pltpu.VMEM((CHUNK, DHF), jnp.float32),
            pltpu.VMEM((CHUNK, DHF), jnp.float32),
            pltpu.VMEM_SHARED((N_PAD, DHF), jnp.float32),
            pltpu.SemaphoreType.DMA,
            pltpu.SemaphoreType.DMA,
            pltpu.SemaphoreType.DMA,
            pltpu.SemaphoreType.DMA,
        ],
    )


BLK = 1024
BLKB = 1000


def _prep_body(degt_ref, xp_ref, r_ref, ulo_ref, uhi_ref):
    i = pl.program_id(0)
    dp = degt_ref[...]
    deg = dp[:, 0:1] + dp[:, 1:2] + 1.0
    row = i * BLK + lax.broadcasted_iota(jnp.int32, (BLK, 1), 0)
    r = jnp.where(row < N_NODES, lax.rsqrt(deg), 0.0)
    r_ref[...] = r
    u1 = xp_ref[...] * r
    ulo_ref[...] = u1[:, :DHF]
    uhi_ref[...] = u1[:, DHF:]


def _prep_call(degt, xp):
    return pl.pallas_call(
        _prep_body,
        grid=(N_PAD // BLK,),
        in_specs=[
            pl.BlockSpec((BLK, 2), lambda i: (i, 0)),
            pl.BlockSpec((BLK, D_IN), lambda i: (i, 0)),
        ],
        out_specs=[
            pl.BlockSpec((BLK, 1), lambda i: (i, 0)),
            pl.BlockSpec((BLK, DHF), lambda i: (i, 0)),
            pl.BlockSpec((BLK, DHF), lambda i: (i, 0)),
        ],
        out_shape=[
            jax.ShapeDtypeStruct((N_PAD, 1), jnp.float32),
            jax.ShapeDtypeStruct((N_PAD, DHF), jnp.float32),
            jax.ShapeDtypeStruct((N_PAD, DHF), jnp.float32),
        ],
    )(degt, xp)


def _layer_body(s1_ref, ulo_ref, uhi_ref, r_ref, W1_ref, b1_ref, W2_ref,
                u2lo_ref, u2hi_ref):
    sb = s1_ref[...]
    r = r_ref[...]
    s_lo = sb[0, 0] + sb[1, 0] + ulo_ref[...]
    s_hi = sb[0, 1] + sb[1, 1] + uhi_ref[...]
    agg = jnp.concatenate([s_lo, s_hi], axis=1) * r
    h1 = jnp.dot(agg, W1_ref[...], preferred_element_type=jnp.float32)
    h1 = jnp.maximum(h1 + b1_ref[...], 0.0)
    u2 = jnp.dot(h1, W2_ref[...], preferred_element_type=jnp.float32) * r
    u2lo_ref[...] = u2[:, :DHF]
    u2hi_ref[...] = u2[:, DHF:]


def _layer_call(s1, u1lo, u1hi, r2, W1, b1, W2):
    return pl.pallas_call(
        _layer_body,
        grid=(N_PAD // BLK,),
        in_specs=[
            pl.BlockSpec((NC, 2, BLK, DHF), lambda i: (0, 0, i, 0)),
            pl.BlockSpec((BLK, DHF), lambda i: (i, 0)),
            pl.BlockSpec((BLK, DHF), lambda i: (i, 0)),
            pl.BlockSpec((BLK, 1), lambda i: (i, 0)),
            pl.BlockSpec((D_IN, D_H), lambda i: (0, 0)),
            pl.BlockSpec((1, D_H), lambda i: (0, 0)),
            pl.BlockSpec((D_H, D_OUT), lambda i: (0, 0)),
        ],
        out_specs=[
            pl.BlockSpec((BLK, DHF), lambda i: (i, 0)),
            pl.BlockSpec((BLK, DHF), lambda i: (i, 0)),
        ],
        out_shape=[
            jax.ShapeDtypeStruct((N_PAD, DHF), jnp.float32),
            jax.ShapeDtypeStruct((N_PAD, DHF), jnp.float32),
        ],
    )(s1, u1lo, u1hi, r2, W1, b1, W2)


def _out_body(s2_ref, u2lo_ref, u2hi_ref, r_ref, b2_ref, h_ref, ls_ref):
    sb = s2_ref[...]
    s_lo = sb[0, 0] + sb[1, 0] + u2lo_ref[...]
    s_hi = sb[0, 1] + sb[1, 1] + u2hi_ref[...]
    o = jnp.concatenate([s_lo, s_hi], axis=1) * r_ref[...] + b2_ref[...]
    m = jnp.max(o, axis=1, keepdims=True)
    e = jnp.exp(o - m)
    se = jnp.sum(e, axis=1, keepdims=True)
    h_ref[...] = o
    ls_ref[...] = (o - m) - jnp.log(se)


def _out_call(s2, u2lo, u2hi, r2, b2):
    return pl.pallas_call(
        _out_body,
        grid=(N_NODES // BLKB,),
        in_specs=[
            pl.BlockSpec((NC, 2, BLKB, DHF), lambda i: (0, 0, i, 0)),
            pl.BlockSpec((BLKB, DHF), lambda i: (i, 0)),
            pl.BlockSpec((BLKB, DHF), lambda i: (i, 0)),
            pl.BlockSpec((BLKB, 1), lambda i: (i, 0)),
            pl.BlockSpec((1, D_OUT), lambda i: (0, 0)),
        ],
        out_specs=[
            pl.BlockSpec((BLKB, D_OUT), lambda i: (i, 0)),
            pl.BlockSpec((BLKB, D_OUT), lambda i: (i, 0)),
        ],
        out_shape=[
            jax.ShapeDtypeStruct((N_NODES, D_OUT), jnp.float32),
            jax.ShapeDtypeStruct((N_NODES, D_OUT), jnp.float32),
        ],
    )(s2, u2lo, u2hi, r2, b2)


def kernel(x, edge_index, W1, b1, W2, b2):
    f32 = jnp.float32
    src = edge_index[0]
    dst = edge_index[1]
    n_extra = N_PAD - N_NODES
    padi = N_NODES + (jnp.arange(E_PAD - N_EDGES, dtype=jnp.int32) % n_extra)
    srcp = jnp.concatenate([src, padi]).reshape(NW, N_CHUNKS, CHUNK)
    dstp = jnp.concatenate([dst, padi]).reshape(NW, N_CHUNKS, CHUNK)
    zeros1 = jnp.zeros((N_PAD,), f32)
    zeros2 = jnp.zeros((N_PAD, DHF), f32)

    degp = _deg_kernel()(dstp, zeros1)
    degt = degp.T
    xp = jnp.pad(x, ((0, n_extra), (0, 0)))
    r2, u1lo, u1hi = _prep_call(degt, xp)
    s1 = _agg_kernel()(u1lo, u1hi, srcp, dstp, zeros2)
    u2lo, u2hi = _layer_call(s1, u1lo, u1hi, r2, W1,
                             b1.reshape(1, D_H), W2)
    s2 = _agg_kernel()(u2lo, u2hi, srcp, dstp, zeros2)
    h, ls = _out_call(s2, u2lo, u2hi, r2, b2.reshape(1, D_OUT))
    return (h, ls)

# --- scband reference (transcript-rebuilt; emitter-appended) ---
"""Pipeline reference for scband-gcn-16965120819395 (READ-ONLY COPY).

The authoritative reference and input builder live on the scoring server;
editing this copy changes nothing except your own understanding.
"""

import jax, jax.numpy as jnp
import numpy as np

N_NODES = 10000
N_EDGES = 320000
DIM_IN = 128
DIM_H = 256
DIM_OUT = 128


def gcn_conv(x, edge_index, W, b):
    # Faithful GCNConv (Kipf & Welling, as in PyG defaults):
    # 1) linear transform, 2) add self-loops, 3) sym-normalized scatter-add, 4) bias
    n = x.shape[0]
    loop = jnp.arange(n, dtype=edge_index.dtype)
    src = jnp.concatenate([edge_index[0], loop])
    dst = jnp.concatenate([edge_index[1], loop])
    h = x @ W
    deg = jnp.zeros((n,), dtype=x.dtype).at[dst].add(1.0)
    deg_inv_sqrt = jnp.where(deg > 0, jax.lax.rsqrt(jnp.maximum(deg, 1e-12)), 0.0)
    norm = deg_inv_sqrt[src] * deg_inv_sqrt[dst]
    msg = h[src] * norm[:, None]
    out = jnp.zeros((n, W.shape[1]), dtype=x.dtype).at[dst].add(msg)
    return out + b


def setup_inputs(seed: int = 0) -> dict:
    key = jax.random.key(seed)
    k1, k2, k3, k4, k5, k6 = jax.random.split(key, 6)
    x = jax.random.normal(k1, (N_NODES, DIM_IN), dtype=jnp.float32)
    edge_index = jax.random.randint(k2, (2, N_EDGES), 0, N_NODES, dtype=jnp.int32)
    W1 = jax.random.normal(k3, (DIM_IN, DIM_H), dtype=jnp.float32) * 0.05
    b1 = jnp.zeros((DIM_H,), dtype=jnp.float32)
    W2 = jax.random.normal(k4, (DIM_H, DIM_OUT), dtype=jnp.float32) * 0.05
    b2 = jnp.zeros((DIM_OUT,), dtype=jnp.float32)
    return {"x": x, "edge_index": edge_index, "W1": W1, "b1": b1, "W2": W2, "b2": b2}


def reference(x, edge_index, W1, b1, W2, b2):
    # Eval mode: dropout(p=0.5) is identity when training=False
    h = gcn_conv(x, edge_index, W1, b1)
    h = jax.nn.relu(h)
    h = gcn_conv(h, edge_index, W2, b2)
    return (h, jax.nn.log_softmax(h, axis=1))

if __name__ == "__main__":
    import jax
    _d = setup_inputs()
    print(jax.jit(kernel)(*tuple(_d.values())))

</pallas_src>

<mosaic_0001>
#map = affine_map<(d0, d1) -> (0, 0)>
#map1 = affine_map<(d0, d1) -> (0, 0, 0)>
#map2 = affine_map<(d0, d1) -> (0, 0, 0, 0)>
module attributes {stable_mosaic.version = 14 : i64} {
  func.func @_agg_body(%arg0: i32, %arg1: i32, %arg2: memref<10240x64xf32, #tpu.memory_space<hbm>>, %arg3: memref<10240x64xf32, #tpu.memory_space<hbm>>, %arg4: memref<32x80x128xi32, #tpu.memory_space<hbm>>, %arg5: memref<32x80x128xi32, #tpu.memory_space<hbm>>, %arg6: memref<10240x64xf32, #tpu.memory_space<hbm>>, %arg7: memref<2x2x10240x64xf32, #tpu.memory_space<hbm>>, %arg8: memref<80x128xi32, #tpu.memory_space<vmem>>, %arg9: memref<80x128xi32, #tpu.memory_space<vmem>>, %arg10: memref<128x64xf32, #tpu.memory_space<vmem>>, %arg11: memref<128x64xf32, #tpu.memory_space<vmem>>, %arg12: memref<128x64xf32, #tpu.memory_space<vmem>>, %arg13: memref<128x64xf32, #tpu.memory_space<vmem>>, %arg14: memref<10240x64xf32, #tpu.memory_space<vmem_shared>>, %arg15: memref<!tpu.dma_semaphore, #tpu.memory_space<semaphore_mem>>, %arg16: memref<!tpu.dma_semaphore, #tpu.memory_space<semaphore_mem>>, %arg17: memref<!tpu.dma_semaphore, #tpu.memory_space<semaphore_mem>>, %arg18: memref<!tpu.dma_semaphore, #tpu.memory_space<semaphore_mem>>) attributes {dimension_semantics = [#tpu.dimension_semantics<core_parallel>, #tpu.dimension_semantics<subcore_parallel>], iteration_bounds = array<i64: 2, 16>, scalar_prefetch = 0 : i64, scratch_operands = 11 : i64, tpu.core_type = #tpu.core_type<sc_vector_subcore>, window_params = [{transform_indices = #map}, {transform_indices = #map}, {transform_indices = #map1}, {transform_indices = #map1}, {transform_indices = #map}, {transform_indices = #map2}]} {
    %mul3A = arith.constant 2 : i32
    %mul3A_0 = arith.muli %arg1, %mul3A : i32
    %add3A = arith.addi %mul3A_0, %arg0 : i32
    "tpu.region"() ({
      %run_scoped3A_85 = tpu.sem_alloc : memref<!tpu.dma_semaphore, #tpu.memory_space<semaphore_mem>>
      %dma_start3A_86 = arith.constant 0 : i32
      %dma_start3A_87 = arith.constant 0 : i32
      %dma_start3A_88 = tpu.memref_slice %arg4[%add3A, %dma_start3A_86, %dma_start3A_87] : memref<32x80x128xi32, #tpu.memory_space<hbm>> -> memref<1x80x128xi32, #tpu.memory_space<hbm>>
      %dma_start3A_89 = tpu.memref_squeeze %dma_start3A_88 : memref<1x80x128xi32, #tpu.memory_space<hbm>> -> memref<80x128xi32, #tpu.memory_space<hbm>>
      %dma_start3A_90 = arith.constant 0 : i32
      %dma_start3A_91 = arith.constant 0 : i32
      %dma_start3A_92 = tpu.memref_slice %arg4[%add3A, %dma_start3A_90, %dma_start3A_91] : memref<32x80x128xi32, #tpu.memory_space<hbm>> -> memref<1x80x128xi32, #tpu.memory_space<hbm>>
      %dma_start3A_93 = tpu.memref_squeeze %dma_start3A_92 : memref<1x80x128xi32, #tpu.memory_space<hbm>> -> memref<80x128xi32, #tpu.memory_space<hbm>>
      tpu.enqueue_dma source(%dma_start3A_93 : memref<80x128xi32, #tpu.memory_space<hbm>>) target(%arg8 : memref<80x128xi32, #tpu.memory_space<vmem>>) target_semaphore(%run_scoped3A_85 : memref<!tpu.dma_semaphore, #tpu.memory_space<semaphore_mem>>)
      %dma_wait3A = arith.constant 0 : i32
      %dma_wait3A_94 = arith.constant 0 : i32
      %dma_wait3A_95 = tpu.memref_slice %arg4[%add3A, %dma_wait3A, %dma_wait3A_94] : memref<32x80x128xi32, #tpu.memory_space<hbm>> -> memref<1x80x128xi32, #tpu.memory_space<hbm>>
      %dma_wait3A_96 = tpu.memref_squeeze %dma_wait3A_95 : memref<1x80x128xi32, #tpu.memory_space<hbm>> -> memref<80x128xi32, #tpu.memory_space<hbm>>
      %dma_wait3A_97 = arith.constant 0 : i32
      %dma_wait3A_98 = arith.constant 0 : i32
      %dma_wait3A_99 = tpu.memref_slice %arg4[%add3A, %dma_wait3A_97, %dma_wait3A_98] : memref<32x80x128xi32, #tpu.memory_space<hbm>> -> memref<1x80x128xi32, #tpu.memory_space<hbm>>
      %dma_wait3A_100 = tpu.memref_squeeze %dma_wait3A_99 : memref<1x80x128xi32, #tpu.memory_space<hbm>> -> memref<80x128xi32, #tpu.memory_space<hbm>>
      tpu.wait_dma2 semaphore(%run_scoped3A_85 : memref<!tpu.dma_semaphore, #tpu.memory_space<semaphore_mem>>) src(%dma_wait3A_100 : memref<80x128xi32, #tpu.memory_space<hbm>>) dst(%arg8 : memref<80x128xi32, #tpu.memory_space<vmem>>)
      tpu.yield
    }) : () -> ()
    "tpu.region"() ({
      %run_scoped3A_85 = tpu.sem_alloc : memref<!tpu.dma_semaphore, #tpu.memory_space<semaphore_mem>>
      %dma_start3A_86 = arith.constant 0 : i32
      %dma_start3A_87 = arith.constant 0 : i32
      %dma_start3A_88 = tpu.memref_slice %arg5[%add3A, %dma_start3A_86, %dma_start3A_87] : memref<32x80x128xi32, #tpu.memory_space<hbm>> -> memref<1x80x128xi32, #tpu.memory_space<hbm>>
      %dma_start3A_89 = tpu.memref_squeeze %dma_start3A_88 : memref<1x80x128xi32, #tpu.memory_space<hbm>> -> memref<80x128xi32, #tpu.memory_space<hbm>>
      %dma_start3A_90 = arith.constant 0 : i32
      %dma_start3A_91 = arith.constant 0 : i32
      %dma_start3A_92 = tpu.memref_slice %arg5[%add3A, %dma_start3A_90, %dma_start3A_91] : memref<32x80x128xi32, #tpu.memory_space<hbm>> -> memref<1x80x128xi32, #tpu.memory_space<hbm>>
      %dma_start3A_93 = tpu.memref_squeeze %dma_start3A_92 : memref<1x80x128xi32, #tpu.memory_space<hbm>> -> memref<80x128xi32, #tpu.memory_space<hbm>>
      tpu.enqueue_dma source(%dma_start3A_93 : memref<80x128xi32, #tpu.memory_space<hbm>>) target(%arg9 : memref<80x128xi32, #tpu.memory_space<vmem>>) target_semaphore(%run_scoped3A_85 : memref<!tpu.dma_semaphore, #tpu.memory_space<semaphore_mem>>)
      %dma_wait3A = arith.constant 0 : i32
      %dma_wait3A_94 = arith.constant 0 : i32
      %dma_wait3A_95 = tpu.memref_slice %arg5[%add3A, %dma_wait3A, %dma_wait3A_94] : memref<32x80x128xi32, #tpu.memory_space<hbm>> -> memref<1x80x128xi32, #tpu.memory_space<hbm>>
      %dma_wait3A_96 = tpu.memref_squeeze %dma_wait3A_95 : memref<1x80x128xi32, #tpu.memory_space<hbm>> -> memref<80x128xi32, #tpu.memory_space<hbm>>
      %dma_wait3A_97 = arith.constant 0 : i32
      %dma_wait3A_98 = arith.constant 0 : i32
      %dma_wait3A_99 = tpu.memref_slice %arg5[%add3A, %dma_wait3A_97, %dma_wait3A_98] : memref<32x80x128xi32, #tpu.memory_space<hbm>> -> memref<1x80x128xi32, #tpu.memory_space<hbm>>
      %dma_wait3A_100 = tpu.memref_squeeze %dma_wait3A_99 : memref<1x80x128xi32, #tpu.memory_space<hbm>> -> memref<80x128xi32, #tpu.memory_space<hbm>>
      tpu.wait_dma2 semaphore(%run_scoped3A_85 : memref<!tpu.dma_semaphore, #tpu.memory_space<semaphore_mem>>) src(%dma_wait3A_100 : memref<80x128xi32, #tpu.memory_space<hbm>>) dst(%arg9 : memref<80x128xi32, #tpu.memory_space<vmem>>)
      tpu.yield
    }) : () -> ()
    %mul3A_1 = arith.constant 640 : i32
    %mul3A_2 = arith.muli %arg1, %mul3A_1 : i32
    %mul3A_3 = arith.constant 640 : i32
    %mul3A_4 = arith.muli %arg1, %mul3A_3 : i32
    "tpu.region"() ({
      %run_scoped3A_85 = tpu.sem_alloc : memref<!tpu.dma_semaphore, #tpu.memory_space<semaphore_mem>>
      %dma_start3A_86 = arith.constant 0 : i32
      %dma_start3A_87 = tpu.memref_slice %arg14[%mul3A_4, %dma_start3A_86] : memref<10240x64xf32, #tpu.memory_space<vmem_shared>> -> memref<640x64xf32, #tpu.memory_space<vmem_shared>>
      %dma_start3A_88 = arith.constant 0 : i32
      %dma_start3A_89 = tpu.memref_slice %arg6[%mul3A_2, %dma_start3A_88] : memref<10240x64xf32, #tpu.memory_space<hbm>> -> memref<640x64xf32, #tpu.memory_space<hbm>>
      tpu.enqueue_dma source(%dma_start3A_89 : memref<640x64xf32, #tpu.memory_space<hbm>>) target(%dma_start3A_87 : memref<640x64xf32, #tpu.memory_space<vmem_shared>>) target_semaphore(%run_scoped3A_85 : memref<!tpu.dma_semaphore, #tpu.memory_space<semaphore_mem>>)
      %dma_wait3A = arith.constant 0 : i32
      %dma_wait3A_90 = tpu.memref_slice %arg14[%mul3A_4, %dma_wait3A] : memref<10240x64xf32, #tpu.memory_space<vmem_shared>> -> memref<640x64xf32, #tpu.memory_space<vmem_shared>>
      %dma_wait3A_91 = arith.constant 0 : i32
      %dma_wait3A_92 = tpu.memref_slice %arg6[%mul3A_2, %dma_wait3A_91] : memref<10240x64xf32, #tpu.memory_space<hbm>> -> memref<640x64xf32, #tpu.memory_space<hbm>>
      tpu.wait_dma2 semaphore(%run_scoped3A_85 : memref<!tpu.dma_semaphore, #tpu.memory_space<semaphore_mem>>) src(%dma_wait3A_92 : memref<640x64xf32, #tpu.memory_space<hbm>>) dst(%dma_wait3A_90 : memref<640x64xf32, #tpu.memory_space<vmem_shared>>)
      tpu.yield
    }) : () -> ()
    %barrier3A = arith.constant 0 : index
    tpu.barrier barrier_id(%barrier3A)
    %dma_start3A = arith.constant 0 : i32
    %dma_start3A_5 = arith.constant 0 : i32
    %dma_start3A_6 = tpu.memref_slice %arg8[%dma_start3A, %dma_start3A_5] : memref<80x128xi32, #tpu.memory_space<vmem>> -> memref<1x128xi32, #tpu.memory_space<vmem>>
    %dma_start3A_7 = tpu.memref_squeeze %dma_start3A_6 : memref<1x128xi32, #tpu.memory_space<vmem>> -> memref<128xi32, #tpu.memory_space<vmem>>
    %dma_start3A_8 = arith.constant 0 : i32
    %dma_start3A_9 = arith.constant 0 : i32
    %dma_start3A_10 = tpu.memref_slice %arg2[%dma_start3A_8, %dma_start3A_9] : memref<10240x64xf32, #tpu.memory_space<hbm>> -> memref<10240x64xf32, #tpu.memory_space<hbm>>
    tpu.enqueue_indirect_dma source(%dma_start3A_10 : memref<10240x64xf32, #tpu.memory_space<hbm>>) target(%arg10 : memref<128x64xf32, #tpu.memory_space<vmem>>) offsets(%dma_start3A_7 : memref<128xi32, #tpu.memory_space<vmem>>) semaphore(%arg15 : memref<!tpu.dma_semaphore, #tpu.memory_space<semaphore_mem>>)
    %dma_start3A_11 = arith.constant 1 : i32
    %dma_start3A_12 = arith.constant 0 : i32
    %dma_start3A_13 = tpu.memref_slice %arg8[%dma_start3A_11, %dma_start3A_12] : memref<80x128xi32, #tpu.memory_space<vmem>> -> memref<1x128xi32, #tpu.memory_space<vmem>>
    %dma_start3A_14 = tpu.memref_squeeze %dma_start3A_13 : memref<1x128xi32, #tpu.memory_space<vmem>> -> memref<128xi32, #tpu.memory_space<vmem>>
    %dma_start3A_15 = arith.constant 0 : i32
    %dma_start3A_16 = arith.constant 0 : i32
    %dma_start3A_17 = tpu.memref_slice %arg2[%dma_start3A_15, %dma_start3A_16] : memref<10240x64xf32, #tpu.memory_space<hbm>> -> memref<10240x64xf32, #tpu.memory_space<hbm>>
    tpu.enqueue_indirect_dma source(%dma_start3A_17 : memref<10240x64xf32, #tpu.memory_space<hbm>>) target(%arg11 : memref<128x64xf32, #tpu.memory_space<vmem>>) offsets(%dma_start3A_14 : memref<128xi32, #tpu.memory_space<vmem>>) semaphore(%arg16 : memref<!tpu.dma_semaphore, #tpu.memory_space<semaphore_mem>>)
    %dma_start3A_18 = arith.constant 2 : i32
    %dma_start3A_19 = arith.constant 0 : i32
    %dma_start3A_20 = tpu.memref_slice %arg8[%dma_start3A_18, %dma_start3A_19] : memref<80x128xi32, #tpu.memory_space<vmem>> -> memref<1x128xi32, #tpu.memory_space<vmem>>
    %dma_start3A_21 = tpu.memref_squeeze %dma_start3A_20 : memref<1x128xi32, #tpu.memory_space<vmem>> -> memref<128xi32, #tpu.memory_space<vmem>>
    %dma_start3A_22 = arith.constant 0 : i32
    %dma_start3A_23 = arith.constant 0 : i32
    %dma_start3A_24 = tpu.memref_slice %arg2[%dma_start3A_22, %dma_start3A_23] : memref<10240x64xf32, #tpu.memory_space<hbm>> -> memref<10240x64xf32, #tpu.memory_space<hbm>>
    tpu.enqueue_indirect_dma source(%dma_start3A_24 : memref<10240x64xf32, #tpu.memory_space<hbm>>) target(%arg12 : memref<128x64xf32, #tpu.memory_space<vmem>>) offsets(%dma_start3A_21 : memref<128xi32, #tpu.memory_space<vmem>>) semaphore(%arg17 : memref<!tpu.dma_semaphore, #tpu.memory_space<semaphore_mem>>)
    %dma_start3A_25 = arith.constant 3 : i32
    %dma_start3A_26 = arith.constant 0 : i32
    %dma_start3A_27 = tpu.memref_slice %arg8[%dma_start3A_25, %dma_start3A_26] : memref<80x128xi32, #tpu.memory_space<vmem>> -> memref<1x128xi32, #tpu.memory_space<vmem>>
    %dma_start3A_28 = tpu.memref_squeeze %dma_start3A_27 : memref<1x128xi32, #tpu.memory_space<vmem>> -> memref<128xi32, #tpu.memory_space<vmem>>
    %dma_start3A_29 = arith.constant 0 : i32
    %dma_start3A_30 = arith.constant 0 : i32
    %dma_start3A_31 = tpu.memref_slice %arg2[%dma_start3A_29, %dma_start3A_30] : memref<10240x64xf32, #tpu.memory_space<hbm>> -> memref<10240x64xf32, #tpu.memory_space<hbm>>
    tpu.enqueue_indirect_dma source(%dma_start3A_31 : memref<10240x64xf32, #tpu.memory_space<hbm>>) target(%arg13 : memref<128x64xf32, #tpu.memory_space<vmem>>) offsets(%dma_start3A_28 : memref<128xi32, #tpu.memory_space<vmem>>) semaphore(%arg18 : memref<!tpu.dma_semaphore, #tpu.memory_space<semaphore_mem>>)
    %scan3A = arith.constant 0 : i32
    %scan3A_32 = arith.constant 20 : i32
    %scan3A_33 = arith.addi %scan3A, %scan3A_32 : i32
    %scan3A_34 = arith.constant 1 : i32
    scf.for %scan3A_85 = %scan3A to %scan3A_33 step %scan3A_34  : i32 {
      %mul3A_86 = arith.constant 4 : i32
      %mul3A_87 = arith.muli %scan3A_85, %mul3A_86 : i32
      %add3A_88 = arith.constant 0 : i32
      %add3A_89 = arith.addi %add3A_88, %mul3A_87 : i32
      %add3A_90 = arith.constant 0 : i32
      %add3A_91 = arith.addi %add3A_89, %add3A_90 : i32
      %dma_wait3A = arith.constant 0 : i32
      %dma_wait3A_92 = tpu.memref_slice %arg8[%add3A_91, %dma_wait3A] : memref<80x128xi32, #tpu.memory_space<vmem>> -> memref<1x128xi32, #tpu.memory_space<vmem>>
      %dma_wait3A_93 = tpu.memref_squeeze %dma_wait3A_92 : memref<1x128xi32, #tpu.memory_space<vmem>> -> memref<128xi32, #tpu.memory_space<vmem>>
      %dma_wait3A_94 = arith.constant 0 : i32
      %dma_wait3A_95 = arith.constant 0 : i32
      %dma_wait3A_96 = tpu.memref_slice %arg2[%dma_wait3A_94, %dma_wait3A_95] : memref<10240x64xf32, #tpu.memory_space<hbm>> -> memref<10240x64xf32, #tpu.memory_space<hbm>>
      tpu.wait_indirect_dma semaphore(%arg15 : memref<!tpu.dma_semaphore, #tpu.memory_space<semaphore_mem>>) src(%dma_wait3A_96 : memref<10240x64xf32, #tpu.memory_space<hbm>>) dst(%arg10 : memref<128x64xf32, #tpu.memory_space<vmem>>)
      "tpu.region"() ({
        %run_scoped3A_146 = tpu.sem_alloc : memref<!tpu.dma_semaphore, #tpu.memory_space<semaphore_mem>>
        %dma_start3A_147 = arith.constant 0 : i32
        %dma_start3A_148 = tpu.memref_slice %arg9[%add3A_91, %dma_start3A_147] : memref<80x128xi32, #tpu.memory_space<vmem>> -> memref<1x128xi32, #tpu.memory_space<vmem>>
        %dma_start3A_149 = tpu.memref_squeeze %dma_start3A_148 : memref<1x128xi32, #tpu.memory_space<vmem>> -> memref<128xi32, #tpu.memory_space<vmem>>
        %dma_start3A_150 = arith.constant 0 : i32
        %dma_start3A_151 = arith.constant 0 : i32
        %dma_start3A_152 = tpu.memref_slice %arg14[%dma_start3A_150, %dma_start3A_151] : memref<10240x64xf32, #tpu.memory_space<vmem_shared>> -> memref<10240x64xf32, #tpu.memory_space<vmem_shared>>
        tpu.enqueue_indirect_dma source(%arg10 : memref<128x64xf32, #tpu.memory_space<vmem>>) target(%dma_start3A_152 : memref<10240x64xf32, #tpu.memory_space<vmem_shared>>) offsets(%dma_start3A_149 : memref<128xi32, #tpu.memory_space<vmem>>) semaphore(%run_scoped3A_146 : memref<!tpu.dma_semaphore, #tpu.memory_space<semaphore_mem>>) {add = true}
        %dma_wait3A_153 = arith.constant 0 : i32
        %dma_wait3A_154 = tpu.memref_slice %arg9[%add3A_91, %dma_wait3A_153] : memref<80x128xi32, #tpu.memory_space<vmem>> -> memref<1x128xi32, #tpu.memory_space<vmem>>
        %dma_wait3A_155 = tpu.memref_squeeze %dma_wait3A_154 : memref<1x128xi32, #tpu.memory_space<vmem>> -> memref<128xi32, #tpu.memory_space<vmem>>
        %dma_wait3A_156 = arith.constant 0 : i32
        %dma_wait3A_157 = arith.constant 0 : i32
        %dma_wait3A_158 = tpu.memref_slice %arg14[%dma_wait3A_156, %dma_wait3A_157] : memref<10240x64xf32, #tpu.memory_space<vmem_shared>> -> memref<10240x64xf32, #tpu.memory_space<vmem_shared>>
        tpu.wait_indirect_dma semaphore(%run_scoped3A_146 : memref<!tpu.dma_semaphore, #tpu.memory_space<semaphore_mem>>) src(%arg10 : memref<128x64xf32, #tpu.memory_space<vmem>>) dst(%dma_wait3A_158 : memref<10240x64xf32, #tpu.memory_space<vmem_shared>>)
        tpu.yield
      }) : () -> ()
      %add3A_97 = arith.constant 4 : i32
      %add3A_98 = arith.addi %add3A_91, %add3A_97 : i32
      %lt3A = arith.constant 80 : i32
      %lt3A_99 = arith.cmpi slt, %add3A_98, %lt3A : i32
      %convert_element_type3A = arith.extui %lt3A_99 : i1 to i32
      %cond3A = arith.constant 0 : i32
      %cond3A_100 = arith.cmpi ne, %convert_element_type3A, %cond3A : i32
      scf.if %cond3A_100 {
        %dma_start3A_146 = arith.constant 0 : i32
        %dma_start3A_147 = tpu.memref_slice %arg8[%add3A_98, %dma_start3A_146] : memref<80x128xi32, #tpu.memory_space<vmem>> -> memref<1x128xi32, #tpu.memory_space<vmem>>
        %dma_start3A_148 = tpu.memref_squeeze %dma_start3A_147 : memref<1x128xi32, #tpu.memory_space<vmem>> -> memref<128xi32, #tpu.memory_space<vmem>>
        %dma_start3A_149 = arith.constant 0 : i32
        %dma_start3A_150 = arith.constant 0 : i32
        %dma_start3A_151 = tpu.memref_slice %arg2[%dma_start3A_149, %dma_start3A_150] : memref<10240x64xf32, #tpu.memory_space<hbm>> -> memref<10240x64xf32, #tpu.memory_space<hbm>>
        tpu.enqueue_indirect_dma source(%dma_start3A_151 : memref<10240x64xf32, #tpu.memory_space<hbm>>) target(%arg10 : memref<128x64xf32, #tpu.memory_space<vmem>>) offsets(%dma_start3A_148 : memref<128xi32, #tpu.memory_space<vmem>>) semaphore(%arg15 : memref<!tpu.dma_semaphore, #tpu.memory_space<semaphore_mem>>)
      } else {
      }
      %add3A_101 = arith.constant 1 : i32
      %add3A_102 = arith.addi %add3A_89, %add3A_101 : i32
      %dma_wait3A_103 = arith.constant 0 : i32
      %dma_wait3A_104 = tpu.memref_slice %arg8[%add3A_102, %dma_wait3A_103] : memref<80x128xi32, #tpu.memory_space<vmem>> -> memref<1x128xi32, #tpu.memory_space<vmem>>
      %dma_wait3A_105 = tpu.memref_squeeze %dma_wait3A_104 : memref<1x128xi32, #tpu.memory_space<vmem>> -> memref<128xi32, #tpu.memory_space<vmem>>
      %dma_wait3A_106 = arith.constant 0 : i32
      %dma_wait3A_107 = arith.constant 0 : i32
      %dma_wait3A_108 = tpu.memref_slice %arg2[%dma_wait3A_106, %dma_wait3A_107] : memref<10240x64xf32, #tpu.memory_space<hbm>> -> memref<10240x64xf32, #tpu.memory_space<hbm>>
      tpu.wait_indirect_dma semaphore(%arg16 : memref<!tpu.dma_semaphore, #tpu.memory_space<semaphore_mem>>) src(%dma_wait3A_108 : memref<10240x64xf32, #tpu.memory_space<hbm>>) dst(%arg11 : memref<128x64xf32, #tpu.memory_space<vmem>>)
      "tpu.region"() ({
        %run_scoped3A_146 = tpu.sem_alloc : memref<!tpu.dma_semaphore, #tpu.memory_space<semaphore_mem>>
        %dma_start3A_147 = arith.constant 0 : i32
        %dma_start3A_148 = tpu.memref_slice %arg9[%add3A_102, %dma_start3A_147] : memref<80x128xi32, #tpu.memory_space<vmem>> -> memref<1x128xi32, #tpu.memory_space<vmem>>
        %dma_start3A_149 = tpu.memref_squeeze %dma_start3A_148 : memref<1x128xi32, #tpu.memory_space<vmem>> -> memref<128xi32, #tpu.memory_space<vmem>>
        %dma_start3A_150 = arith.constant 0 : i32
        %dma_start3A_151 = arith.constant 0 : i32
        %dma_start3A_152 = tpu.memref_slice %arg14[%dma_start3A_150, %dma_start3A_151] : memref<10240x64xf32, #tpu.memory_space<vmem_shared>> -> memref<10240x64xf32, #tpu.memory_space<vmem_shared>>
        tpu.enqueue_indirect_dma source(%arg11 : memref<128x64xf32, #tpu.memory_space<vmem>>) target(%dma_start3A_152 : memref<10240x64xf32, #tpu.memory_space<vmem_shared>>) offsets(%dma_start3A_149 : memref<128xi32, #tpu.memory_space<vmem>>) semaphore(%run_scoped3A_146 : memref<!tpu.dma_semaphore, #tpu.memory_space<semaphore_mem>>) {add = true}
        %dma_wait3A_153 = arith.constant 0 : i32
        %dma_wait3A_154 = tpu.memref_slice %arg9[%add3A_102, %dma_wait3A_153] : memref<80x128xi32, #tpu.memory_space<vmem>> -> memref<1x128xi32, #tpu.memory_space<vmem>>
        %dma_wait3A_155 = tpu.memref_squeeze %dma_wait3A_154 : memref<1x128xi32, #tpu.memory_space<vmem>> -> memref<128xi32, #tpu.memory_space<vmem>>
        %dma_wait3A_156 = arith.constant 0 : i32
        %dma_wait3A_157 = arith.constant 0 : i32
        %dma_wait3A_158 = tpu.memref_slice %arg14[%dma_wait3A_156, %dma_wait3A_157] : memref<10240x64xf32, #tpu.memory_space<vmem_shared>> -> memref<10240x64xf32, #tpu.memory_space<vmem_shared>>
        tpu.wait_indirect_dma semaphore(%run_scoped3A_146 : memref<!tpu.dma_semaphore, #tpu.memory_space<semaphore_mem>>) src(%arg11 : memref<128x64xf32, #tpu.memory_space<vmem>>) dst(%dma_wait3A_158 : memref<10240x64xf32, #tpu.memory_space<vmem_shared>>)
        tpu.yield
      }) : () -> ()
      %add3A_109 = arith.constant 4 : i32
      %add3A_110 = arith.addi %add3A_102, %add3A_109 : i32
      %lt3A_111 = arith.constant 80 : i32
      %lt3A_112 = arith.cmpi slt, %add3A_110, %lt3A_111 : i32
      %convert_element_type3A_113 = arith.extui %lt3A_112 : i1 to i32
      %cond3A_114 = arith.constant 0 : i32
      %cond3A_115 = arith.cmpi ne, %convert_element_type3A_113, %cond3A_114 : i32
      scf.if %cond3A_115 {
        %dma_start3A_146 = arith.constant 0 : i32
        %dma_start3A_147 = tpu.memref_slice %arg8[%add3A_110, %dma_start3A_146] : memref<80x128xi32, #tpu.memory_space<vmem>> -> memref<1x128xi32, #tpu.memory_space<vmem>>
        %dma_start3A_148 = tpu.memref_squeeze %dma_start3A_147 : memref<1x128xi32, #tpu.memory_space<vmem>> -> memref<128xi32, #tpu.memory_space<vmem>>
        %dma_start3A_149 = arith.constant 0 : i32
        %dma_start3A_150 = arith.constant 0 : i32
        %dma_start3A_151 = tpu.memref_slice %arg2[%dma_start3A_149, %dma_start3A_150] : memref<10240x64xf32, #tpu.memory_space<hbm>> -> memref<10240x64xf32, #tpu.memory_space<hbm>>
        tpu.enqueue_indirect_dma source(%dma_start3A_151 : memref<10240x64xf32, #tpu.memory_space<hbm>>) target(%arg11 : memref<128x64xf32, #tpu.memory_space<vmem>>) offsets(%dma_start3A_148 : memref<128xi32, #tpu.memory_space<vmem>>) semaphore(%arg16 : memref<!tpu.dma_semaphore, #tpu.memory_space<semaphore_mem>>)
      } else {
      }
      %add3A_116 = arith.constant 2 : i32
      %add3A_117 = arith.addi %add3A_89, %add3A_116 : i32
      %dma_wait3A_118 = arith.constant 0 : i32
      %dma_wait3A_119 = tpu.memref_slice %arg8[%add3A_117, %dma_wait3A_118] : memref<80x128xi32, #tpu.memory_space<vmem>> -> memref<1x128xi32, #tpu.memory_space<vmem>>
      %dma_wait3A_120 = tpu.memref_squeeze %dma_wait3A_119 : memref<1x128xi32, #tpu.memory_space<vmem>> -> memref<128xi32, #tpu.memory_space<vmem>>
      %dma_wait3A_121 = arith.constant 0 : i32
      %dma_wait3A_122 = arith.constant 0 : i32
      %dma_wait3A_123 = tpu.memref_slice %arg2[%dma_wait3A_121, %dma_wait3A_122] : memref<10240x64xf32, #tpu.memory_space<hbm>> -> memref<10240x64xf32, #tpu.memory_space<hbm>>
      tpu.wait_indirect_dma semaphore(%arg17 : memref<!tpu.dma_semaphore, #tpu.memory_space<semaphore_mem>>) src(%dma_wait3A_123 : memref<10240x64xf32, #tpu.memory_space<hbm>>) dst(%arg12 : memref<128x64xf32, #tpu.memory_space<vmem>>)
      "tpu.region"() ({
        %run_scoped3A_146 = tpu.sem_alloc : memref<!tpu.dma_semaphore, #tpu.memory_space<semaphore_mem>>
        %dma_start3A_147 = arith.constant 0 : i32
        %dma_start3A_148 = tpu.memref_slice %arg9[%add3A_117, %dma_start3A_147] : memref<80x128xi32, #tpu.memory_space<vmem>> -> memref<1x128xi32, #tpu.memory_space<vmem>>
        %dma_start3A_149 = tpu.memref_squeeze %dma_start3A_148 : memref<1x128xi32, #tpu.memory_space<vmem>> -> memref<128xi32, #tpu.memory_space<vmem>>
        %dma_start3A_150 = arith.constant 0 : i32
        %dma_start3A_151 = arith.constant 0 : i32
        %dma_start3A_152 = tpu.memref_slice %arg14[%dma_start3A_150, %dma_start3A_151] : memref<10240x64xf32, #tpu.memory_space<vmem_shared>> -> memref<10240x64xf32, #tpu.memory_space<vmem_shared>>
        tpu.enqueue_indirect_dma source(%arg12 : memref<128x64xf32, #tpu.memory_space<vmem>>) target(%dma_start3A_152 : memref<10240x64xf32, #tpu.memory_space<vmem_shared>>) offsets(%dma_start3A_149 : memref<128xi32, #tpu.memory_space<vmem>>) semaphore(%run_scoped3A_146 : memref<!tpu.dma_semaphore, #tpu.memory_space<semaphore_mem>>) {add = true}
        %dma_wait3A_153 = arith.constant 0 : i32
        %dma_wait3A_154 = tpu.memref_slice %arg9[%add3A_117, %dma_wait3A_153] : memref<80x128xi32, #tpu.memory_space<vmem>> -> memref<1x128xi32, #tpu.memory_space<vmem>>
        %dma_wait3A_155 = tpu.memref_squeeze %dma_wait3A_154 : memref<1x128xi32, #tpu.memory_space<vmem>> -> memref<128xi32, #tpu.memory_space<vmem>>
        %dma_wait3A_156 = arith.constant 0 : i32
        %dma_wait3A_157 = arith.constant 0 : i32
        %dma_wait3A_158 = tpu.memref_slice %arg14[%dma_wait3A_156, %dma_wait3A_157] : memref<10240x64xf32, #tpu.memory_space<vmem_shared>> -> memref<10240x64xf32, #tpu.memory_space<vmem_shared>>
        tpu.wait_indirect_dma semaphore(%run_scoped3A_146 : memref<!tpu.dma_semaphore, #tpu.memory_space<semaphore_mem>>) src(%arg12 : memref<128x64xf32, #tpu.memory_space<vmem>>) dst(%dma_wait3A_158 : memref<10240x64xf32, #tpu.memory_space<vmem_shared>>)
        tpu.yield
      }) : () -> ()
      %add3A_124 = arith.constant 4 : i32
      %add3A_125 = arith.addi %add3A_117, %add3A_124 : i32
      %lt3A_126 = arith.constant 80 : i32
      %lt3A_127 = arith.cmpi slt, %add3A_125, %lt3A_126 : i32
      %convert_element_type3A_128 = arith.extui %lt3A_127 : i1 to i32
      %cond3A_129 = arith.constant 0 : i32
      %cond3A_130 = arith.cmpi ne, %convert_element_type3A_128, %cond3A_129 : i32
      scf.if %cond3A_130 {
        %dma_start3A_146 = arith.constant 0 : i32
        %dma_start3A_147 = tpu.memref_slice %arg8[%add3A_125, %dma_start3A_146] : memref<80x128xi32, #tpu.memory_space<vmem>> -> memref<1x128xi32, #tpu.memory_space<vmem>>
        %dma_start3A_148 = tpu.memref_squeeze %dma_start3A_147 : memref<1x128xi32, #tpu.memory_space<vmem>> -> memref<128xi32, #tpu.memory_space<vmem>>
        %dma_start3A_149 = arith.constant 0 : i32
        %dma_start3A_150 = arith.constant 0 : i32
        %dma_start3A_151 = tpu.memref_slice %arg2[%dma_start3A_149, %dma_start3A_150] : memref<10240x64xf32, #tpu.memory_space<hbm>> -> memref<10240x64xf32, #tpu.memory_space<hbm>>
        tpu.enqueue_indirect_dma source(%dma_start3A_151 : memref<10240x64xf32, #tpu.memory_space<hbm>>) target(%arg12 : memref<128x64xf32, #tpu.memory_space<vmem>>) offsets(%dma_start3A_148 : memref<128xi32, #tpu.memory_space<vmem>>) semaphore(%arg17 : memref<!tpu.dma_semaphore, #tpu.memory_space<semaphore_mem>>)
      } else {
      }
      %add3A_131 = arith.constant 3 : i32
      %add3A_132 = arith.addi %add3A_89, %add3A_131 : i32
      %dma_wait3A_133 = arith.constant 0 : i32
      %dma_wait3A_134 = tpu.memref_slice %arg8[%add3A_132, %dma_wait3A_133] : memref<80x128xi32, #tpu.memory_space<vmem>> -> memref<1x128xi32, #tpu.memory_space<vmem>>
      %dma_wait3A_135 = tpu.memref_squeeze %dma_wait3A_134 : memref<1x128xi32, #tpu.memory_space<vmem>> -> memref<128xi32, #tpu.memory_space<vmem>>
      %dma_wait3A_136 = arith.constant 0 : i32
      %dma_wait3A_137 = arith.constant 0 : i32
      %dma_wait3A_138 = tpu.memref_slice %arg2[%dma_wait3A_136, %dma_wait3A_137] : memref<10240x64xf32, #tpu.memory_space<hbm>> -> memref<10240x64xf32, #tpu.memory_space<hbm>>
      tpu.wait_indirect_dma semaphore(%arg18 : memref<!tpu.dma_semaphore, #tpu.memory_space<semaphore_mem>>) src(%dma_wait3A_138 : memref<10240x64xf32, #tpu.memory_space<hbm>>) dst(%arg13 : memref<128x64xf32, #tpu.memory_space<vmem>>)
      "tpu.region"() ({
        %run_scoped3A_146 = tpu.sem_alloc : memref<!tpu.dma_semaphore, #tpu.memory_space<semaphore_mem>>
        %dma_start3A_147 = arith.constant 0 : i32
        %dma_start3A_148 = tpu.memref_slice %arg9[%add3A_132, %dma_start3A_147] : memref<80x128xi32, #tpu.memory_space<vmem>> -> memref<1x128xi32, #tpu.memory_space<vmem>>
        %dma_start3A_149 = tpu.memref_squeeze %dma_start3A_148 : memref<1x128xi32, #tpu.memory_space<vmem>> -> memref<128xi32, #tpu.memory_space<vmem>>
        %dma_start3A_150 = arith.constant 0 : i32
        %dma_start3A_151 = arith.constant 0 : i32
        %dma_start3A_152 = tpu.memref_slice %arg14[%dma_start3A_150, %dma_start3A_151] : memref<10240x64xf32, #tpu.memory_space<vmem_shared>> -> memref<10240x64xf32, #tpu.memory_space<vmem_shared>>
        tpu.enqueue_indirect_dma source(%arg13 : memref<128x64xf32, #tpu.memory_space<vmem>>) target(%dma_start3A_152 : memref<10240x64xf32, #tpu.memory_space<vmem_shared>>) offsets(%dma_start3A_149 : memref<128xi32, #tpu.memory_space<vmem>>) semaphore(%run_scoped3A_146 : memref<!tpu.dma_semaphore, #tpu.memory_space<semaphore_mem>>) {add = true}
        %dma_wait3A_153 = arith.constant 0 : i32
        %dma_wait3A_154 = tpu.memref_slice %arg9[%add3A_132, %dma_wait3A_153] : memref<80x128xi32, #tpu.memory_space<vmem>> -> memref<1x128xi32, #tpu.memory_space<vmem>>
        %dma_wait3A_155 = tpu.memref_squeeze %dma_wait3A_154 : memref<1x128xi32, #tpu.memory_space<vmem>> -> memref<128xi32, #tpu.memory_space<vmem>>
        %dma_wait3A_156 = arith.constant 0 : i32
        %dma_wait3A_157 = arith.constant 0 : i32
        %dma_wait3A_158 = tpu.memref_slice %arg14[%dma_wait3A_156, %dma_wait3A_157] : memref<10240x64xf32, #tpu.memory_space<vmem_shared>> -> memref<10240x64xf32, #tpu.memory_space<vmem_shared>>
        tpu.wait_indirect_dma semaphore(%run_scoped3A_146 : memref<!tpu.dma_semaphore, #tpu.memory_space<semaphore_mem>>) src(%arg13 : memref<128x64xf32, #tpu.memory_space<vmem>>) dst(%dma_wait3A_158 : memref<10240x64xf32, #tpu.memory_space<vmem_shared>>)
        tpu.yield
      }) : () -> ()
      %add3A_139 = arith.constant 4 : i32
      %add3A_140 = arith.addi %add3A_132, %add3A_139 : i32
      %lt3A_141 = arith.constant 80 : i32
      %lt3A_142 = arith.cmpi slt, %add3A_140, %lt3A_141 : i32
      %convert_element_type3A_143 = arith.extui %lt3A_142 : i1 to i32
      %cond3A_144 = arith.constant 0 : i32
      %cond3A_145 = arith.cmpi ne, %convert_element_type3A_143, %cond3A_144 : i32
      scf.if %cond3A_145 {
        %dma_start3A_146 = arith.constant 0 : i32
        %dma_start3A_147 = tpu.memref_slice %arg8[%add3A_140, %dma_start3A_146] : memref<80x128xi32, #tpu.memory_space<vmem>> -> memref<1x128xi32, #tpu.memory_space<vmem>>
        %dma_start3A_148 = tpu.memref_squeeze %dma_start3A_147 : memref<1x128xi32, #tpu.memory_space<vmem>> -> memref<128xi32, #tpu.memory_space<vmem>>
        %dma_start3A_149 = arith.constant 0 : i32
        %dma_start3A_150 = arith.constant 0 : i32
        %dma_start3A_151 = tpu.memref_slice %arg2[%dma_start3A_149, %dma_start3A_150] : memref<10240x64xf32, #tpu.memory_space<hbm>> -> memref<10240x64xf32, #tpu.memory_space<hbm>>
        tpu.enqueue_indirect_dma source(%dma_start3A_151 : memref<10240x64xf32, #tpu.memory_space<hbm>>) target(%arg13 : memref<128x64xf32, #tpu.memory_space<vmem>>) offsets(%dma_start3A_148 : memref<128xi32, #tpu.memory_space<vmem>>) semaphore(%arg18 : memref<!tpu.dma_semaphore, #tpu.memory_space<semaphore_mem>>)
      } else {
      }
    }
    %scan3A_35 = arith.constant 20 : i32
    %barrier3A_36 = arith.constant 0 : index
    tpu.barrier barrier_id(%barrier3A_36)
    %mul3A_37 = arith.constant 640 : i32
    %mul3A_38 = arith.muli %arg1, %mul3A_37 : i32
    %mul3A_39 = arith.constant 640 : i32
    %mul3A_40 = arith.muli %arg1, %mul3A_39 : i32
    %run_scoped3A = arith.constant 0 : i32
    "tpu.region"() ({
      %run_scoped3A_85 = tpu.sem_alloc : memref<!tpu.dma_semaphore, #tpu.memory_space<semaphore_mem>>
      %dma_start3A_86 = arith.constant 0 : i32
      %dma_start3A_87 = tpu.memref_slice %arg7[%arg0, %run_scoped3A, %mul3A_40, %dma_start3A_86] : memref<2x2x10240x64xf32, #tpu.memory_space<hbm>> -> memref<1x1x640x64xf32, #tpu.memory_space<hbm>>
      %dma_start3A_88 = tpu.memref_squeeze %dma_start3A_87 : memref<1x1x640x64xf32, #tpu.memory_space<hbm>> -> memref<640x64xf32, #tpu.memory_space<hbm>>
      %dma_start3A_89 = arith.constant 0 : i32
      %dma_start3A_90 = tpu.memref_slice %arg14[%mul3A_38, %dma_start3A_89] : memref<10240x64xf32, #tpu.memory_space<vmem_shared>> -> memref<640x64xf32, #tpu.memory_space<vmem_shared>>
      tpu.enqueue_dma source(%dma_start3A_90 : memref<640x64xf32, #tpu.memory_space<vmem_shared>>) target(%dma_start3A_88 : memref<640x64xf32, #tpu.memory_space<hbm>>) target_semaphore(%run_scoped3A_85 : memref<!tpu.dma_semaphore, #tpu.memory_space<semaphore_mem>>)
      %dma_wait3A = arith.constant 0 : i32
      %dma_wait3A_91 = tpu.memref_slice %arg7[%arg0, %run_scoped3A, %mul3A_40, %dma_wait3A] : memref<2x2x10240x64xf32, #tpu.memory_space<hbm>> -> memref<1x1x640x64xf32, #tpu.memory_space<hbm>>
      %dma_wait3A_92 = tpu.memref_squeeze %dma_wait3A_91 : memref<1x1x640x64xf32, #tpu.memory_space<hbm>> -> memref<640x64xf32, #tpu.memory_space<hbm>>
      %dma_wait3A_93 = arith.constant 0 : i32
      %dma_wait3A_94 = tpu.memref_slice %arg14[%mul3A_38, %dma_wait3A_93] : memref<10240x64xf32, #tpu.memory_space<vmem_shared>> -> memref<640x64xf32, #tpu.memory_space<vmem_shared>>
      tpu.wait_dma2 semaphore(%run_scoped3A_85 : memref<!tpu.dma_semaphore, #tpu.memory_space<semaphore_mem>>) src(%dma_wait3A_94 : memref<640x64xf32, #tpu.memory_space<vmem_shared>>) dst(%dma_wait3A_92 : memref<640x64xf32, #tpu.memory_space<hbm>>)
      tpu.yield
    }) : () -> ()
    %mul3A_41 = arith.constant 640 : i32
    %mul3A_42 = arith.muli %arg1, %mul3A_41 : i32
    %mul3A_43 = arith.constant 640 : i32
    %mul3A_44 = arith.muli %arg1, %mul3A_43 : i32
    "tpu.region"() ({
      %run_scoped3A_85 = tpu.sem_alloc : memref<!tpu.dma_semaphore, #tpu.memory_space<semaphore_mem>>
      %dma_start3A_86 = arith.constant 0 : i32
      %dma_start3A_87 = tpu.memref_slice %arg14[%mul3A_44, %dma_start3A_86] : memref<10240x64xf32, #tpu.memory_space<vmem_shared>> -> memref<640x64xf32, #tpu.memory_space<vmem_shared>>
      %dma_start3A_88 = arith.constant 0 : i32
      %dma_start3A_89 = tpu.memref_slice %arg6[%mul3A_42, %dma_start3A_88] : memref<10240x64xf32, #tpu.memory_space<hbm>> -> memref<640x64xf32, #tpu.memory_space<hbm>>
      tpu.enqueue_dma source(%dma_start3A_89 : memref<640x64xf32, #tpu.memory_space<hbm>>) target(%dma_start3A_87 : memref<640x64xf32, #tpu.memory_space<vmem_shared>>) target_semaphore(%run_scoped3A_85 : memref<!tpu.dma_semaphore, #tpu.memory_space<semaphore_mem>>)
      %dma_wait3A = arith.constant 0 : i32
      %dma_wait3A_90 = tpu.memref_slice %arg14[%mul3A_44, %dma_wait3A] : memref<10240x64xf32, #tpu.memory_space<vmem_shared>> -> memref<640x64xf32, #tpu.memory_space<vmem_shared>>
      %dma_wait3A_91 = arith.constant 0 : i32
      %dma_wait3A_92 = tpu.memref_slice %arg6[%mul3A_42, %dma_wait3A_91] : memref<10240x64xf32, #tpu.memory_space<hbm>> -> memref<640x64xf32, #tpu.memory_space<hbm>>
      tpu.wait_dma2 semaphore(%run_scoped3A_85 : memref<!tpu.dma_semaphore, #tpu.memory_space<semaphore_mem>>) src(%dma_wait3A_92 : memref<640x64xf32, #tpu.memory_space<hbm>>) dst(%dma_wait3A_90 : memref<640x64xf32, #tpu.memory_space<vmem_shared>>)
      tpu.yield
    }) : () -> ()
    %barrier3A_45 = arith.constant 0 : index
    tpu.barrier barrier_id(%barrier3A_45)
    %dma_start3A_46 = arith.constant 0 : i32
    %dma_start3A_47 = arith.constant 0 : i32
    %dma_start3A_48 = tpu.memref_slice %arg8[%dma_start3A_46, %dma_start3A_47] : memref<80x128xi32, #tpu.memory_space<vmem>> -> memref<1x128xi32, #tpu.memory_space<vmem>>
    %dma_start3A_49 = tpu.memref_squeeze %dma_start3A_48 : memref<1x128xi32, #tpu.memory_space<vmem>> -> memref<128xi32, #tpu.memory_space<vmem>>
    %dma_start3A_50 = arith.constant 0 : i32
    %dma_start3A_51 = arith.constant 0 : i32
    %dma_start3A_52 = tpu.memref_slice %arg3[%dma_start3A_50, %dma_start3A_51] : memref<10240x64xf32, #tpu.memory_space<hbm>> -> memref<10240x64xf32, #tpu.memory_space<hbm>>
    tpu.enqueue_indirect_dma source(%dma_start3A_52 : memref<10240x64xf32, #tpu.memory_space<hbm>>) target(%arg10 : memref<128x64xf32, #tpu.memory_space<vmem>>) offsets(%dma_start3A_49 : memref<128xi32, #tpu.memory_space<vmem>>) semaphore(%arg15 : memref<!tpu.dma_semaphore, #tpu.memory_space<semaphore_mem>>)
    %dma_start3A_53 = arith.constant 1 : i32
    %dma_start3A_54 = arith.constant 0 : i32
    %dma_start3A_55 = tpu.memref_slice %arg8[%dma_start3A_53, %dma_start3A_54] : memref<80x128xi32, #tpu.memory_space<vmem>> -> memref<1x128xi32, #tpu.memory_space<vmem>>
    %dma_start3A_56 = tpu.memref_squeeze %dma_start3A_55 : memref<1x128xi32, #tpu.memory_space<vmem>> -> memref<128xi32, #tpu.memory_space<vmem>>
    %dma_start3A_57 = arith.constant 0 : i32
    %dma_start3A_58 = arith.constant 0 : i32
    %dma_start3A_59 = tpu.memref_slice %arg3[%dma_start3A_57, %dma_start3A_58] : memref<10240x64xf32, #tpu.memory_space<hbm>> -> memref<10240x64xf32, #tpu.memory_space<hbm>>
    tpu.enqueue_indirect_dma source(%dma_start3A_59 : memref<10240x64xf32, #tpu.memory_space<hbm>>) target(%arg11 : memref<128x64xf32, #tpu.memory_space<vmem>>) offsets(%dma_start3A_56 : memref<128xi32, #tpu.memory_space<vmem>>) semaphore(%arg16 : memref<!tpu.dma_semaphore, #tpu.memory_space<semaphore_mem>>)
    %dma_start3A_60 = arith.constant 2 : i32
    %dma_start3A_61 = arith.constant 0 : i32
    %dma_start3A_62 = tpu.memref_slice %arg8[%dma_start3A_60, %dma_start3A_61] : memref<80x128xi32, #tpu.memory_space<vmem>> -> memref<1x128xi32, #tpu.memory_space<vmem>>
    %dma_start3A_63 = tpu.memref_squeeze %dma_start3A_62 : memref<1x128xi32, #tpu.memory_space<vmem>> -> memref<128xi32, #tpu.memory_space<vmem>>
    %dma_start3A_64 = arith.constant 0 : i32
    %dma_start3A_65 = arith.constant 0 : i32
    %dma_start3A_66 = tpu.memref_slice %arg3[%dma_start3A_64, %dma_start3A_65] : memref<10240x64xf32, #tpu.memory_space<hbm>> -> memref<10240x64xf32, #tpu.memory_space<hbm>>
    tpu.enqueue_indirect_dma source(%dma_start3A_66 : memref<10240x64xf32, #tpu.memory_space<hbm>>) target(%arg12 : memref<128x64xf32, #tpu.memory_space<vmem>>) offsets(%dma_start3A_63 : memref<128xi32, #tpu.memory_space<vmem>>) semaphore(%arg17 : memref<!tpu.dma_semaphore, #tpu.memory_space<semaphore_mem>>)
    %dma_start3A_67 = arith.constant 3 : i32
    %dma_start3A_68 = arith.constant 0 : i32
    %dma_start3A_69 = tpu.memref_slice %arg8[%dma_start3A_67, %dma_start3A_68] : memref<80x128xi32, #tpu.memory_space<vmem>> -> memref<1x128xi32, #tpu.memory_space<vmem>>
    %dma_start3A_70 = tpu.memref_squeeze %dma_start3A_69 : memref<1x128xi32, #tpu.memory_space<vmem>> -> memref<128xi32, #tpu.memory_space<vmem>>
    %dma_start3A_71 = arith.constant 0 : i32
    %dma_start3A_72 = arith.constant 0 : i32
    %dma_start3A_73 = tpu.memref_slice %arg3[%dma_start3A_71, %dma_start3A_72] : memref<10240x64xf32, #tpu.memory_space<hbm>> -> memref<10240x64xf32, #tpu.memory_space<hbm>>
    tpu.enqueue_indirect_dma source(%dma_start3A_73 : memref<10240x64xf32, #tpu.memory_space<hbm>>) target(%arg13 : memref<128x64xf32, #tpu.memory_space<vmem>>) offsets(%dma_start3A_70 : memref<128xi32, #tpu.memory_space<vmem>>) semaphore(%arg18 : memref<!tpu.dma_semaphore, #tpu.memory_space<semaphore_mem>>)
    %scan3A_74 = arith.constant 0 : i32
    %scan3A_75 = arith.constant 20 : i32
    %scan3A_76 = arith.addi %scan3A_74, %scan3A_75 : i32
    %scan3A_77 = arith.constant 1 : i32
    scf.for %scan3A_85 = %scan3A_74 to %scan3A_76 step %scan3A_77  : i32 {
      %mul3A_86 = arith.constant 4 : i32
      %mul3A_87 = arith.muli %scan3A_85, %mul3A_86 : i32
      %add3A_88 = arith.constant 0 : i32
      %add3A_89 = arith.addi %add3A_88, %mul3A_87 : i32
      %add3A_90 = arith.constant 0 : i32
      %add3A_91 = arith.addi %add3A_89, %add3A_90 : i32
      %dma_wait3A = arith.constant 0 : i32
      %dma_wait3A_92 = tpu.memref_slice %arg8[%add3A_91, %dma_wait3A] : memref<80x128xi32, #tpu.memory_space<vmem>> -> memref<1x128xi32, #tpu.memory_space<vmem>>
      %dma_wait3A_93 = tpu.memref_squeeze %dma_wait3A_92 : memref<1x128xi32, #tpu.memory_space<vmem>> -> memref<128xi32, #tpu.memory_space<vmem>>
      %dma_wait3A_94 = arith.constant 0 : i32
      %dma_wait3A_95 = arith.constant 0 : i32
      %dma_wait3A_96 = tpu.memref_slice %arg3[%dma_wait3A_94, %dma_wait3A_95] : memref<10240x64xf32, #tpu.memory_space<hbm>> -> memref<10240x64xf32, #tpu.memory_space<hbm>>
      tpu.wait_indirect_dma semaphore(%arg15 : memref<!tpu.dma_semaphore, #tpu.memory_space<semaphore_mem>>) src(%dma_wait3A_96 : memref<10240x64xf32, #tpu.memory_space<hbm>>) dst(%arg10 : memref<128x64xf32, #tpu.memory_space<vmem>>)
      "tpu.region"() ({
        %run_scoped3A_146 = tpu.sem_alloc : memref<!tpu.dma_semaphore, #tpu.memory_space<semaphore_mem>>
        %dma_start3A_147 = arith.constant 0 : i32
        %dma_start3A_148 = tpu.memref_slice %arg9[%add3A_91, %dma_start3A_147] : memref<80x128xi32, #tpu.memory_space<vmem>> -> memref<1x128xi32, #tpu.memory_space<vmem>>
        %dma_start3A_149 = tpu.memref_squeeze %dma_start3A_148 : memref<1x128xi32, #tpu.memory_space<vmem>> -> memref<128xi32, #tpu.memory_space<vmem>>
        %dma_start3A_150 = arith.constant 0 : i32
        %dma_start3A_151 = arith.constant 0 : i32
        %dma_start3A_152 = tpu.memref_slice %arg14[%dma_start3A_150, %dma_start3A_151] : memref<10240x64xf32, #tpu.memory_space<vmem_shared>> -> memref<10240x64xf32, #tpu.memory_space<vmem_shared>>
        tpu.enqueue_indirect_dma source(%arg10 : memref<128x64xf32, #tpu.memory_space<vmem>>) target(%dma_start3A_152 : memref<10240x64xf32, #tpu.memory_space<vmem_shared>>) offsets(%dma_start3A_149 : memref<128xi32, #tpu.memory_space<vmem>>) semaphore(%run_scoped3A_146 : memref<!tpu.dma_semaphore, #tpu.memory_space<semaphore_mem>>) {add = true}
        %dma_wait3A_153 = arith.constant 0 : i32
        %dma_wait3A_154 = tpu.memref_slice %arg9[%add3A_91, %dma_wait3A_153] : memref<80x128xi32, #tpu.memory_space<vmem>> -> memref<1x128xi32, #tpu.memory_space<vmem>>
        %dma_wait3A_155 = tpu.memref_squeeze %dma_wait3A_154 : memref<1x128xi32, #tpu.memory_space<vmem>> -> memref<128xi32, #tpu.memory_space<vmem>>
        %dma_wait3A_156 = arith.constant 0 : i32
        %dma_wait3A_157 = arith.constant 0 : i32
        %dma_wait3A_158 = tpu.memref_slice %arg14[%dma_wait3A_156, %dma_wait3A_157] : memref<10240x64xf32, #tpu.memory_space<vmem_shared>> -> memref<10240x64xf32, #tpu.memory_space<vmem_shared>>
        tpu.wait_indirect_dma semaphore(%run_scoped3A_146 : memref<!tpu.dma_semaphore, #tpu.memory_space<semaphore_mem>>) src(%arg10 : memref<128x64xf32, #tpu.memory_space<vmem>>) dst(%dma_wait3A_158 : memref<10240x64xf32, #tpu.memory_space<vmem_shared>>)
        tpu.yield
      }) : () -> ()
      %add3A_97 = arith.constant 4 : i32
      %add3A_98 = arith.addi %add3A_91, %add3A_97 : i32
      %lt3A = arith.constant 80 : i32
      %lt3A_99 = arith.cmpi slt, %add3A_98, %lt3A : i32
      %convert_element_type3A = arith.extui %lt3A_99 : i1 to i32
      %cond3A = arith.constant 0 : i32
      %cond3A_100 = arith.cmpi ne, %convert_element_type3A, %cond3A : i32
      scf.if %cond3A_100 {
        %dma_start3A_146 = arith.constant 0 : i32
        %dma_start3A_147 = tpu.memref_slice %arg8[%add3A_98, %dma_start3A_146] : memref<80x128xi32, #tpu.memory_space<vmem>> -> memref<1x128xi32, #tpu.memory_space<vmem>>
        %dma_start3A_148 = tpu.memref_squeeze %dma_start3A_147 : memref<1x128xi32, #tpu.memory_space<vmem>> -> memref<128xi32, #tpu.memory_space<vmem>>
        %dma_start3A_149 = arith.constant 0 : i32
        %dma_start3A_150 = arith.constant 0 : i32
        %dma_start3A_151 = tpu.memref_slice %arg3[%dma_start3A_149, %dma_start3A_150] : memref<10240x64xf32, #tpu.memory_space<hbm>> -> memref<10240x64xf32, #tpu.memory_space<hbm>>
        tpu.enqueue_indirect_dma source(%dma_start3A_151 : memref<10240x64xf32, #tpu.memory_space<hbm>>) target(%arg10 : memref<128x64xf32, #tpu.memory_space<vmem>>) offsets(%dma_start3A_148 : memref<128xi32, #tpu.memory_space<vmem>>) semaphore(%arg15 : memref<!tpu.dma_semaphore, #tpu.memory_space<semaphore_mem>>)
      } else {
      }
      %add3A_101 = arith.constant 1 : i32
      %add3A_102 = arith.addi %add3A_89, %add3A_101 : i32
      %dma_wait3A_103 = arith.constant 0 : i32
      %dma_wait3A_104 = tpu.memref_slice %arg8[%add3A_102, %dma_wait3A_103] : memref<80x128xi32, #tpu.memory_space<vmem>> -> memref<1x128xi32, #tpu.memory_space<vmem>>
      %dma_wait3A_105 = tpu.memref_squeeze %dma_wait3A_104 : memref<1x128xi32, #tpu.memory_space<vmem>> -> memref<128xi32, #tpu.memory_space<vmem>>
      %dma_wait3A_106 = arith.constant 0 : i32
      %dma_wait3A_107 = arith.constant 0 : i32
      %dma_wait3A_108 = tpu.memref_slice %arg3[%dma_wait3A_106, %dma_wait3A_107] : memref<10240x64xf32, #tpu.memory_space<hbm>> -> memref<10240x64xf32, #tpu.memory_space<hbm>>
      tpu.wait_indirect_dma semaphore(%arg16 : memref<!tpu.dma_semaphore, #tpu.memory_space<semaphore_mem>>) src(%dma_wait3A_108 : memref<10240x64xf32, #tpu.memory_space<hbm>>) dst(%arg11 : memref<128x64xf32, #tpu.memory_space<vmem>>)
      "tpu.region"() ({
        %run_scoped3A_146 = tpu.sem_alloc : memref<!tpu.dma_semaphore, #tpu.memory_space<semaphore_mem>>
        %dma_start3A_147 = arith.constant 0 : i32
        %dma_start3A_148 = tpu.memref_slice %arg9[%add3A_102, %dma_start3A_147] : memref<80x128xi32, #tpu.memory_space<vmem>> -> memref<1x128xi32, #tpu.memory_space<vmem>>
        %dma_start3A_149 = tpu.memref_squeeze %dma_start3A_148 : memref<1x128xi32, #tpu.memory_space<vmem>> -> memref<128xi32, #tpu.memory_space<vmem>>
        %dma_start3A_150 = arith.constant 0 : i32
        %dma_start3A_151 = arith.constant 0 : i32
        %dma_start3A_152 = tpu.memref_slice %arg14[%dma_start3A_150, %dma_start3A_151] : memref<10240x64xf32, #tpu.memory_space<vmem_shared>> -> memref<10240x64xf32, #tpu.memory_space<vmem_shared>>
        tpu.enqueue_indirect_dma source(%arg11 : memref<128x64xf32, #tpu.memory_space<vmem>>) target(%dma_start3A_152 : memref<10240x64xf32, #tpu.memory_space<vmem_shared>>) offsets(%dma_start3A_149 : memref<128xi32, #tpu.memory_space<vmem>>) semaphore(%run_scoped3A_146 : memref<!tpu.dma_semaphore, #tpu.memory_space<semaphore_mem>>) {add = true}
        %dma_wait3A_153 = arith.constant 0 : i32
        %dma_wait3A_154 = tpu.memref_slice %arg9[%add3A_102, %dma_wait3A_153] : memref<80x128xi32, #tpu.memory_space<vmem>> -> memref<1x128xi32, #tpu.memory_space<vmem>>
        %dma_wait3A_155 = tpu.memref_squeeze %dma_wait3A_154 : memref<1x128xi32, #tpu.memory_space<vmem>> -> memref<128xi32, #tpu.memory_space<vmem>>
        %dma_wait3A_156 = arith.constant 0 : i32
        %dma_wait3A_157 = arith.constant 0 : i32
        %dma_wait3A_158 = tpu.memref_slice %arg14[%dma_wait3A_156, %dma_wait3A_157] : memref<10240x64xf32, #tpu.memory_space<vmem_shared>> -> memref<10240x64xf32, #tpu.memory_space<vmem_shared>>
        tpu.wait_indirect_dma semaphore(%run_scoped3A_146 : memref<!tpu.dma_semaphore, #tpu.memory_space<semaphore_mem>>) src(%arg11 : memref<128x64xf32, #tpu.memory_space<vmem>>) dst(%dma_wait3A_158 : memref<10240x64xf32, #tpu.memory_space<vmem_shared>>)
        tpu.yield
      }) : () -> ()
      %add3A_109 = arith.constant 4 : i32
      %add3A_110 = arith.addi %add3A_102, %add3A_109 : i32
      %lt3A_111 = arith.constant 80 : i32
      %lt3A_112 = arith.cmpi slt, %add3A_110, %lt3A_111 : i32
      %convert_element_type3A_113 = arith.extui %lt3A_112 : i1 to i32
      %cond3A_114 = arith.constant 0 : i32
      %cond3A_115 = arith.cmpi ne, %convert_element_type3A_113, %cond3A_114 : i32
      scf.if %cond3A_115 {
        %dma_start3A_146 = arith.constant 0 : i32
        %dma_start3A_147 = tpu.memref_slice %arg8[%add3A_110, %dma_start3A_146] : memref<80x128xi32, #tpu.memory_space<vmem>> -> memref<1x128xi32, #tpu.memory_space<vmem>>
        %dma_start3A_148 = tpu.memref_squeeze %dma_start3A_147 : memref<1x128xi32, #tpu.memory_space<vmem>> -> memref<128xi32, #tpu.memory_space<vmem>>
        %dma_start3A_149 = arith.constant 0 : i32
        %dma_start3A_150 = arith.constant 0 : i32
        %dma_start3A_151 = tpu.memref_slice %arg3[%dma_start3A_149, %dma_start3A_150] : memref<10240x64xf32, #tpu.memory_space<hbm>> -> memref<10240x64xf32, #tpu.memory_space<hbm>>
        tpu.enqueue_indirect_dma source(%dma_start3A_151 : memref<10240x64xf32, #tpu.memory_space<hbm>>) target(%arg11 : memref<128x64xf32, #tpu.memory_space<vmem>>) offsets(%dma_start3A_148 : memref<128xi32, #tpu.memory_space<vmem>>) semaphore(%arg16 : memref<!tpu.dma_semaphore, #tpu.memory_space<semaphore_mem>>)
      } else {
      }
      %add3A_116 = arith.constant 2 : i32
      %add3A_117 = arith.addi %add3A_89, %add3A_116 : i32
      %dma_wait3A_118 = arith.constant 0 : i32
      %dma_wait3A_119 = tpu.memref_slice %arg8[%add3A_117, %dma_wait3A_118] : memref<80x128xi32, #tpu.memory_space<vmem>> -> memref<1x128xi32, #tpu.memory_space<vmem>>
      %dma_wait3A_120 = tpu.memref_squeeze %dma_wait3A_119 : memref<1x128xi32, #tpu.memory_space<vmem>> -> memref<128xi32, #tpu.memory_space<vmem>>
      %dma_wait3A_121 = arith.constant 0 : i32
      %dma_wait3A_122 = arith.constant 0 : i32
      %dma_wait3A_123 = tpu.memref_slice %arg3[%dma_wait3A_121, %dma_wait3A_122] : memref<10240x64xf32, #tpu.memory_space<hbm>> -> memref<10240x64xf32, #tpu.memory_space<hbm>>
      tpu.wait_indirect_dma semaphore(%arg17 : memref<!tpu.dma_semaphore, #tpu.memory_space<semaphore_mem>>) src(%dma_wait3A_123 : memref<10240x64xf32, #tpu.memory_space<hbm>>) dst(%arg12 : memref<128x64xf32, #tpu.memory_space<vmem>>)
      "tpu.region"() ({
        %run_scoped3A_146 = tpu.sem_alloc : memref<!tpu.dma_semaphore, #tpu.memory_space<semaphore_mem>>
        %dma_start3A_147 = arith.constant 0 : i32
        %dma_start3A_148 = tpu.memref_slice %arg9[%add3A_117, %dma_start3A_147] : memref<80x128xi32, #tpu.memory_space<vmem>> -> memref<1x128xi32, #tpu.memory_space<vmem>>
        %dma_start3A_149 = tpu.memref_squeeze %dma_start3A_148 : memref<1x128xi32, #tpu.memory_space<vmem>> -> memref<128xi32, #tpu.memory_space<vmem>>
        %dma_start3A_150 = arith.constant 0 : i32
        %dma_start3A_151 = arith.constant 0 : i32
        %dma_start3A_152 = tpu.memref_slice %arg14[%dma_start3A_150, %dma_start3A_151] : memref<10240x64xf32, #tpu.memory_space<vmem_shared>> -> memref<10240x64xf32, #tpu.memory_space<vmem_shared>>
        tpu.enqueue_indirect_dma source(%arg12 : memref<128x64xf32, #tpu.memory_space<vmem>>) target(%dma_start3A_152 : memref<10240x64xf32, #tpu.memory_space<vmem_shared>>) offsets(%dma_start3A_149 : memref<128xi32, #tpu.memory_space<vmem>>) semaphore(%run_scoped3A_146 : memref<!tpu.dma_semaphore, #tpu.memory_space<semaphore_mem>>) {add = true}
        %dma_wait3A_153 = arith.constant 0 : i32
        %dma_wait3A_154 = tpu.memref_slice %arg9[%add3A_117, %dma_wait3A_153] : memref<80x128xi32, #tpu.memory_space<vmem>> -> memref<1x128xi32, #tpu.memory_space<vmem>>
        %dma_wait3A_155 = tpu.memref_squeeze %dma_wait3A_154 : memref<1x128xi32, #tpu.memory_space<vmem>> -> memref<128xi32, #tpu.memory_space<vmem>>
        %dma_wait3A_156 = arith.constant 0 : i32
        %dma_wait3A_157 = arith.constant 0 : i32
        %dma_wait3A_158 = tpu.memref_slice %arg14[%dma_wait3A_156, %dma_wait3A_157] : memref<10240x64xf32, #tpu.memory_space<vmem_shared>> -> memref<10240x64xf32, #tpu.memory_space<vmem_shared>>
        tpu.wait_indirect_dma semaphore(%run_scoped3A_146 : memref<!tpu.dma_semaphore, #tpu.memory_space<semaphore_mem>>) src(%arg12 : memref<128x64xf32, #tpu.memory_space<vmem>>) dst(%dma_wait3A_158 : memref<10240x64xf32, #tpu.memory_space<vmem_shared>>)
        tpu.yield
      }) : () -> ()
      %add3A_124 = arith.constant 4 : i32
      %add3A_125 = arith.addi %add3A_117, %add3A_124 : i32
      %lt3A_126 = arith.constant 80 : i32
      %lt3A_127 = arith.cmpi slt, %add3A_125, %lt3A_126 : i32
      %convert_element_type3A_128 = arith.extui %lt3A_127 : i1 to i32
      %cond3A_129 = arith.constant 0 : i32
      %cond3A_130 = arith.cmpi ne, %convert_element_type3A_128, %cond3A_129 : i32
      scf.if %cond3A_130 {
        %dma_start3A_146 = arith.constant 0 : i32
        %dma_start3A_147 = tpu.memref_slice %arg8[%add3A_125, %dma_start3A_146] : memref<80x128xi32, #tpu.memory_space<vmem>> -> memref<1x128xi32, #tpu.memory_space<vmem>>
        %dma_start3A_148 = tpu.memref_squeeze %dma_start3A_147 : memref<1x128xi32, #tpu.memory_space<vmem>> -> memref<128xi32, #tpu.memory_space<vmem>>
        %dma_start3A_149 = arith.constant 0 : i32
        %dma_start3A_150 = arith.constant 0 : i32
        %dma_start3A_151 = tpu.memref_slice %arg3[%dma_start3A_149, %dma_start3A_150] : memref<10240x64xf32, #tpu.memory_space<hbm>> -> memref<10240x64xf32, #tpu.memory_space<hbm>>
        tpu.enqueue_indirect_dma source(%dma_start3A_151 : memref<10240x64xf32, #tpu.memory_space<hbm>>) target(%arg12 : memref<128x64xf32, #tpu.memory_space<vmem>>) offsets(%dma_start3A_148 : memref<128xi32, #tpu.memory_space<vmem>>) semaphore(%arg17 : memref<!tpu.dma_semaphore, #tpu.memory_space<semaphore_mem>>)
      } else {
      }
      %add3A_131 = arith.constant 3 : i32
      %add3A_132 = arith.addi %add3A_89, %add3A_131 : i32
      %dma_wait3A_133 = arith.constant 0 : i32
      %dma_wait3A_134 = tpu.memref_slice %arg8[%add3A_132, %dma_wait3A_133] : memref<80x128xi32, #tpu.memory_space<vmem>> -> memref<1x128xi32, #tpu.memory_space<vmem>>
      %dma_wait3A_135 = tpu.memref_squeeze %dma_wait3A_134 : memref<1x128xi32, #tpu.memory_space<vmem>> -> memref<128xi32, #tpu.memory_space<vmem>>
      %dma_wait3A_136 = arith.constant 0 : i32
      %dma_wait3A_137 = arith.constant 0 : i32
      %dma_wait3A_138 = tpu.memref_slice %arg3[%dma_wait3A_136, %dma_wait3A_137] : memref<10240x64xf32, #tpu.memory_space<hbm>> -> memref<10240x64xf32, #tpu.memory_space<hbm>>
      tpu.wait_indirect_dma semaphore(%arg18 : memref<!tpu.dma_semaphore, #tpu.memory_space<semaphore_mem>>) src(%dma_wait3A_138 : memref<10240x64xf32, #tpu.memory_space<hbm>>) dst(%arg13 : memref<128x64xf32, #tpu.memory_space<vmem>>)
      "tpu.region"() ({
        %run_scoped3A_146 = tpu.sem_alloc : memref<!tpu.dma_semaphore, #tpu.memory_space<semaphore_mem>>
        %dma_start3A_147 = arith.constant 0 : i32
        %dma_start3A_148 = tpu.memref_slice %arg9[%add3A_132, %dma_start3A_147] : memref<80x128xi32, #tpu.memory_space<vmem>> -> memref<1x128xi32, #tpu.memory_space<vmem>>
        %dma_start3A_149 = tpu.memref_squeeze %dma_start3A_148 : memref<1x128xi32, #tpu.memory_space<vmem>> -> memref<128xi32, #tpu.memory_space<vmem>>
        %dma_start3A_150 = arith.constant 0 : i32
        %dma_start3A_151 = arith.constant 0 : i32
        %dma_start3A_152 = tpu.memref_slice %arg14[%dma_start3A_150, %dma_start3A_151] : memref<10240x64xf32, #tpu.memory_space<vmem_shared>> -> memref<10240x64xf32, #tpu.memory_space<vmem_shared>>
        tpu.enqueue_indirect_dma source(%arg13 : memref<128x64xf32, #tpu.memory_space<vmem>>) target(%dma_start3A_152 : memref<10240x64xf32, #tpu.memory_space<vmem_shared>>) offsets(%dma_start3A_149 : memref<128xi32, #tpu.memory_space<vmem>>) semaphore(%run_scoped3A_146 : memref<!tpu.dma_semaphore, #tpu.memory_space<semaphore_mem>>) {add = true}
        %dma_wait3A_153 = arith.constant 0 : i32
        %dma_wait3A_154 = tpu.memref_slice %arg9[%add3A_132, %dma_wait3A_153] : memref<80x128xi32, #tpu.memory_space<vmem>> -> memref<1x128xi32, #tpu.memory_space<vmem>>
        %dma_wait3A_155 = tpu.memref_squeeze %dma_wait3A_154 : memref<1x128xi32, #tpu.memory_space<vmem>> -> memref<128xi32, #tpu.memory_space<vmem>>
        %dma_wait3A_156 = arith.constant 0 : i32
        %dma_wait3A_157 = arith.constant 0 : i32
        %dma_wait3A_158 = tpu.memref_slice %arg14[%dma_wait3A_156, %dma_wait3A_157] : memref<10240x64xf32, #tpu.memory_space<vmem_shared>> -> memref<10240x64xf32, #tpu.memory_space<vmem_shared>>
        tpu.wait_indirect_dma semaphore(%run_scoped3A_146 : memref<!tpu.dma_semaphore, #tpu.memory_space<semaphore_mem>>) src(%arg13 : memref<128x64xf32, #tpu.memory_space<vmem>>) dst(%dma_wait3A_158 : memref<10240x64xf32, #tpu.memory_space<vmem_shared>>)
        tpu.yield
      }) : () -> ()
      %add3A_139 = arith.constant 4 : i32
      %add3A_140 = arith.addi %add3A_132, %add3A_139 : i32
      %lt3A_141 = arith.constant 80 : i32
      %lt3A_142 = arith.cmpi slt, %add3A_140, %lt3A_141 : i32
      %convert_element_type3A_143 = arith.extui %lt3A_142 : i1 to i32
      %cond3A_144 = arith.constant 0 : i32
      %cond3A_145 = arith.cmpi ne, %convert_element_type3A_143, %cond3A_144 : i32
      scf.if %cond3A_145 {
        %dma_start3A_146 = arith.constant 0 : i32
        %dma_start3A_147 = tpu.memref_slice %arg8[%add3A_140, %dma_start3A_146] : memref<80x128xi32, #tpu.memory_space<vmem>> -> memref<1x128xi32, #tpu.memory_space<vmem>>
        %dma_start3A_148 = tpu.memref_squeeze %dma_start3A_147 : memref<1x128xi32, #tpu.memory_space<vmem>> -> memref<128xi32, #tpu.memory_space<vmem>>
        %dma_start3A_149 = arith.constant 0 : i32
        %dma_start3A_150 = arith.constant 0 : i32
        %dma_start3A_151 = tpu.memref_slice %arg3[%dma_start3A_149, %dma_start3A_150] : memref<10240x64xf32, #tpu.memory_space<hbm>> -> memref<10240x64xf32, #tpu.memory_space<hbm>>
        tpu.enqueue_indirect_dma source(%dma_start3A_151 : memref<10240x64xf32, #tpu.memory_space<hbm>>) target(%arg13 : memref<128x64xf32, #tpu.memory_space<vmem>>) offsets(%dma_start3A_148 : memref<128xi32, #tpu.memory_space<vmem>>) semaphore(%arg18 : memref<!tpu.dma_semaphore, #tpu.memory_space<semaphore_mem>>)
      } else {
      }
    }
    %scan3A_78 = arith.constant 20 : i32
    %barrier3A_79 = arith.constant 0 : index
    tpu.barrier barrier_id(%barrier3A_79)
    %mul3A_80 = arith.constant 640 : i32
    %mul3A_81 = arith.muli %arg1, %mul3A_80 : i32
    %mul3A_82 = arith.constant 640 : i32
    %mul3A_83 = arith.muli %arg1, %mul3A_82 : i32
    %run_scoped3A_84 = arith.constant 1 : i32
    "tpu.region"() ({
      %run_scoped3A_85 = tpu.sem_alloc : memref<!tpu.dma_semaphore, #tpu.memory_space<semaphore_mem>>
      %dma_start3A_86 = arith.constant 0 : i32
      %dma_start3A_87 = tpu.memref_slice %arg7[%arg0, %run_scoped3A_84, %mul3A_83, %dma_start3A_86] : memref<2x2x10240x64xf32, #tpu.memory_space<hbm>> -> memref<1x1x640x64xf32, #tpu.memory_space<hbm>>
      %dma_start3A_88 = tpu.memref_squeeze %dma_start3A_87 : memref<1x1x640x64xf32, #tpu.memory_space<hbm>> -> memref<640x64xf32, #tpu.memory_space<hbm>>
      %dma_start3A_89 = arith.constant 0 : i32
      %dma_start3A_90 = tpu.memref_slice %arg14[%mul3A_81, %dma_start3A_89] : memref<10240x64xf32, #tpu.memory_space<vmem_shared>> -> memref<640x64xf32, #tpu.memory_space<vmem_shared>>
      tpu.enqueue_dma source(%dma_start3A_90 : memref<640x64xf32, #tpu.memory_space<vmem_shared>>) target(%dma_start3A_88 : memref<640x64xf32, #tpu.memory_space<hbm>>) target_semaphore(%run_scoped3A_85 : memref<!tpu.dma_semaphore, #tpu.memory_space<semaphore_mem>>)
      %dma_wait3A = arith.constant 0 : i32
      %dma_wait3A_91 = tpu.memref_slice %arg7[%arg0, %run_scoped3A_84, %mul3A_83, %dma_wait3A] : memref<2x2x10240x64xf32, #tpu.memory_space<hbm>> -> memref<1x1x640x64xf32, #tpu.memory_space<hbm>>
      %dma_wait3A_92 = tpu.memref_squeeze %dma_wait3A_91 : memref<1x1x640x64xf32, #tpu.memory_space<hbm>> -> memref<640x64xf32, #tpu.memory_space<hbm>>
      %dma_wait3A_93 = arith.constant 0 : i32
      %dma_wait3A_94 = tpu.memref_slice %arg14[%mul3A_81, %dma_wait3A_93] : memref<10240x64xf32, #tpu.memory_space<vmem_shared>> -> memref<640x64xf32, #tpu.memory_space<vmem_shared>>
      tpu.wait_dma2 semaphore(%run_scoped3A_85 : memref<!tpu.dma_semaphore, #tpu.memory_space<semaphore_mem>>) src(%dma_wait3A_94 : memref<640x64xf32, #tpu.memory_space<vmem_shared>>) dst(%dma_wait3A_92 : memref<640x64xf32, #tpu.memory_space<hbm>>)
      tpu.yield
    }) : () -> ()
    return
  }
}

#map = affine_map<(d0, d1) -> (0, 0, 0)>
#map1 = affine_map<(d0, d1) -> (0)>
#map2 = affine_map<(d0, d1) -> (0, 0)>
module attributes {stable_mosaic.version = 14 : i64} {
  func.func @_deg_body(%arg0: i32, %arg1: i32, %arg2: memref<32x80x128xi32, #tpu.memory_space<hbm>>, %arg3: memref<10240xf32, #tpu.memory_space<hbm>>, %arg4: memref<2x10240xf32, #tpu.memory_space<hbm>>, %arg5: memref<80x128xi32, #tpu.memory_space<vmem>>, %arg6: memref<128xf32, #tpu.memory_space<vmem>>, %arg7: memref<10240xf32, #tpu.memory_space<vmem_shared>>) attributes {dimension_semantics = [#tpu.dimension_semantics<core_parallel>, #tpu.dimension_semantics<subcore_parallel>], iteration_bounds = array<i64: 2, 16>, scalar_prefetch = 0 : i64, scratch_operands = 3 : i64, tpu.core_type = #tpu.core_type<sc_vector_subcore>, window_params = [{transform_indices = #map}, {transform_indices = #map1}, {transform_indices = #map2}]} {
    %mul3A = arith.constant 2 : i32
    %mul3A_0 = arith.muli %arg1, %mul3A : i32
    %add3A = arith.addi %mul3A_0, %arg0 : i32
    %mul3A_1 = arith.constant 640 : i32
    %mul3A_2 = arith.muli %arg1, %mul3A_1 : i32
    %mul3A_3 = arith.constant 640 : i32
    %mul3A_4 = arith.muli %arg1, %mul3A_3 : i32
    "tpu.region"() ({
      %run_scoped3A = tpu.sem_alloc : memref<!tpu.dma_semaphore, #tpu.memory_space<semaphore_mem>>
      %dma_start3A = tpu.memref_slice %arg7[%mul3A_4] : memref<10240xf32, #tpu.memory_space<vmem_shared>> -> memref<640xf32, #tpu.memory_space<vmem_shared>>
      %dma_start3A_60 = tpu.memref_slice %arg3[%mul3A_2] : memref<10240xf32, #tpu.memory_space<hbm>> -> memref<640xf32, #tpu.memory_space<hbm>>
      tpu.enqueue_dma source(%dma_start3A_60 : memref<640xf32, #tpu.memory_space<hbm>>) target(%dma_start3A : memref<640xf32, #tpu.memory_space<vmem_shared>>) target_semaphore(%run_scoped3A : memref<!tpu.dma_semaphore, #tpu.memory_space<semaphore_mem>>)
      %dma_wait3A = tpu.memref_slice %arg7[%mul3A_4] : memref<10240xf32, #tpu.memory_space<vmem_shared>> -> memref<640xf32, #tpu.memory_space<vmem_shared>>
      %dma_wait3A_61 = tpu.memref_slice %arg3[%mul3A_2] : memref<10240xf32, #tpu.memory_space<hbm>> -> memref<640xf32, #tpu.memory_space<hbm>>
      tpu.wait_dma2 semaphore(%run_scoped3A : memref<!tpu.dma_semaphore, #tpu.memory_space<semaphore_mem>>) src(%dma_wait3A_61 : memref<640xf32, #tpu.memory_space<hbm>>) dst(%dma_wait3A : memref<640xf32, #tpu.memory_space<vmem_shared>>)
      tpu.yield
    }) : () -> ()
    "tpu.region"() ({
      %run_scoped3A = tpu.sem_alloc : memref<!tpu.dma_semaphore, #tpu.memory_space<semaphore_mem>>
      %dma_start3A = arith.constant 0 : i32
      %dma_start3A_60 = arith.constant 0 : i32
      %dma_start3A_61 = tpu.memref_slice %arg2[%add3A, %dma_start3A, %dma_start3A_60] : memref<32x80x128xi32, #tpu.memory_space<hbm>> -> memref<1x80x128xi32, #tpu.memory_space<hbm>>
      %dma_start3A_62 = tpu.memref_squeeze %dma_start3A_61 : memref<1x80x128xi32, #tpu.memory_space<hbm>> -> memref<80x128xi32, #tpu.memory_space<hbm>>
      %dma_start3A_63 = arith.constant 0 : i32
      %dma_start3A_64 = arith.constant 0 : i32
      %dma_start3A_65 = tpu.memref_slice %arg2[%add3A, %dma_start3A_63, %dma_start3A_64] : memref<32x80x128xi32, #tpu.memory_space<hbm>> -> memref<1x80x128xi32, #tpu.memory_space<hbm>>
      %dma_start3A_66 = tpu.memref_squeeze %dma_start3A_65 : memref<1x80x128xi32, #tpu.memory_space<hbm>> -> memref<80x128xi32, #tpu.memory_space<hbm>>
      tpu.enqueue_dma source(%dma_start3A_66 : memref<80x128xi32, #tpu.memory_space<hbm>>) target(%arg5 : memref<80x128xi32, #tpu.memory_space<vmem>>) target_semaphore(%run_scoped3A : memref<!tpu.dma_semaphore, #tpu.memory_space<semaphore_mem>>)
      %dma_wait3A = arith.constant 0 : i32
      %dma_wait3A_67 = arith.constant 0 : i32
      %dma_wait3A_68 = tpu.memref_slice %arg2[%add3A, %dma_wait3A, %dma_wait3A_67] : memref<32x80x128xi32, #tpu.memory_space<hbm>> -> memref<1x80x128xi32, #tpu.memory_space<hbm>>
      %dma_wait3A_69 = tpu.memref_squeeze %dma_wait3A_68 : memref<1x80x128xi32, #tpu.memory_space<hbm>> -> memref<80x128xi32, #tpu.memory_space<hbm>>
      %dma_wait3A_70 = arith.constant 0 : i32
      %dma_wait3A_71 = arith.constant 0 : i32
      %dma_wait3A_72 = tpu.memref_slice %arg2[%add3A, %dma_wait3A_70, %dma_wait3A_71] : memref<32x80x128xi32, #tpu.memory_space<hbm>> -> memref<1x80x128xi32, #tpu.memory_space<hbm>>
      %dma_wait3A_73 = tpu.memref_squeeze %dma_wait3A_72 : memref<1x80x128xi32, #tpu.memory_space<hbm>> -> memref<80x128xi32, #tpu.memory_space<hbm>>
      tpu.wait_dma2 semaphore(%run_scoped3A : memref<!tpu.dma_semaphore, #tpu.memory_space<semaphore_mem>>) src(%dma_wait3A_73 : memref<80x128xi32, #tpu.memory_space<hbm>>) dst(%arg5 : memref<80x128xi32, #tpu.memory_space<vmem>>)
      tpu.yield
    }) : () -> ()
    %broadcast_in_dim3A = arith.constant 1.000000e+00 : f32
    %broadcast_in_dim3A_5 = vector.broadcast %broadcast_in_dim3A : f32 to vector<16xf32>
    %swap3A = arith.constant 0 : index
    %swap3A_6 = tpu.vector_load %arg6[%swap3A] {strides = array<i32>} : memref<128xf32, #tpu.memory_space<vmem>>, vector<16xf32>,
    %swap3A_7 = vector.shape_cast %swap3A_6 : vector<16xf32> to vector<16xf32>
    %swap3A_8 = vector.shape_cast %broadcast_in_dim3A_5 : vector<16xf32> to vector<16xf32>
    tpu.vector_store %arg6[%swap3A], %swap3A_8 {strides = array<i32>} : memref<128xf32, #tpu.memory_space<vmem>>, vector<16xf32>,
    %broadcast_in_dim3A_9 = arith.constant 1.000000e+00 : f32
    %broadcast_in_dim3A_10 = vector.broadcast %broadcast_in_dim3A_9 : f32 to vector<16xf32>
    %swap3A_11 = arith.constant 16 : index
    %swap3A_12 = tpu.vector_load %arg6[%swap3A_11] {strides = array<i32>} : memref<128xf32, #tpu.memory_space<vmem>>, vector<16xf32>,
    %swap3A_13 = vector.shape_cast %swap3A_12 : vector<16xf32> to vector<16xf32>
    %swap3A_14 = vector.shape_cast %broadcast_in_dim3A_10 : vector<16xf32> to vector<16xf32>
    tpu.vector_store %arg6[%swap3A_11], %swap3A_14 {strides = array<i32>} : memref<128xf32, #tpu.memory_space<vmem>>, vector<16xf32>,
    %broadcast_in_dim3A_15 = arith.constant 1.000000e+00 : f32
    %broadcast_in_dim3A_16 = vector.broadcast %broadcast_in_dim3A_15 : f32 to vector<16xf32>
    %swap3A_17 = arith.constant 32 : index
    %swap3A_18 = tpu.vector_load %arg6[%swap3A_17] {strides = array<i32>} : memref<128xf32, #tpu.memory_space<vmem>>, vector<16xf32>,
    %swap3A_19 = vector.shape_cast %swap3A_18 : vector<16xf32> to vector<16xf32>
    %swap3A_20 = vector.shape_cast %broadcast_in_dim3A_16 : vector<16xf32> to vector<16xf32>
    tpu.vector_store %arg6[%swap3A_17], %swap3A_20 {strides = array<i32>} : memref<128xf32, #tpu.memory_space<vmem>>, vector<16xf32>,
    %broadcast_in_dim3A_21 = arith.constant 1.000000e+00 : f32
    %broadcast_in_dim3A_22 = vector.broadcast %broadcast_in_dim3A_21 : f32 to vector<16xf32>
    %swap3A_23 = arith.constant 48 : index
    %swap3A_24 = tpu.vector_load %arg6[%swap3A_23] {strides = array<i32>} : memref<128xf32, #tpu.memory_space<vmem>>, vector<16xf32>,
    %swap3A_25 = vector.shape_cast %swap3A_24 : vector<16xf32> to vector<16xf32>
    %swap3A_26 = vector.shape_cast %broadcast_in_dim3A_22 : vector<16xf32> to vector<16xf32>
    tpu.vector_store %arg6[%swap3A_23], %swap3A_26 {strides = array<i32>} : memref<128xf32, #tpu.memory_space<vmem>>, vector<16xf32>,
    %broadcast_in_dim3A_27 = arith.constant 1.000000e+00 : f32
    %broadcast_in_dim3A_28 = vector.broadcast %broadcast_in_dim3A_27 : f32 to vector<16xf32>
    %swap3A_29 = arith.constant 64 : index
    %swap3A_30 = tpu.vector_load %arg6[%swap3A_29] {strides = array<i32>} : memref<128xf32, #tpu.memory_space<vmem>>, vector<16xf32>,
    %swap3A_31 = vector.shape_cast %swap3A_30 : vector<16xf32> to vector<16xf32>
    %swap3A_32 = vector.shape_cast %broadcast_in_dim3A_28 : vector<16xf32> to vector<16xf32>
    tpu.vector_store %arg6[%swap3A_29], %swap3A_32 {strides = array<i32>} : memref<128xf32, #tpu.memory_space<vmem>>, vector<16xf32>,
    %broadcast_in_dim3A_33 = arith.constant 1.000000e+00 : f32
    %broadcast_in_dim3A_34 = vector.broadcast %broadcast_in_dim3A_33 : f32 to vector<16xf32>
    %swap3A_35 = arith.constant 80 : index
    %swap3A_36 = tpu.vector_load %arg6[%swap3A_35] {strides = array<i32>} : memref<128xf32, #tpu.memory_space<vmem>>, vector<16xf32>,
    %swap3A_37 = vector.shape_cast %swap3A_36 : vector<16xf32> to vector<16xf32>
    %swap3A_38 = vector.shape_cast %broadcast_in_dim3A_34 : vector<16xf32> to vector<16xf32>
    tpu.vector_store %arg6[%swap3A_35], %swap3A_38 {strides = array<i32>} : memref<128xf32, #tpu.memory_space<vmem>>, vector<16xf32>,
    %broadcast_in_dim3A_39 = arith.constant 1.000000e+00 : f32
    %broadcast_in_dim3A_40 = vector.broadcast %broadcast_in_dim3A_39 : f32 to vector<16xf32>
    %swap3A_41 = arith.constant 96 : index
    %swap3A_42 = tpu.vector_load %arg6[%swap3A_41] {strides = array<i32>} : memref<128xf32, #tpu.memory_space<vmem>>, vector<16xf32>,
    %swap3A_43 = vector.shape_cast %swap3A_42 : vector<16xf32> to vector<16xf32>
    %swap3A_44 = vector.shape_cast %broadcast_in_dim3A_40 : vector<16xf32> to vector<16xf32>
    tpu.vector_store %arg6[%swap3A_41], %swap3A_44 {strides = array<i32>} : memref<128xf32, #tpu.memory_space<vmem>>, vector<16xf32>,
    %broadcast_in_dim3A_45 = arith.constant 1.000000e+00 : f32
    %broadcast_in_dim3A_46 = vector.broadcast %broadcast_in_dim3A_45 : f32 to vector<16xf32>
    %swap3A_47 = arith.constant 112 : index
    %swap3A_48 = tpu.vector_load %arg6[%swap3A_47] {strides = array<i32>} : memref<128xf32, #tpu.memory_space<vmem>>, vector<16xf32>,
    %swap3A_49 = vector.shape_cast %swap3A_48 : vector<16xf32> to vector<16xf32>
    %swap3A_50 = vector.shape_cast %broadcast_in_dim3A_46 : vector<16xf32> to vector<16xf32>
    tpu.vector_store %arg6[%swap3A_47], %swap3A_50 {strides = array<i32>} : memref<128xf32, #tpu.memory_space<vmem>>, vector<16xf32>,
    %barrier3A = arith.constant 0 : index
    tpu.barrier barrier_id(%barrier3A)
    %scan3A = arith.constant 0 : i32
    %scan3A_51 = arith.constant 80 : i32
    %scan3A_52 = arith.addi %scan3A, %scan3A_51 : i32
    %scan3A_53 = arith.constant 1 : i32
    scf.for %scan3A_60 = %scan3A to %scan3A_52 step %scan3A_53  : i32 {
      %mul3A_61 = arith.constant 1 : i32
      %mul3A_62 = arith.muli %scan3A_60, %mul3A_61 : i32
      %add3A_63 = arith.constant 0 : i32
      %add3A_64 = arith.addi %add3A_63, %mul3A_62 : i32
      "tpu.region"() ({
        %run_scoped3A = tpu.sem_alloc : memref<!tpu.dma_semaphore, #tpu.memory_space<semaphore_mem>>
        %dma_start3A = arith.constant 0 : i32
        %dma_start3A_65 = tpu.memref_slice %arg5[%add3A_64, %dma_start3A] : memref<80x128xi32, #tpu.memory_space<vmem>> -> memref<1x128xi32, #tpu.memory_space<vmem>>
        %dma_start3A_66 = tpu.memref_squeeze %dma_start3A_65 : memref<1x128xi32, #tpu.memory_space<vmem>> -> memref<128xi32, #tpu.memory_space<vmem>>
        %dma_start3A_67 = arith.constant 0 : i32
        %dma_start3A_68 = tpu.memref_slice %arg7[%dma_start3A_67] : memref<10240xf32, #tpu.memory_space<vmem_shared>> -> memref<10240xf32, #tpu.memory_space<vmem_shared>>
        tpu.enqueue_indirect_dma source(%arg6 : memref<128xf32, #tpu.memory_space<vmem>>) target(%dma_start3A_68 : memref<10240xf32, #tpu.memory_space<vmem_shared>>) offsets(%dma_start3A_66 : memref<128xi32, #tpu.memory_space<vmem>>) semaphore(%run_scoped3A : memref<!tpu.dma_semaphore, #tpu.memory_space<semaphore_mem>>) {add = true}
        %dma_wait3A = arith.constant 0 : i32
        %dma_wait3A_69 = tpu.memref_slice %arg5[%add3A_64, %dma_wait3A] : memref<80x128xi32, #tpu.memory_space<vmem>> -> memref<1x128xi32, #tpu.memory_space<vmem>>
        %dma_wait3A_70 = tpu.memref_squeeze %dma_wait3A_69 : memref<1x128xi32, #tpu.memory_space<vmem>> -> memref<128xi32, #tpu.memory_space<vmem>>
        %dma_wait3A_71 = arith.constant 0 : i32
        %dma_wait3A_72 = tpu.memref_slice %arg7[%dma_wait3A_71] : memref<10240xf32, #tpu.memory_space<vmem_shared>> -> memref<10240xf32, #tpu.memory_space<vmem_shared>>
        tpu.wait_indirect_dma semaphore(%run_scoped3A : memref<!tpu.dma_semaphore, #tpu.memory_space<semaphore_mem>>) src(%arg6 : memref<128xf32, #tpu.memory_space<vmem>>) dst(%dma_wait3A_72 : memref<10240xf32, #tpu.memory_space<vmem_shared>>)
        tpu.yield
      }) : () -> ()
    }
    %scan3A_54 = arith.constant 80 : i32
    %barrier3A_55 = arith.constant 0 : index
    tpu.barrier barrier_id(%barrier3A_55)
    %mul3A_56 = arith.constant 640 : i32
    %mul3A_57 = arith.muli %arg1, %mul3A_56 : i32
    %mul3A_58 = arith.constant 640 : i32
    %mul3A_59 = arith.muli %arg1, %mul3A_58 : i32
    "tpu.region"() ({
      %run_scoped3A = tpu.sem_alloc : memref<!tpu.dma_semaphore, #tpu.memory_space<semaphore_mem>>
      %dma_start3A = tpu.memref_slice %arg4[%arg0, %mul3A_59] : memref<2x10240xf32, #tpu.memory_space<hbm>> -> memref<1x640xf32, #tpu.memory_space<hbm>>
      %dma_start3A_60 = tpu.memref_squeeze %dma_start3A : memref<1x640xf32, #tpu.memory_space<hbm>> -> memref<640xf32, #tpu.memory_space<hbm>>
      %dma_start3A_61 = tpu.memref_slice %arg7[%mul3A_57] : memref<10240xf32, #tpu.memory_space<vmem_shared>> -> memref<640xf32, #tpu.memory_space<vmem_shared>>
      tpu.enqueue_dma source(%dma_start3A_61 : memref<640xf32, #tpu.memory_space<vmem_shared>>) target(%dma_start3A_60 : memref<640xf32, #tpu.memory_space<hbm>>) target_semaphore(%run_scoped3A : memref<!tpu.dma_semaphore, #tpu.memory_space<semaphore_mem>>)
      %dma_wait3A = tpu.memref_slice %arg4[%arg0, %mul3A_59] : memref<2x10240xf32, #tpu.memory_space<hbm>> -> memref<1x640xf32, #tpu.memory_space<hbm>>
      %dma_wait3A_62 = tpu.memref_squeeze %dma_wait3A : memref<1x640xf32, #tpu.memory_space<hbm>> -> memref<640xf32, #tpu.memory_space<hbm>>
      %dma_wait3A_63 = tpu.memref_slice %arg7[%mul3A_57] : memref<10240xf32, #tpu.memory_space<vmem_shared>> -> memref<640xf32, #tpu.memory_space<vmem_shared>>
      tpu.wait_dma2 semaphore(%run_scoped3A : memref<!tpu.dma_semaphore, #tpu.memory_space<semaphore_mem>>) src(%dma_wait3A_63 : memref<640xf32, #tpu.memory_space<vmem_shared>>) dst(%dma_wait3A_62 : memref<640xf32, #tpu.memory_space<hbm>>)
      tpu.yield
    }) : () -> ()
    return
  }
}

#map = affine_map<(d0, d1) -> (0, 0)>
#map1 = affine_map<(d0, d1) -> (0, 0, 0)>
#map2 = affine_map<(d0, d1) -> (0, 0, 0, 0)>
module attributes {stable_mosaic.version = 14 : i64} {
  func.func @_agg_body(%arg0: i32, %arg1: i32, %arg2: memref<10240x64xf32, #tpu.memory_space<hbm>>, %arg3: memref<10240x64xf32, #tpu.memory_space<hbm>>, %arg4: memref<32x80x128xi32, #tpu.memory_space<hbm>>, %arg5: memref<32x80x128xi32, #tpu.memory_space<hbm>>, %arg6: memref<10240x64xf32, #tpu.memory_space<hbm>>, %arg7: memref<2x2x10240x64xf32, #tpu.memory_space<hbm>>, %arg8: memref<80x128xi32, #tpu.memory_space<vmem>>, %arg9: memref<80x128xi32, #tpu.memory_space<vmem>>, %arg10: memref<128x64xf32, #tpu.memory_space<vmem>>, %arg11: memref<128x64xf32, #tpu.memory_space<vmem>>, %arg12: memref<128x64xf32, #tpu.memory_space<vmem>>, %arg13: memref<128x64xf32, #tpu.memory_space<vmem>>, %arg14: memref<10240x64xf32, #tpu.memory_space<vmem_shared>>, %arg15: memref<!tpu.dma_semaphore, #tpu.memory_space<semaphore_mem>>, %arg16: memref<!tpu.dma_semaphore, #tpu.memory_space<semaphore_mem>>, %arg17: memref<!tpu.dma_semaphore, #tpu.memory_space<semaphore_mem>>, %arg18: memref<!tpu.dma_semaphore, #tpu.memory_space<semaphore_mem>>) attributes {dimension_semantics = [#tpu.dimension_semantics<core_parallel>, #tpu.dimension_semantics<subcore_parallel>], iteration_bounds = array<i64: 2, 16>, scalar_prefetch = 0 : i64, scratch_operands = 11 : i64, tpu.core_type = #tpu.core_type<sc_vector_subcore>, window_params = [{transform_indices = #map}, {transform_indices = #map}, {transform_indices = #map1}, {transform_indices = #map1}, {transform_indices = #map}, {transform_indices = #map2}]} {
    %mul3A = arith.constant 2 : i32
    %mul3A_0 = arith.muli %arg1, %mul3A : i32
    %add3A = arith.addi %mul3A_0, %arg0 : i32
    "tpu.region"() ({
      %run_scoped3A_85 = tpu.sem_alloc : memref<!tpu.dma_semaphore, #tpu.memory_space<semaphore_mem>>
      %dma_start3A_86 = arith.constant 0 : i32
      %dma_start3A_87 = arith.constant 0 : i32
      %dma_start3A_88 = tpu.memref_slice %arg4[%add3A, %dma_start3A_86, %dma_start3A_87] : memref<32x80x128xi32, #tpu.memory_space<hbm>> -> memref<1x80x128xi32, #tpu.memory_space<hbm>>
      %dma_start3A_89 = tpu.memref_squeeze %dma_start3A_88 : memref<1x80x128xi32, #tpu.memory_space<hbm>> -> memref<80x128xi32, #tpu.memory_space<hbm>>
      %dma_start3A_90 = arith.constant 0 : i32
      %dma_start3A_91 = arith.constant 0 : i32
      %dma_start3A_92 = tpu.memref_slice %arg4[%add3A, %dma_start3A_90, %dma_start3A_91] : memref<32x80x128xi32, #tpu.memory_space<hbm>> -> memref<1x80x128xi32, #tpu.memory_space<hbm>>
      %dma_start3A_93 = tpu.memref_squeeze %dma_start3A_92 : memref<1x80x128xi32, #tpu.memory_space<hbm>> -> memref<80x128xi32, #tpu.memory_space<hbm>>
      tpu.enqueue_dma source(%dma_start3A_93 : memref<80x128xi32, #tpu.memory_space<hbm>>) target(%arg8 : memref<80x128xi32, #tpu.memory_space<vmem>>) target_semaphore(%run_scoped3A_85 : memref<!tpu.dma_semaphore, #tpu.memory_space<semaphore_mem>>)
      %dma_wait3A = arith.constant 0 : i32
      %dma_wait3A_94 = arith.constant 0 : i32
      %dma_wait3A_95 = tpu.memref_slice %arg4[%add3A, %dma_wait3A, %dma_wait3A_94] : memref<32x80x128xi32, #tpu.memory_space<hbm>> -> memref<1x80x128xi32, #tpu.memory_space<hbm>>
      %dma_wait3A_96 = tpu.memref_squeeze %dma_wait3A_95 : memref<1x80x128xi32, #tpu.memory_space<hbm>> -> memref<80x128xi32, #tpu.memory_space<hbm>>
      %dma_wait3A_97 = arith.constant 0 : i32
      %dma_wait3A_98 = arith.constant 0 : i32
      %dma_wait3A_99 = tpu.memref_slice %arg4[%add3A, %dma_wait3A_97, %dma_wait3A_98] : memref<32x80x128xi32, #tpu.memory_space<hbm>> -> memref<1x80x128xi32, #tpu.memory_space<hbm>>
      %dma_wait3A_100 = tpu.memref_squeeze %dma_wait3A_99 : memref<1x80x128xi32, #tpu.memory_space<hbm>> -> memref<80x128xi32, #tpu.memory_space<hbm>>
      tpu.wait_dma2 semaphore(%run_scoped3A_85 : memref<!tpu.dma_semaphore, #tpu.memory_space<semaphore_mem>>) src(%dma_wait3A_100 : memref<80x128xi32, #tpu.memory_space<hbm>>) dst(%arg8 : memref<80x128xi32, #tpu.memory_space<vmem>>)
      tpu.yield
    }) : () -> ()
    "tpu.region"() ({
      %run_scoped3A_85 = tpu.sem_alloc : memref<!tpu.dma_semaphore, #tpu.memory_space<semaphore_mem>>
      %dma_start3A_86 = arith.constant 0 : i32
      %dma_start3A_87 = arith.constant 0 : i32
      %dma_start3A_88 = tpu.memref_slice %arg5[%add3A, %dma_start3A_86, %dma_start3A_87] : memref<32x80x128xi32, #tpu.memory_space<hbm>> -> memref<1x80x128xi32, #tpu.memory_space<hbm>>
      %dma_start3A_89 = tpu.memref_squeeze %dma_start3A_88 : memref<1x80x128xi32, #tpu.memory_space<hbm>> -> memref<80x128xi32, #tpu.memory_space<hbm>>
      %dma_start3A_90 = arith.constant 0 : i32
      %dma_start3A_91 = arith.constant 0 : i32
      %dma_start3A_92 = tpu.memref_slice %arg5[%add3A, %dma_start3A_90, %dma_start3A_91] : memref<32x80x128xi32, #tpu.memory_space<hbm>> -> memref<1x80x128xi32, #tpu.memory_space<hbm>>
      %dma_start3A_93 = tpu.memref_squeeze %dma_start3A_92 : memref<1x80x128xi32, #tpu.memory_space<hbm>> -> memref<80x128xi32, #tpu.memory_space<hbm>>
      tpu.enqueue_dma source(%dma_start3A_93 : memref<80x128xi32, #tpu.memory_space<hbm>>) target(%arg9 : memref<80x128xi32, #tpu.memory_space<vmem>>) target_semaphore(%run_scoped3A_85 : memref<!tpu.dma_semaphore, #tpu.memory_space<semaphore_mem>>)
      %dma_wait3A = arith.constant 0 : i32
      %dma_wait3A_94 = arith.constant 0 : i32
      %dma_wait3A_95 = tpu.memref_slice %arg5[%add3A, %dma_wait3A, %dma_wait3A_94] : memref<32x80x128xi32, #tpu.memory_space<hbm>> -> memref<1x80x128xi32, #tpu.memory_space<hbm>>
      %dma_wait3A_96 = tpu.memref_squeeze %dma_wait3A_95 : memref<1x80x128xi32, #tpu.memory_space<hbm>> -> memref<80x128xi32, #tpu.memory_space<hbm>>
      %dma_wait3A_97 = arith.constant 0 : i32
      %dma_wait3A_98 = arith.constant 0 : i32
      %dma_wait3A_99 = tpu.memref_slice %arg5[%add3A, %dma_wait3A_97, %dma_wait3A_98] : memref<32x80x128xi32, #tpu.memory_space<hbm>> -> memref<1x80x128xi32, #tpu.memory_space<hbm>>
      %dma_wait3A_100 = tpu.memref_squeeze %dma_wait3A_99 : memref<1x80x128xi32, #tpu.memory_space<hbm>> -> memref<80x128xi32, #tpu.memory_space<hbm>>
      tpu.wait_dma2 semaphore(%run_scoped3A_85 : memref<!tpu.dma_semaphore, #tpu.memory_space<semaphore_mem>>) src(%dma_wait3A_100 : memref<80x128xi32, #tpu.memory_space<hbm>>) dst(%arg9 : memref<80x128xi32, #tpu.memory_space<vmem>>)
      tpu.yield
    }) : () -> ()
    %mul3A_1 = arith.constant 640 : i32
    %mul3A_2 = arith.muli %arg1, %mul3A_1 : i32
    %mul3A_3 = arith.constant 640 : i32
    %mul3A_4 = arith.muli %arg1, %mul3A_3 : i32
    "tpu.region"() ({
      %run_scoped3A_85 = tpu.sem_alloc : memref<!tpu.dma_semaphore, #tpu.memory_space<semaphore_mem>>
      %dma_start3A_86 = arith.constant 0 : i32
      %dma_start3A_87 = tpu.memref_slice %arg14[%mul3A_4, %dma_start3A_86] : memref<10240x64xf32, #tpu.memory_space<vmem_shared>> -> memref<640x64xf32, #tpu.memory_space<vmem_shared>>
      %dma_start3A_88 = arith.constant 0 : i32
      %dma_start3A_89 = tpu.memref_slice %arg6[%mul3A_2, %dma_start3A_88] : memref<10240x64xf32, #tpu.memory_space<hbm>> -> memref<640x64xf32, #tpu.memory_space<hbm>>
      tpu.enqueue_dma source(%dma_start3A_89 : memref<640x64xf32, #tpu.memory_space<hbm>>) target(%dma_start3A_87 : memref<640x64xf32, #tpu.memory_space<vmem_shared>>) target_semaphore(%run_scoped3A_85 : memref<!tpu.dma_semaphore, #tpu.memory_space<semaphore_mem>>)
      %dma_wait3A = arith.constant 0 : i32
      %dma_wait3A_90 = tpu.memref_slice %arg14[%mul3A_4, %dma_wait3A] : memref<10240x64xf32, #tpu.memory_space<vmem_shared>> -> memref<640x64xf32, #tpu.memory_space<vmem_shared>>
      %dma_wait3A_91 = arith.constant 0 : i32
      %dma_wait3A_92 = tpu.memref_slice %arg6[%mul3A_2, %dma_wait3A_91] : memref<10240x64xf32, #tpu.memory_space<hbm>> -> memref<640x64xf32, #tpu.memory_space<hbm>>
      tpu.wait_dma2 semaphore(%run_scoped3A_85 : memref<!tpu.dma_semaphore, #tpu.memory_space<semaphore_mem>>) src(%dma_wait3A_92 : memref<640x64xf32, #tpu.memory_space<hbm>>) dst(%dma_wait3A_90 : memref<640x64xf32, #tpu.memory_space<vmem_shared>>)
      tpu.yield
    }) : () -> ()
    %barrier3A = arith.constant 0 : index
    tpu.barrier barrier_id(%barrier3A)
    %dma_start3A = arith.constant 0 : i32
    %dma_start3A_5 = arith.constant 0 : i32
    %dma_start3A_6 = tpu.memref_slice %arg8[%dma_start3A, %dma_start3A_5] : memref<80x128xi32, #tpu.memory_space<vmem>> -> memref<1x128xi32, #tpu.memory_space<vmem>>
    %dma_start3A_7 = tpu.memref_squeeze %dma_start3A_6 : memref<1x128xi32, #tpu.memory_space<vmem>> -> memref<128xi32, #tpu.memory_space<vmem>>
    %dma_start3A_8 = arith.constant 0 : i32
    %dma_start3A_9 = arith.constant 0 : i32
    %dma_start3A_10 = tpu.memref_slice %arg2[%dma_start3A_8, %dma_start3A_9] : memref<10240x64xf32, #tpu.memory_space<hbm>> -> memref<10240x64xf32, #tpu.memory_space<hbm>>
    tpu.enqueue_indirect_dma source(%dma_start3A_10 : memref<10240x64xf32, #tpu.memory_space<hbm>>) target(%arg10 : memref<128x64xf32, #tpu.memory_space<vmem>>) offsets(%dma_start3A_7 : memref<128xi32, #tpu.memory_space<vmem>>) semaphore(%arg15 : memref<!tpu.dma_semaphore, #tpu.memory_space<semaphore_mem>>)
    %dma_start3A_11 = arith.constant 1 : i32
    %dma_start3A_12 = arith.constant 0 : i32
    %dma_start3A_13 = tpu.memref_slice %arg8[%dma_start3A_11, %dma_start3A_12] : memref<80x128xi32, #tpu.memory_space<vmem>> -> memref<1x128xi32, #tpu.memory_space<vmem>>
    %dma_start3A_14 = tpu.memref_squeeze %dma_start3A_13 : memref<1x128xi32, #tpu.memory_space<vmem>> -> memref<128xi32, #tpu.memory_space<vmem>>
    %dma_start3A_15 = arith.constant 0 : i32
    %dma_start3A_16 = arith.constant 0 : i32
    %dma_start3A_17 = tpu.memref_slice %arg2[%dma_start3A_15, %dma_start3A_16] : memref<10240x64xf32, #tpu.memory_space<hbm>> -> memref<10240x64xf32, #tpu.memory_space<hbm>>
    tpu.enqueue_indirect_dma source(%dma_start3A_17 : memref<10240x64xf32, #tpu.memory_space<hbm>>) target(%arg11 : memref<128x64xf32, #tpu.memory_space<vmem>>) offsets(%dma_start3A_14 : memref<128xi32, #tpu.memory_space<vmem>>) semaphore(%arg16 : memref<!tpu.dma_semaphore, #tpu.memory_space<semaphore_mem>>)
    %dma_start3A_18 = arith.constant 2 : i32
    %dma_start3A_19 = arith.constant 0 : i32
    %dma_start3A_20 = tpu.memref_slice %arg8[%dma_start3A_18, %dma_start3A_19] : memref<80x128xi32, #tpu.memory_space<vmem>> -> memref<1x128xi32, #tpu.memory_space<vmem>>
    %dma_start3A_21 = tpu.memref_squeeze %dma_start3A_20 : memref<1x128xi32, #tpu.memory_space<vmem>> -> memref<128xi32, #tpu.memory_space<vmem>>
    %dma_start3A_22 = arith.constant 0 : i32
    %dma_start3A_23 = arith.constant 0 : i32
    %dma_start3A_24 = tpu.memref_slice %arg2[%dma_start3A_22, %dma_start3A_23] : memref<10240x64xf32, #tpu.memory_space<hbm>> -> memref<10240x64xf32, #tpu.memory_space<hbm>>
    tpu.enqueue_indirect_dma source(%dma_start3A_24 : memref<10240x64xf32, #tpu.memory_space<hbm>>) target(%arg12 : memref<128x64xf32, #tpu.memory_space<vmem>>) offsets(%dma_start3A_21 : memref<128xi32, #tpu.memory_space<vmem>>) semaphore(%arg17 : memref<!tpu.dma_semaphore, #tpu.memory_space<semaphore_mem>>)
    %dma_start3A_25 = arith.constant 3 : i32
    %dma_start3A_26 = arith.constant 0 : i32
    %dma_start3A_27 = tpu.memref_slice %arg8[%dma_start3A_25, %dma_start3A_26] : memref<80x128xi32, #tpu.memory_space<vmem>> -> memref<1x128xi32, #tpu.memory_space<vmem>>
    %dma_start3A_28 = tpu.memref_squeeze %dma_start3A_27 : memref<1x128xi32, #tpu.memory_space<vmem>> -> memref<128xi32, #tpu.memory_space<vmem>>
    %dma_start3A_29 = arith.constant 0 : i32
    %dma_start3A_30 = arith.constant 0 : i32
    %dma_start3A_31 = tpu.memref_slice %arg2[%dma_start3A_29, %dma_start3A_30] : memref<10240x64xf32, #tpu.memory_space<hbm>> -> memref<10240x64xf32, #tpu.memory_space<hbm>>
    tpu.enqueue_indirect_dma source(%dma_start3A_31 : memref<10240x64xf32, #tpu.memory_space<hbm>>) target(%arg13 : memref<128x64xf32, #tpu.memory_space<vmem>>) offsets(%dma_start3A_28 : memref<128xi32, #tpu.memory_space<vmem>>) semaphore(%arg18 : memref<!tpu.dma_semaphore, #tpu.memory_space<semaphore_mem>>)
    %scan3A = arith.constant 0 : i32
    %scan3A_32 = arith.constant 20 : i32
    %scan3A_33 = arith.addi %scan3A, %scan3A_32 : i32
    %scan3A_34 = arith.constant 1 : i32
    scf.for %scan3A_85 = %scan3A to %scan3A_33 step %scan3A_34  : i32 {
      %mul3A_86 = arith.constant 4 : i32
      %mul3A_87 = arith.muli %scan3A_85, %mul3A_86 : i32
      %add3A_88 = arith.constant 0 : i32
      %add3A_89 = arith.addi %add3A_88, %mul3A_87 : i32
      %add3A_90 = arith.constant 0 : i32
      %add3A_91 = arith.addi %add3A_89, %add3A_90 : i32
      %dma_wait3A = arith.constant 0 : i32
      %dma_wait3A_92 = tpu.memref_slice %arg8[%add3A_91, %dma_wait3A] : memref<80x128xi32, #tpu.memory_space<vmem>> -> memref<1x128xi32, #tpu.memory_space<vmem>>
      %dma_wait3A_93 = tpu.memref_squeeze %dma_wait3A_92 : memref<1x128xi32, #tpu.memory_space<vmem>> -> memref<128xi32, #tpu.memory_space<vmem>>
      %dma_wait3A_94 = arith.constant 0 : i32
      %dma_wait3A_95 = arith.constant 0 : i32
      %dma_wait3A_96 = tpu.memref_slice %arg2[%dma_wait3A_94, %dma_wait3A_95] : memref<10240x64xf32, #tpu.memory_space<hbm>> -> memref<10240x64xf32, #tpu.memory_space<hbm>>
      tpu.wait_indirect_dma semaphore(%arg15 : memref<!tpu.dma_semaphore, #tpu.memory_space<semaphore_mem>>) src(%dma_wait3A_96 : memref<10240x64xf32, #tpu.memory_space<hbm>>) dst(%arg10 : memref<128x64xf32, #tpu.memory_space<vmem>>)
      "tpu.region"() ({
        %run_scoped3A_146 = tpu.sem_alloc : memref<!tpu.dma_semaphore, #tpu.memory_space<semaphore_mem>>
        %dma_start3A_147 = arith.constant 0 : i32
        %dma_start3A_148 = tpu.memref_slice %arg9[%add3A_91, %dma_start3A_147] : memref<80x128xi32, #tpu.memory_space<vmem>> -> memref<1x128xi32, #tpu.memory_space<vmem>>
        %dma_start3A_149 = tpu.memref_squeeze %dma_start3A_148 : memref<1x128xi32, #tpu.memory_space<vmem>> -> memref<128xi32, #tpu.memory_space<vmem>>
        %dma_start3A_150 = arith.constant 0 : i32
        %dma_start3A_151 = arith.constant 0 : i32
        %dma_start3A_152 = tpu.memref_slice %arg14[%dma_start3A_150, %dma_start3A_151] : memref<10240x64xf32, #tpu.memory_space<vmem_shared>> -> memref<10240x64xf32, #tpu.memory_space<vmem_shared>>
        tpu.enqueue_indirect_dma source(%arg10 : memref<128x64xf32, #tpu.memory_space<vmem>>) target(%dma_start3A_152 : memref<10240x64xf32, #tpu.memory_space<vmem_shared>>) offsets(%dma_start3A_149 : memref<128xi32, #tpu.memory_space<vmem>>) semaphore(%run_scoped3A_146 : memref<!tpu.dma_semaphore, #tpu.memory_space<semaphore_mem>>) {add = true}
        %dma_wait3A_153 = arith.constant 0 : i32
        %dma_wait3A_154 = tpu.memref_slice %arg9[%add3A_91, %dma_wait3A_153] : memref<80x128xi32, #tpu.memory_space<vmem>> -> memref<1x128xi32, #tpu.memory_space<vmem>>
        %dma_wait3A_155 = tpu.memref_squeeze %dma_wait3A_154 : memref<1x128xi32, #tpu.memory_space<vmem>> -> memref<128xi32, #tpu.memory_space<vmem>>
        %dma_wait3A_156 = arith.constant 0 : i32
        %dma_wait3A_157 = arith.constant 0 : i32
        %dma_wait3A_158 = tpu.memref_slice %arg14[%dma_wait3A_156, %dma_wait3A_157] : memref<10240x64xf32, #tpu.memory_space<vmem_shared>> -> memref<10240x64xf32, #tpu.memory_space<vmem_shared>>
        tpu.wait_indirect_dma semaphore(%run_scoped3A_146 : memref<!tpu.dma_semaphore, #tpu.memory_space<semaphore_mem>>) src(%arg10 : memref<128x64xf32, #tpu.memory_space<vmem>>) dst(%dma_wait3A_158 : memref<10240x64xf32, #tpu.memory_space<vmem_shared>>)
        tpu.yield
      }) : () -> ()
      %add3A_97 = arith.constant 4 : i32
      %add3A_98 = arith.addi %add3A_91, %add3A_97 : i32
      %lt3A = arith.constant 80 : i32
      %lt3A_99 = arith.cmpi slt, %add3A_98, %lt3A : i32
      %convert_element_type3A = arith.extui %lt3A_99 : i1 to i32
      %cond3A = arith.constant 0 : i32
      %cond3A_100 = arith.cmpi ne, %convert_element_type3A, %cond3A : i32
      scf.if %cond3A_100 {
        %dma_start3A_146 = arith.constant 0 : i32
        %dma_start3A_147 = tpu.memref_slice %arg8[%add3A_98, %dma_start3A_146] : memref<80x128xi32, #tpu.memory_space<vmem>> -> memref<1x128xi32, #tpu.memory_space<vmem>>
        %dma_start3A_148 = tpu.memref_squeeze %dma_start3A_147 : memref<1x128xi32, #tpu.memory_space<vmem>> -> memref<128xi32, #tpu.memory_space<vmem>>
        %dma_start3A_149 = arith.constant 0 : i32
        %dma_start3A_150 = arith.constant 0 : i32
        %dma_start3A_151 = tpu.memref_slice %arg2[%dma_start3A_149, %dma_start3A_150] : memref<10240x64xf32, #tpu.memory_space<hbm>> -> memref<10240x64xf32, #tpu.memory_space<hbm>>
        tpu.enqueue_indirect_dma source(%dma_start3A_151 : memref<10240x64xf32, #tpu.memory_space<hbm>>) target(%arg10 : memref<128x64xf32, #tpu.memory_space<vmem>>) offsets(%dma_start3A_148 : memref<128xi32, #tpu.memory_space<vmem>>) semaphore(%arg15 : memref<!tpu.dma_semaphore, #tpu.memory_space<semaphore_mem>>)
      } else {
      }
      %add3A_101 = arith.constant 1 : i32
      %add3A_102 = arith.addi %add3A_89, %add3A_101 : i32
      %dma_wait3A_103 = arith.constant 0 : i32
      %dma_wait3A_104 = tpu.memref_slice %arg8[%add3A_102, %dma_wait3A_103] : memref<80x128xi32, #tpu.memory_space<vmem>> -> memref<1x128xi32, #tpu.memory_space<vmem>>
      %dma_wait3A_105 = tpu.memref_squeeze %dma_wait3A_104 : memref<1x128xi32, #tpu.memory_space<vmem>> -> memref<128xi32, #tpu.memory_space<vmem>>
      %dma_wait3A_106 = arith.constant 0 : i32
      %dma_wait3A_107 = arith.constant 0 : i32
      %dma_wait3A_108 = tpu.memref_slice %arg2[%dma_wait3A_106, %dma_wait3A_107] : memref<10240x64xf32, #tpu.memory_space<hbm>> -> memref<10240x64xf32, #tpu.memory_space<hbm>>
      tpu.wait_indirect_dma semaphore(%arg16 : memref<!tpu.dma_semaphore, #tpu.memory_space<semaphore_mem>>) src(%dma_wait3A_108 : memref<10240x64xf32, #tpu.memory_space<hbm>>) dst(%arg11 : memref<128x64xf32, #tpu.memory_space<vmem>>)
      "tpu.region"() ({
        %run_scoped3A_146 = tpu.sem_alloc : memref<!tpu.dma_semaphore, #tpu.memory_space<semaphore_mem>>
        %dma_start3A_147 = arith.constant 0 : i32
        %dma_start3A_148 = tpu.memref_slice %arg9[%add3A_102, %dma_start3A_147] : memref<80x128xi32, #tpu.memory_space<vmem>> -> memref<1x128xi32, #tpu.memory_space<vmem>>
        %dma_start3A_149 = tpu.memref_squeeze %dma_start3A_148 : memref<1x128xi32, #tpu.memory_space<vmem>> -> memref<128xi32, #tpu.memory_space<vmem>>
        %dma_start3A_150 = arith.constant 0 : i32
        %dma_start3A_151 = arith.constant 0 : i32
        %dma_start3A_152 = tpu.memref_slice %arg14[%dma_start3A_150, %dma_start3A_151] : memref<10240x64xf32, #tpu.memory_space<vmem_shared>> -> memref<10240x64xf32, #tpu.memory_space<vmem_shared>>
        tpu.enqueue_indirect_dma source(%arg11 : memref<128x64xf32, #tpu.memory_space<vmem>>) target(%dma_start3A_152 : memref<10240x64xf32, #tpu.memory_space<vmem_shared>>) offsets(%dma_start3A_149 : memref<128xi32, #tpu.memory_space<vmem>>) semaphore(%run_scoped3A_146 : memref<!tpu.dma_semaphore, #tpu.memory_space<semaphore_mem>>) {add = true}
        %dma_wait3A_153 = arith.constant 0 : i32
        %dma_wait3A_154 = tpu.memref_slice %arg9[%add3A_102, %dma_wait3A_153] : memref<80x128xi32, #tpu.memory_space<vmem>> -> memref<1x128xi32, #tpu.memory_space<vmem>>
        %dma_wait3A_155 = tpu.memref_squeeze %dma_wait3A_154 : memref<1x128xi32, #tpu.memory_space<vmem>> -> memref<128xi32, #tpu.memory_space<vmem>>
        %dma_wait3A_156 = arith.constant 0 : i32
        %dma_wait3A_157 = arith.constant 0 : i32
        %dma_wait3A_158 = tpu.memref_slice %arg14[%dma_wait3A_156, %dma_wait3A_157] : memref<10240x64xf32, #tpu.memory_space<vmem_shared>> -> memref<10240x64xf32, #tpu.memory_space<vmem_shared>>
        tpu.wait_indirect_dma semaphore(%run_scoped3A_146 : memref<!tpu.dma_semaphore, #tpu.memory_space<semaphore_mem>>) src(%arg11 : memref<128x64xf32, #tpu.memory_space<vmem>>) dst(%dma_wait3A_158 : memref<10240x64xf32, #tpu.memory_space<vmem_shared>>)
        tpu.yield
      }) : () -> ()
      %add3A_109 = arith.constant 4 : i32
      %add3A_110 = arith.addi %add3A_102, %add3A_109 : i32
      %lt3A_111 = arith.constant 80 : i32
      %lt3A_112 = arith.cmpi slt, %add3A_110, %lt3A_111 : i32
      %convert_element_type3A_113 = arith.extui %lt3A_112 : i1 to i32
      %cond3A_114 = arith.constant 0 : i32
      %cond3A_115 = arith.cmpi ne, %convert_element_type3A_113, %cond3A_114 : i32
      scf.if %cond3A_115 {
        %dma_start3A_146 = arith.constant 0 : i32
        %dma_start3A_147 = tpu.memref_slice %arg8[%add3A_110, %dma_start3A_146] : memref<80x128xi32, #tpu.memory_space<vmem>> -> memref<1x128xi32, #tpu.memory_space<vmem>>
        %dma_start3A_148 = tpu.memref_squeeze %dma_start3A_147 : memref<1x128xi32, #tpu.memory_space<vmem>> -> memref<128xi32, #tpu.memory_space<vmem>>
        %dma_start3A_149 = arith.constant 0 : i32
        %dma_start3A_150 = arith.constant 0 : i32
        %dma_start3A_151 = tpu.memref_slice %arg2[%dma_start3A_149, %dma_start3A_150] : memref<10240x64xf32, #tpu.memory_space<hbm>> -> memref<10240x64xf32, #tpu.memory_space<hbm>>
        tpu.enqueue_indirect_dma source(%dma_start3A_151 : memref<10240x64xf32, #tpu.memory_space<hbm>>) target(%arg11 : memref<128x64xf32, #tpu.memory_space<vmem>>) offsets(%dma_start3A_148 : memref<128xi32, #tpu.memory_space<vmem>>) semaphore(%arg16 : memref<!tpu.dma_semaphore, #tpu.memory_space<semaphore_mem>>)
      } else {
      }
      %add3A_116 = arith.constant 2 : i32
      %add3A_117 = arith.addi %add3A_89, %add3A_116 : i32
      %dma_wait3A_118 = arith.constant 0 : i32
      %dma_wait3A_119 = tpu.memref_slice %arg8[%add3A_117, %dma_wait3A_118] : memref<80x128xi32, #tpu.memory_space<vmem>> -> memref<1x128xi32, #tpu.memory_space<vmem>>
      %dma_wait3A_120 = tpu.memref_squeeze %dma_wait3A_119 : memref<1x128xi32, #tpu.memory_space<vmem>> -> memref<128xi32, #tpu.memory_space<vmem>>
      %dma_wait3A_121 = arith.constant 0 : i32
      %dma_wait3A_122 = arith.constant 0 : i32
      %dma_wait3A_123 = tpu.memref_slice %arg2[%dma_wait3A_121, %dma_wait3A_122] : memref<10240x64xf32, #tpu.memory_space<hbm>> -> memref<10240x64xf32, #tpu.memory_space<hbm>>
      tpu.wait_indirect_dma semaphore(%arg17 : memref<!tpu.dma_semaphore, #tpu.memory_space<semaphore_mem>>) src(%dma_wait3A_123 : memref<10240x64xf32, #tpu.memory_space<hbm>>) dst(%arg12 : memref<128x64xf32, #tpu.memory_space<vmem>>)
      "tpu.region"() ({
        %run_scoped3A_146 = tpu.sem_alloc : memref<!tpu.dma_semaphore, #tpu.memory_space<semaphore_mem>>
        %dma_start3A_147 = arith.constant 0 : i32
        %dma_start3A_148 = tpu.memref_slice %arg9[%add3A_117, %dma_start3A_147] : memref<80x128xi32, #tpu.memory_space<vmem>> -> memref<1x128xi32, #tpu.memory_space<vmem>>
        %dma_start3A_149 = tpu.memref_squeeze %dma_start3A_148 : memref<1x128xi32, #tpu.memory_space<vmem>> -> memref<128xi32, #tpu.memory_space<vmem>>
        %dma_start3A_150 = arith.constant 0 : i32
        %dma_start3A_151 = arith.constant 0 : i32
        %dma_start3A_152 = tpu.memref_slice %arg14[%dma_start3A_150, %dma_start3A_151] : memref<10240x64xf32, #tpu.memory_space<vmem_shared>> -> memref<10240x64xf32, #tpu.memory_space<vmem_shared>>
        tpu.enqueue_indirect_dma source(%arg12 : memref<128x64xf32, #tpu.memory_space<vmem>>) target(%dma_start3A_152 : memref<10240x64xf32, #tpu.memory_space<vmem_shared>>) offsets(%dma_start3A_149 : memref<128xi32, #tpu.memory_space<vmem>>) semaphore(%run_scoped3A_146 : memref<!tpu.dma_semaphore, #tpu.memory_space<semaphore_mem>>) {add = true}
        %dma_wait3A_153 = arith.constant 0 : i32
        %dma_wait3A_154 = tpu.memref_slice %arg9[%add3A_117, %dma_wait3A_153] : memref<80x128xi32, #tpu.memory_space<vmem>> -> memref<1x128xi32, #tpu.memory_space<vmem>>
        %dma_wait3A_155 = tpu.memref_squeeze %dma_wait3A_154 : memref<1x128xi32, #tpu.memory_space<vmem>> -> memref<128xi32, #tpu.memory_space<vmem>>
        %dma_wait3A_156 = arith.constant 0 : i32
        %dma_wait3A_157 = arith.constant 0 : i32
        %dma_wait3A_158 = tpu.memref_slice %arg14[%dma_wait3A_156, %dma_wait3A_157] : memref<10240x64xf32, #tpu.memory_space<vmem_shared>> -> memref<10240x64xf32, #tpu.memory_space<vmem_shared>>
        tpu.wait_indirect_dma semaphore(%run_scoped3A_146 : memref<!tpu.dma_semaphore, #tpu.memory_space<semaphore_mem>>) src(%arg12 : memref<128x64xf32, #tpu.memory_space<vmem>>) dst(%dma_wait3A_158 : memref<10240x64xf32, #tpu.memory_space<vmem_shared>>)
        tpu.yield
      }) : () -> ()
      %add3A_124 = arith.constant 4 : i32
      %add3A_125 = arith.addi %add3A_117, %add3A_124 : i32
      %lt3A_126 = arith.constant 80 : i32
      %lt3A_127 = arith.cmpi slt, %add3A_125, %lt3A_126 : i32
      %convert_element_type3A_128 = arith.extui %lt3A_127 : i1 to i32
      %cond3A_129 = arith.constant 0 : i32
      %cond3A_130 = arith.cmpi ne, %convert_element_type3A_128, %cond3A_129 : i32
      scf.if %cond3A_130 {
        %dma_start3A_146 = arith.constant 0 : i32
        %dma_start3A_147 = tpu.memref_slice %arg8[%add3A_125, %dma_start3A_146] : memref<80x128xi32, #tpu.memory_space<vmem>> -> memref<1x128xi32, #tpu.memory_space<vmem>>
        %dma_start3A_148 = tpu.memref_squeeze %dma_start3A_147 : memref<1x128xi32, #tpu.memory_space<vmem>> -> memref<128xi32, #tpu.memory_space<vmem>>
        %dma_start3A_149 = arith.constant 0 : i32
        %dma_start3A_150 = arith.constant 0 : i32
        %dma_start3A_151 = tpu.memref_slice %arg2[%dma_start3A_149, %dma_start3A_150] : memref<10240x64xf32, #tpu.memory_space<hbm>> -> memref<10240x64xf32, #tpu.memory_space<hbm>>
        tpu.enqueue_indirect_dma source(%dma_start3A_151 : memref<10240x64xf32, #tpu.memory_space<hbm>>) target(%arg12 : memref<128x64xf32, #tpu.memory_space<vmem>>) offsets(%dma_start3A_148 : memref<128xi32, #tpu.memory_space<vmem>>) semaphore(%arg17 : memref<!tpu.dma_semaphore, #tpu.memory_space<semaphore_mem>>)
      } else {
      }
      %add3A_131 = arith.constant 3 : i32
      %add3A_132 = arith.addi %add3A_89, %add3A_131 : i32
      %dma_wait3A_133 = arith.constant 0 : i32
      %dma_wait3A_134 = tpu.memref_slice %arg8[%add3A_132, %dma_wait3A_133] : memref<80x128xi32, #tpu.memory_space<vmem>> -> memref<1x128xi32, #tpu.memory_space<vmem>>
      %dma_wait3A_135 = tpu.memref_squeeze %dma_wait3A_134 : memref<1x128xi32, #tpu.memory_space<vmem>> -> memref<128xi32, #tpu.memory_space<vmem>>
      %dma_wait3A_136 = arith.constant 0 : i32
      %dma_wait3A_137 = arith.constant 0 : i32
      %dma_wait3A_138 = tpu.memref_slice %arg2[%dma_wait3A_136, %dma_wait3A_137] : memref<10240x64xf32, #tpu.memory_space<hbm>> -> memref<10240x64xf32, #tpu.memory_space<hbm>>
      tpu.wait_indirect_dma semaphore(%arg18 : memref<!tpu.dma_semaphore, #tpu.memory_space<semaphore_mem>>) src(%dma_wait3A_138 : memref<10240x64xf32, #tpu.memory_space<hbm>>) dst(%arg13 : memref<128x64xf32, #tpu.memory_space<vmem>>)
      "tpu.region"() ({
        %run_scoped3A_146 = tpu.sem_alloc : memref<!tpu.dma_semaphore, #tpu.memory_space<semaphore_mem>>
        %dma_start3A_147 = arith.constant 0 : i32
        %dma_start3A_148 = tpu.memref_slice %arg9[%add3A_132, %dma_start3A_147] : memref<80x128xi32, #tpu.memory_space<vmem>> -> memref<1x128xi32, #tpu.memory_space<vmem>>
        %dma_start3A_149 = tpu.memref_squeeze %dma_start3A_148 : memref<1x128xi32, #tpu.memory_space<vmem>> -> memref<128xi32, #tpu.memory_space<vmem>>
        %dma_start3A_150 = arith.constant 0 : i32
        %dma_start3A_151 = arith.constant 0 : i32
        %dma_start3A_152 = tpu.memref_slice %arg14[%dma_start3A_150, %dma_start3A_151] : memref<10240x64xf32, #tpu.memory_space<vmem_shared>> -> memref<10240x64xf32, #tpu.memory_space<vmem_shared>>
        tpu.enqueue_indirect_dma source(%arg13 : memref<128x64xf32, #tpu.memory_space<vmem>>) target(%dma_start3A_152 : memref<10240x64xf32, #tpu.memory_space<vmem_shared>>) offsets(%dma_start3A_149 : memref<128xi32, #tpu.memory_space<vmem>>) semaphore(%run_scoped3A_146 : memref<!tpu.dma_semaphore, #tpu.memory_space<semaphore_mem>>) {add = true}
        %dma_wait3A_153 = arith.constant 0 : i32
        %dma_wait3A_154 = tpu.memref_slice %arg9[%add3A_132, %dma_wait3A_153] : memref<80x128xi32, #tpu.memory_space<vmem>> -> memref<1x128xi32, #tpu.memory_space<vmem>>
        %dma_wait3A_155 = tpu.memref_squeeze %dma_wait3A_154 : memref<1x128xi32, #tpu.memory_space<vmem>> -> memref<128xi32, #tpu.memory_space<vmem>>
        %dma_wait3A_156 = arith.constant 0 : i32
        %dma_wait3A_157 = arith.constant 0 : i32
        %dma_wait3A_158 = tpu.memref_slice %arg14[%dma_wait3A_156, %dma_wait3A_157] : memref<10240x64xf32, #tpu.memory_space<vmem_shared>> -> memref<10240x64xf32, #tpu.memory_space<vmem_shared>>
        tpu.wait_indirect_dma semaphore(%run_scoped3A_146 : memref<!tpu.dma_semaphore, #tpu.memory_space<semaphore_mem>>) src(%arg13 : memref<128x64xf32, #tpu.memory_space<vmem>>) dst(%dma_wait3A_158 : memref<10240x64xf32, #tpu.memory_space<vmem_shared>>)
        tpu.yield
      }) : () -> ()
      %add3A_139 = arith.constant 4 : i32
      %add3A_140 = arith.addi %add3A_132, %add3A_139 : i32
      %lt3A_141 = arith.constant 80 : i32
      %lt3A_142 = arith.cmpi slt, %add3A_140, %lt3A_141 : i32
      %convert_element_type3A_143 = arith.extui %lt3A_142 : i1 to i32
      %cond3A_144 = arith.constant 0 : i32
      %cond3A_145 = arith.cmpi ne, %convert_element_type3A_143, %cond3A_144 : i32
      scf.if %cond3A_145 {
        %dma_start3A_146 = arith.constant 0 : i32
        %dma_start3A_147 = tpu.memref_slice %arg8[%add3A_140, %dma_start3A_146] : memref<80x128xi32, #tpu.memory_space<vmem>> -> memref<1x128xi32, #tpu.memory_space<vmem>>
        %dma_start3A_148 = tpu.memref_squeeze %dma_start3A_147 : memref<1x128xi32, #tpu.memory_space<vmem>> -> memref<128xi32, #tpu.memory_space<vmem>>
        %dma_start3A_149 = arith.constant 0 : i32
        %dma_start3A_150 = arith.constant 0 : i32
        %dma_start3A_151 = tpu.memref_slice %arg2[%dma_start3A_149, %dma_start3A_150] : memref<10240x64xf32, #tpu.memory_space<hbm>> -> memref<10240x64xf32, #tpu.memory_space<hbm>>
        tpu.enqueue_indirect_dma source(%dma_start3A_151 : memref<10240x64xf32, #tpu.memory_space<hbm>>) target(%arg13 : memref<128x64xf32, #tpu.memory_space<vmem>>) offsets(%dma_start3A_148 : memref<128xi32, #tpu.memory_space<vmem>>) semaphore(%arg18 : memref<!tpu.dma_semaphore, #tpu.memory_space<semaphore_mem>>)
      } else {
      }
    }
    %scan3A_35 = arith.constant 20 : i32
    %barrier3A_36 = arith.constant 0 : index
    tpu.barrier barrier_id(%barrier3A_36)
    %mul3A_37 = arith.constant 640 : i32
    %mul3A_38 = arith.muli %arg1, %mul3A_37 : i32
    %mul3A_39 = arith.constant 640 : i32
    %mul3A_40 = arith.muli %arg1, %mul3A_39 : i32
    %run_scoped3A = arith.constant 0 : i32
    "tpu.region"() ({
      %run_scoped3A_85 = tpu.sem_alloc : memref<!tpu.dma_semaphore, #tpu.memory_space<semaphore_mem>>
      %dma_start3A_86 = arith.constant 0 : i32
      %dma_start3A_87 = tpu.memref_slice %arg7[%arg0, %run_scoped3A, %mul3A_40, %dma_start3A_86] : memref<2x2x10240x64xf32, #tpu.memory_space<hbm>> -> memref<1x1x640x64xf32, #tpu.memory_space<hbm>>
      %dma_start3A_88 = tpu.memref_squeeze %dma_start3A_87 : memref<1x1x640x64xf32, #tpu.memory_space<hbm>> -> memref<640x64xf32, #tpu.memory_space<hbm>>
      %dma_start3A_89 = arith.constant 0 : i32
      %dma_start3A_90 = tpu.memref_slice %arg14[%mul3A_38, %dma_start3A_89] : memref<10240x64xf32, #tpu.memory_space<vmem_shared>> -> memref<640x64xf32, #tpu.memory_space<vmem_shared>>
      tpu.enqueue_dma source(%dma_start3A_90 : memref<640x64xf32, #tpu.memory_space<vmem_shared>>) target(%dma_start3A_88 : memref<640x64xf32, #tpu.memory_space<hbm>>) target_semaphore(%run_scoped3A_85 : memref<!tpu.dma_semaphore, #tpu.memory_space<semaphore_mem>>)
      %dma_wait3A = arith.constant 0 : i32
      %dma_wait3A_91 = tpu.memref_slice %arg7[%arg0, %run_scoped3A, %mul3A_40, %dma_wait3A] : memref<2x2x10240x64xf32, #tpu.memory_space<hbm>> -> memref<1x1x640x64xf32, #tpu.memory_space<hbm>>
      %dma_wait3A_92 = tpu.memref_squeeze %dma_wait3A_91 : memref<1x1x640x64xf32, #tpu.memory_space<hbm>> -> memref<640x64xf32, #tpu.memory_space<hbm>>
      %dma_wait3A_93 = arith.constant 0 : i32
      %dma_wait3A_94 = tpu.memref_slice %arg14[%mul3A_38, %dma_wait3A_93] : memref<10240x64xf32, #tpu.memory_space<vmem_shared>> -> memref<640x64xf32, #tpu.memory_space<vmem_shared>>
      tpu.wait_dma2 semaphore(%run_scoped3A_85 : memref<!tpu.dma_semaphore, #tpu.memory_space<semaphore_mem>>) src(%dma_wait3A_94 : memref<640x64xf32, #tpu.memory_space<vmem_shared>>) dst(%dma_wait3A_92 : memref<640x64xf32, #tpu.memory_space<hbm>>)
      tpu.yield
    }) : () -> ()
    %mul3A_41 = arith.constant 640 : i32
    %mul3A_42 = arith.muli %arg1, %mul3A_41 : i32
    %mul3A_43 = arith.constant 640 : i32
    %mul3A_44 = arith.muli %arg1, %mul3A_43 : i32
    "tpu.region"() ({
      %run_scoped3A_85 = tpu.sem_alloc : memref<!tpu.dma_semaphore, #tpu.memory_space<semaphore_mem>>
      %dma_start3A_86 = arith.constant 0 : i32
      %dma_start3A_87 = tpu.memref_slice %arg14[%mul3A_44, %dma_start3A_86] : memref<10240x64xf32, #tpu.memory_space<vmem_shared>> -> memref<640x64xf32, #tpu.memory_space<vmem_shared>>
      %dma_start3A_88 = arith.constant 0 : i32
      %dma_start3A_89 = tpu.memref_slice %arg6[%mul3A_42, %dma_start3A_88] : memref<10240x64xf32, #tpu.memory_space<hbm>> -> memref<640x64xf32, #tpu.memory_space<hbm>>
      tpu.enqueue_dma source(%dma_start3A_89 : memref<640x64xf32, #tpu.memory_space<hbm>>) target(%dma_start3A_87 : memref<640x64xf32, #tpu.memory_space<vmem_shared>>) target_semaphore(%run_scoped3A_85 : memref<!tpu.dma_semaphore, #tpu.memory_space<semaphore_mem>>)
      %dma_wait3A = arith.constant 0 : i32
      %dma_wait3A_90 = tpu.memref_slice %arg14[%mul3A_44, %dma_wait3A] : memref<10240x64xf32, #tpu.memory_space<vmem_shared>> -> memref<640x64xf32, #tpu.memory_space<vmem_shared>>
      %dma_wait3A_91 = arith.constant 0 : i32
      %dma_wait3A_92 = tpu.memref_slice %arg6[%mul3A_42, %dma_wait3A_91] : memref<10240x64xf32, #tpu.memory_space<hbm>> -> memref<640x64xf32, #tpu.memory_space<hbm>>
      tpu.wait_dma2 semaphore(%run_scoped3A_85 : memref<!tpu.dma_semaphore, #tpu.memory_space<semaphore_mem>>) src(%dma_wait3A_92 : memref<640x64xf32, #tpu.memory_space<hbm>>) dst(%dma_wait3A_90 : memref<640x64xf32, #tpu.memory_space<vmem_shared>>)
      tpu.yield
    }) : () -> ()
    %barrier3A_45 = arith.constant 0 : index
    tpu.barrier barrier_id(%barrier3A_45)
    %dma_start3A_46 = arith.constant 0 : i32
    %dma_start3A_47 = arith.constant 0 : i32
    %dma_start3A_48 = tpu.memref_slice %arg8[%dma_start3A_46, %dma_start3A_47] : memref<80x128xi32, #tpu.memory_space<vmem>> -> memref<1x128xi32, #tpu.memory_space<vmem>>
    %dma_start3A_49 = tpu.memref_squeeze %dma_start3A_48 : memref<1x128xi32, #tpu.memory_space<vmem>> -> memref<128xi32, #tpu.memory_space<vmem>>
    %dma_start3A_50 = arith.constant 0 : i32
    %dma_start3A_51 = arith.constant 0 : i32
    %dma_start3A_52 = tpu.memref_slice %arg3[%dma_start3A_50, %dma_start3A_51] : memref<10240x64xf32, #tpu.memory_space<hbm>> -> memref<10240x64xf32, #tpu.memory_space<hbm>>
    tpu.enqueue_indirect_dma source(%dma_start3A_52 : memref<10240x64xf32, #tpu.memory_space<hbm>>) target(%arg10 : memref<128x64xf32, #tpu.memory_space<vmem>>) offsets(%dma_start3A_49 : memref<128xi32, #tpu.memory_space<vmem>>) semaphore(%arg15 : memref<!tpu.dma_semaphore, #tpu.memory_space<semaphore_mem>>)
    %dma_start3A_53 = arith.constant 1 : i32
    %dma_start3A_54 = arith.constant 0 : i32
    %dma_start3A_55 = tpu.memref_slice %arg8[%dma_start3A_53, %dma_start3A_54] : memref<80x128xi32, #tpu.memory_space<vmem>> -> memref<1x128xi32, #tpu.memory_space<vmem>>
    %dma_start3A_56 = tpu.memref_squeeze %dma_start3A_55 : memref<1x128xi32, #tpu.memory_space<vmem>> -> memref<128xi32, #tpu.memory_space<vmem>>
    %dma_start3A_57 = arith.constant 0 : i32
    %dma_start3A_58 = arith.constant 0 : i32
    %dma_start3A_59 = tpu.memref_slice %arg3[%dma_start3A_57, %dma_start3A_58] : memref<10240x64xf32, #tpu.memory_space<hbm>> -> memref<10240x64xf32, #tpu.memory_space<hbm>>
    tpu.enqueue_indirect_dma source(%dma_start3A_59 : memref<10240x64xf32, #tpu.memory_space<hbm>>) target(%arg11 : memref<128x64xf32, #tpu.memory_space<vmem>>) offsets(%dma_start3A_56 : memref<128xi32, #tpu.memory_space<vmem>>) semaphore(%arg16 : memref<!tpu.dma_semaphore, #tpu.memory_space<semaphore_mem>>)
    %dma_start3A_60 = arith.constant 2 : i32
    %dma_start3A_61 = arith.constant 0 : i32
    %dma_start3A_62 = tpu.memref_slice %arg8[%dma_start3A_60, %dma_start3A_61] : memref<80x128xi32, #tpu.memory_space<vmem>> -> memref<1x128xi32, #tpu.memory_space<vmem>>
    %dma_start3A_63 = tpu.memref_squeeze %dma_start3A_62 : memref<1x128xi32, #tpu.memory_space<vmem>> -> memref<128xi32, #tpu.memory_space<vmem>>
    %dma_start3A_64 = arith.constant 0 : i32
    %dma_start3A_65 = arith.constant 0 : i32
    %dma_start3A_66 = tpu.memref_slice %arg3[%dma_start3A_64, %dma_start3A_65] : memref<10240x64xf32, #tpu.memory_space<hbm>> -> memref<10240x64xf32, #tpu.memory_space<hbm>>
    tpu.enqueue_indirect_dma source(%dma_start3A_66 : memref<10240x64xf32, #tpu.memory_space<hbm>>) target(%arg12 : memref<128x64xf32, #tpu.memory_space<vmem>>) offsets(%dma_start3A_63 : memref<128xi32, #tpu.memory_space<vmem>>) semaphore(%arg17 : memref<!tpu.dma_semaphore, #tpu.memory_space<semaphore_mem>>)
    %dma_start3A_67 = arith.constant 3 : i32
    %dma_start3A_68 = arith.constant 0 : i32
    %dma_start3A_69 = tpu.memref_slice %arg8[%dma_start3A_67, %dma_start3A_68] : memref<80x128xi32, #tpu.memory_space<vmem>> -> memref<1x128xi32, #tpu.memory_space<vmem>>
    %dma_start3A_70 = tpu.memref_squeeze %dma_start3A_69 : memref<1x128xi32, #tpu.memory_space<vmem>> -> memref<128xi32, #tpu.memory_space<vmem>>
    %dma_start3A_71 = arith.constant 0 : i32
    %dma_start3A_72 = arith.constant 0 : i32
    %dma_start3A_73 = tpu.memref_slice %arg3[%dma_start3A_71, %dma_start3A_72] : memref<10240x64xf32, #tpu.memory_space<hbm>> -> memref<10240x64xf32, #tpu.memory_space<hbm>>
    tpu.enqueue_indirect_dma source(%dma_start3A_73 : memref<10240x64xf32, #tpu.memory_space<hbm>>) target(%arg13 : memref<128x64xf32, #tpu.memory_space<vmem>>) offsets(%dma_start3A_70 : memref<128xi32, #tpu.memory_space<vmem>>) semaphore(%arg18 : memref<!tpu.dma_semaphore, #tpu.memory_space<semaphore_mem>>)
    %scan3A_74 = arith.constant 0 : i32
    %scan3A_75 = arith.constant 20 : i32
    %scan3A_76 = arith.addi %scan3A_74, %scan3A_75 : i32
    %scan3A_77 = arith.constant 1 : i32
    scf.for %scan3A_85 = %scan3A_74 to %scan3A_76 step %scan3A_77  : i32 {
      %mul3A_86 = arith.constant 4 : i32
      %mul3A_87 = arith.muli %scan3A_85, %mul3A_86 : i32
      %add3A_88 = arith.constant 0 : i32
      %add3A_89 = arith.addi %add3A_88, %mul3A_87 : i32
      %add3A_90 = arith.constant 0 : i32
      %add3A_91 = arith.addi %add3A_89, %add3A_90 : i32
      %dma_wait3A = arith.constant 0 : i32
      %dma_wait3A_92 = tpu.memref_slice %arg8[%add3A_91, %dma_wait3A] : memref<80x128xi32, #tpu.memory_space<vmem>> -> memref<1x128xi32, #tpu.memory_space<vmem>>
      %dma_wait3A_93 = tpu.memref_squeeze %dma_wait3A_92 : memref<1x128xi32, #tpu.memory_space<vmem>> -> memref<128xi32, #tpu.memory_space<vmem>>
      %dma_wait3A_94 = arith.constant 0 : i32
      %dma_wait3A_95 = arith.constant 0 : i32
      %dma_wait3A_96 = tpu.memref_slice %arg3[%dma_wait3A_94, %dma_wait3A_95] : memref<10240x64xf32, #tpu.memory_space<hbm>> -> memref<10240x64xf32, #tpu.memory_space<hbm>>
      tpu.wait_indirect_dma semaphore(%arg15 : memref<!tpu.dma_semaphore, #tpu.memory_space<semaphore_mem>>) src(%dma_wait3A_96 : memref<10240x64xf32, #tpu.memory_space<hbm>>) dst(%arg10 : memref<128x64xf32, #tpu.memory_space<vmem>>)
      "tpu.region"() ({
        %run_scoped3A_146 = tpu.sem_alloc : memref<!tpu.dma_semaphore, #tpu.memory_space<semaphore_mem>>
        %dma_start3A_147 = arith.constant 0 : i32
        %dma_start3A_148 = tpu.memref_slice %arg9[%add3A_91, %dma_start3A_147] : memref<80x128xi32, #tpu.memory_space<vmem>> -> memref<1x128xi32, #tpu.memory_space<vmem>>
        %dma_start3A_149 = tpu.memref_squeeze %dma_start3A_148 : memref<1x128xi32, #tpu.memory_space<vmem>> -> memref<128xi32, #tpu.memory_space<vmem>>
        %dma_start3A_150 = arith.constant 0 : i32
        %dma_start3A_151 = arith.constant 0 : i32
        %dma_start3A_152 = tpu.memref_slice %arg14[%dma_start3A_150, %dma_start3A_151] : memref<10240x64xf32, #tpu.memory_space<vmem_shared>> -> memref<10240x64xf32, #tpu.memory_space<vmem_shared>>
        tpu.enqueue_indirect_dma source(%arg10 : memref<128x64xf32, #tpu.memory_space<vmem>>) target(%dma_start3A_152 : memref<10240x64xf32, #tpu.memory_space<vmem_shared>>) offsets(%dma_start3A_149 : memref<128xi32, #tpu.memory_space<vmem>>) semaphore(%run_scoped3A_146 : memref<!tpu.dma_semaphore, #tpu.memory_space<semaphore_mem>>) {add = true}
        %dma_wait3A_153 = arith.constant 0 : i32
        %dma_wait3A_154 = tpu.memref_slice %arg9[%add3A_91, %dma_wait3A_153] : memref<80x128xi32, #tpu.memory_space<vmem>> -> memref<1x128xi32, #tpu.memory_space<vmem>>
        %dma_wait3A_155 = tpu.memref_squeeze %dma_wait3A_154 : memref<1x128xi32, #tpu.memory_space<vmem>> -> memref<128xi32, #tpu.memory_space<vmem>>
        %dma_wait3A_156 = arith.constant 0 : i32
        %dma_wait3A_157 = arith.constant 0 : i32
        %dma_wait3A_158 = tpu.memref_slice %arg14[%dma_wait3A_156, %dma_wait3A_157] : memref<10240x64xf32, #tpu.memory_space<vmem_shared>> -> memref<10240x64xf32, #tpu.memory_space<vmem_shared>>
        tpu.wait_indirect_dma semaphore(%run_scoped3A_146 : memref<!tpu.dma_semaphore, #tpu.memory_space<semaphore_mem>>) src(%arg10 : memref<128x64xf32, #tpu.memory_space<vmem>>) dst(%dma_wait3A_158 : memref<10240x64xf32, #tpu.memory_space<vmem_shared>>)
        tpu.yield
      }) : () -> ()
      %add3A_97 = arith.constant 4 : i32
      %add3A_98 = arith.addi %add3A_91, %add3A_97 : i32
      %lt3A = arith.constant 80 : i32
      %lt3A_99 = arith.cmpi slt, %add3A_98, %lt3A : i32
      %convert_element_type3A = arith.extui %lt3A_99 : i1 to i32
      %cond3A = arith.constant 0 : i32
      %cond3A_100 = arith.cmpi ne, %convert_element_type3A, %cond3A : i32
      scf.if %cond3A_100 {
        %dma_start3A_146 = arith.constant 0 : i32
        %dma_start3A_147 = tpu.memref_slice %arg8[%add3A_98, %dma_start3A_146] : memref<80x128xi32, #tpu.memory_space<vmem>> -> memref<1x128xi32, #tpu.memory_space<vmem>>
        %dma_start3A_148 = tpu.memref_squeeze %dma_start3A_147 : memref<1x128xi32, #tpu.memory_space<vmem>> -> memref<128xi32, #tpu.memory_space<vmem>>
        %dma_start3A_149 = arith.constant 0 : i32
        %dma_start3A_150 = arith.constant 0 : i32
        %dma_start3A_151 = tpu.memref_slice %arg3[%dma_start3A_149, %dma_start3A_150] : memref<10240x64xf32, #tpu.memory_space<hbm>> -> memref<10240x64xf32, #tpu.memory_space<hbm>>
        tpu.enqueue_indirect_dma source(%dma_start3A_151 : memref<10240x64xf32, #tpu.memory_space<hbm>>) target(%arg10 : memref<128x64xf32, #tpu.memory_space<vmem>>) offsets(%dma_start3A_148 : memref<128xi32, #tpu.memory_space<vmem>>) semaphore(%arg15 : memref<!tpu.dma_semaphore, #tpu.memory_space<semaphore_mem>>)
      } else {
      }
      %add3A_101 = arith.constant 1 : i32
      %add3A_102 = arith.addi %add3A_89, %add3A_101 : i32
      %dma_wait3A_103 = arith.constant 0 : i32
      %dma_wait3A_104 = tpu.memref_slice %arg8[%add3A_102, %dma_wait3A_103] : memref<80x128xi32, #tpu.memory_space<vmem>> -> memref<1x128xi32, #tpu.memory_space<vmem>>
      %dma_wait3A_105 = tpu.memref_squeeze %dma_wait3A_104 : memref<1x128xi32, #tpu.memory_space<vmem>> -> memref<128xi32, #tpu.memory_space<vmem>>
      %dma_wait3A_106 = arith.constant 0 : i32
      %dma_wait3A_107 = arith.constant 0 : i32
      %dma_wait3A_108 = tpu.memref_slice %arg3[%dma_wait3A_106, %dma_wait3A_107] : memref<10240x64xf32, #tpu.memory_space<hbm>> -> memref<10240x64xf32, #tpu.memory_space<hbm>>
      tpu.wait_indirect_dma semaphore(%arg16 : memref<!tpu.dma_semaphore, #tpu.memory_space<semaphore_mem>>) src(%dma_wait3A_108 : memref<10240x64xf32, #tpu.memory_space<hbm>>) dst(%arg11 : memref<128x64xf32, #tpu.memory_space<vmem>>)
      "tpu.region"() ({
        %run_scoped3A_146 = tpu.sem_alloc : memref<!tpu.dma_semaphore, #tpu.memory_space<semaphore_mem>>
        %dma_start3A_147 = arith.constant 0 : i32
        %dma_start3A_148 = tpu.memref_slice %arg9[%add3A_102, %dma_start3A_147] : memref<80x128xi32, #tpu.memory_space<vmem>> -> memref<1x128xi32, #tpu.memory_space<vmem>>
        %dma_start3A_149 = tpu.memref_squeeze %dma_start3A_148 : memref<1x128xi32, #tpu.memory_space<vmem>> -> memref<128xi32, #tpu.memory_space<vmem>>
        %dma_start3A_150 = arith.constant 0 : i32
        %dma_start3A_151 = arith.constant 0 : i32
        %dma_start3A_152 = tpu.memref_slice %arg14[%dma_start3A_150, %dma_start3A_151] : memref<10240x64xf32, #tpu.memory_space<vmem_shared>> -> memref<10240x64xf32, #tpu.memory_space<vmem_shared>>
        tpu.enqueue_indirect_dma source(%arg11 : memref<128x64xf32, #tpu.memory_space<vmem>>) target(%dma_start3A_152 : memref<10240x64xf32, #tpu.memory_space<vmem_shared>>) offsets(%dma_start3A_149 : memref<128xi32, #tpu.memory_space<vmem>>) semaphore(%run_scoped3A_146 : memref<!tpu.dma_semaphore, #tpu.memory_space<semaphore_mem>>) {add = true}
        %dma_wait3A_153 = arith.constant 0 : i32
        %dma_wait3A_154 = tpu.memref_slice %arg9[%add3A_102, %dma_wait3A_153] : memref<80x128xi32, #tpu.memory_space<vmem>> -> memref<1x128xi32, #tpu.memory_space<vmem>>
        %dma_wait3A_155 = tpu.memref_squeeze %dma_wait3A_154 : memref<1x128xi32, #tpu.memory_space<vmem>> -> memref<128xi32, #tpu.memory_space<vmem>>
        %dma_wait3A_156 = arith.constant 0 : i32
        %dma_wait3A_157 = arith.constant 0 : i32
        %dma_wait3A_158 = tpu.memref_slice %arg14[%dma_wait3A_156, %dma_wait3A_157] : memref<10240x64xf32, #tpu.memory_space<vmem_shared>> -> memref<10240x64xf32, #tpu.memory_space<vmem_shared>>
        tpu.wait_indirect_dma semaphore(%run_scoped3A_146 : memref<!tpu.dma_semaphore, #tpu.memory_space<semaphore_mem>>) src(%arg11 : memref<128x64xf32, #tpu.memory_space<vmem>>) dst(%dma_wait3A_158 : memref<10240x64xf32, #tpu.memory_space<vmem_shared>>)
        tpu.yield
      }) : () -> ()
      %add3A_109 = arith.constant 4 : i32
      %add3A_110 = arith.addi %add3A_102, %add3A_109 : i32
      %lt3A_111 = arith.constant 80 : i32
      %lt3A_112 = arith.cmpi slt, %add3A_110, %lt3A_111 : i32
      %convert_element_type3A_113 = arith.extui %lt3A_112 : i1 to i32
      %cond3A_114 = arith.constant 0 : i32
      %cond3A_115 = arith.cmpi ne, %convert_element_type3A_113, %cond3A_114 : i32
      scf.if %cond3A_115 {
        %dma_start3A_146 = arith.constant 0 : i32
        %dma_start3A_147 = tpu.memref_slice %arg8[%add3A_110, %dma_start3A_146] : memref<80x128xi32, #tpu.memory_space<vmem>> -> memref<1x128xi32, #tpu.memory_space<vmem>>
        %dma_start3A_148 = tpu.memref_squeeze %dma_start3A_147 : memref<1x128xi32, #tpu.memory_space<vmem>> -> memref<128xi32, #tpu.memory_space<vmem>>
        %dma_start3A_149 = arith.constant 0 : i32
        %dma_start3A_150 = arith.constant 0 : i32
        %dma_start3A_151 = tpu.memref_slice %arg3[%dma_start3A_149, %dma_start3A_150] : memref<10240x64xf32, #tpu.memory_space<hbm>> -> memref<10240x64xf32, #tpu.memory_space<hbm>>
        tpu.enqueue_indirect_dma source(%dma_start3A_151 : memref<10240x64xf32, #tpu.memory_space<hbm>>) target(%arg11 : memref<128x64xf32, #tpu.memory_space<vmem>>) offsets(%dma_start3A_148 : memref<128xi32, #tpu.memory_space<vmem>>) semaphore(%arg16 : memref<!tpu.dma_semaphore, #tpu.memory_space<semaphore_mem>>)
      } else {
      }
      %add3A_116 = arith.constant 2 : i32
      %add3A_117 = arith.addi %add3A_89, %add3A_116 : i32
      %dma_wait3A_118 = arith.constant 0 : i32
      %dma_wait3A_119 = tpu.memref_slice %arg8[%add3A_117, %dma_wait3A_118] : memref<80x128xi32, #tpu.memory_space<vmem>> -> memref<1x128xi32, #tpu.memory_space<vmem>>
      %dma_wait3A_120 = tpu.memref_squeeze %dma_wait3A_119 : memref<1x128xi32, #tpu.memory_space<vmem>> -> memref<128xi32, #tpu.memory_space<vmem>>
      %dma_wait3A_121 = arith.constant 0 : i32
      %dma_wait3A_122 = arith.constant 0 : i32
      %dma_wait3A_123 = tpu.memref_slice %arg3[%dma_wait3A_121, %dma_wait3A_122] : memref<10240x64xf32, #tpu.memory_space<hbm>> -> memref<10240x64xf32, #tpu.memory_space<hbm>>
      tpu.wait_indirect_dma semaphore(%arg17 : memref<!tpu.dma_semaphore, #tpu.memory_space<semaphore_mem>>) src(%dma_wait3A_123 : memref<10240x64xf32, #tpu.memory_space<hbm>>) dst(%arg12 : memref<128x64xf32, #tpu.memory_space<vmem>>)
      "tpu.region"() ({
        %run_scoped3A_146 = tpu.sem_alloc : memref<!tpu.dma_semaphore, #tpu.memory_space<semaphore_mem>>
        %dma_start3A_147 = arith.constant 0 : i32
        %dma_start3A_148 = tpu.memref_slice %arg9[%add3A_117, %dma_start3A_147] : memref<80x128xi32, #tpu.memory_space<vmem>> -> memref<1x128xi32, #tpu.memory_space<vmem>>
        %dma_start3A_149 = tpu.memref_squeeze %dma_start3A_148 : memref<1x128xi32, #tpu.memory_space<vmem>> -> memref<128xi32, #tpu.memory_space<vmem>>
        %dma_start3A_150 = arith.constant 0 : i32
        %dma_start3A_151 = arith.constant 0 : i32
        %dma_start3A_152 = tpu.memref_slice %arg14[%dma_start3A_150, %dma_start3A_151] : memref<10240x64xf32, #tpu.memory_space<vmem_shared>> -> memref<10240x64xf32, #tpu.memory_space<vmem_shared>>
        tpu.enqueue_indirect_dma source(%arg12 : memref<128x64xf32, #tpu.memory_space<vmem>>) target(%dma_start3A_152 : memref<10240x64xf32, #tpu.memory_space<vmem_shared>>) offsets(%dma_start3A_149 : memref<128xi32, #tpu.memory_space<vmem>>) semaphore(%run_scoped3A_146 : memref<!tpu.dma_semaphore, #tpu.memory_space<semaphore_mem>>) {add = true}
        %dma_wait3A_153 = arith.constant 0 : i32
        %dma_wait3A_154 = tpu.memref_slice %arg9[%add3A_117, %dma_wait3A_153] : memref<80x128xi32, #tpu.memory_space<vmem>> -> memref<1x128xi32, #tpu.memory_space<vmem>>
        %dma_wait3A_155 = tpu.memref_squeeze %dma_wait3A_154 : memref<1x128xi32, #tpu.memory_space<vmem>> -> memref<128xi32, #tpu.memory_space<vmem>>
        %dma_wait3A_156 = arith.constant 0 : i32
        %dma_wait3A_157 = arith.constant 0 : i32
        %dma_wait3A_158 = tpu.memref_slice %arg14[%dma_wait3A_156, %dma_wait3A_157] : memref<10240x64xf32, #tpu.memory_space<vmem_shared>> -> memref<10240x64xf32, #tpu.memory_space<vmem_shared>>
        tpu.wait_indirect_dma semaphore(%run_scoped3A_146 : memref<!tpu.dma_semaphore, #tpu.memory_space<semaphore_mem>>) src(%arg12 : memref<128x64xf32, #tpu.memory_space<vmem>>) dst(%dma_wait3A_158 : memref<10240x64xf32, #tpu.memory_space<vmem_shared>>)
        tpu.yield
      }) : () -> ()
      %add3A_124 = arith.constant 4 : i32
      %add3A_125 = arith.addi %add3A_117, %add3A_124 : i32
      %lt3A_126 = arith.constant 80 : i32
      %lt3A_127 = arith.cmpi slt, %add3A_125, %lt3A_126 : i32
      %convert_element_type3A_128 = arith.extui %lt3A_127 : i1 to i32
      %cond3A_129 = arith.constant 0 : i32
      %cond3A_130 = arith.cmpi ne, %convert_element_type3A_128, %cond3A_129 : i32
      scf.if %cond3A_130 {
        %dma_start3A_146 = arith.constant 0 : i32
        %dma_start3A_147 = tpu.memref_slice %arg8[%add3A_125, %dma_start3A_146] : memref<80x128xi32, #tpu.memory_space<vmem>> -> memref<1x128xi32, #tpu.memory_space<vmem>>
        %dma_start3A_148 = tpu.memref_squeeze %dma_start3A_147 : memref<1x128xi32, #tpu.memory_space<vmem>> -> memref<128xi32, #tpu.memory_space<vmem>>
        %dma_start3A_149 = arith.constant 0 : i32
        %dma_start3A_150 = arith.constant 0 : i32
        %dma_start3A_151 = tpu.memref_slice %arg3[%dma_start3A_149, %dma_start3A_150] : memref<10240x64xf32, #tpu.memory_space<hbm>> -> memref<10240x64xf32, #tpu.memory_space<hbm>>
        tpu.enqueue_indirect_dma source(%dma_start3A_151 : memref<10240x64xf32, #tpu.memory_space<hbm>>) target(%arg12 : memref<128x64xf32, #tpu.memory_space<vmem>>) offsets(%dma_start3A_148 : memref<128xi32, #tpu.memory_space<vmem>>) semaphore(%arg17 : memref<!tpu.dma_semaphore, #tpu.memory_space<semaphore_mem>>)
      } else {
      }
      %add3A_131 = arith.constant 3 : i32
      %add3A_132 = arith.addi %add3A_89, %add3A_131 : i32
      %dma_wait3A_133 = arith.constant 0 : i32
      %dma_wait3A_134 = tpu.memref_slice %arg8[%add3A_132, %dma_wait3A_133] : memref<80x128xi32, #tpu.memory_space<vmem>> -> memref<1x128xi32, #tpu.memory_space<vmem>>
      %dma_wait3A_135 = tpu.memref_squeeze %dma_wait3A_134 : memref<1x128xi32, #tpu.memory_space<vmem>> -> memref<128xi32, #tpu.memory_space<vmem>>
      %dma_wait3A_136 = arith.constant 0 : i32
      %dma_wait3A_137 = arith.constant 0 : i32
      %dma_wait3A_138 = tpu.memref_slice %arg3[%dma_wait3A_136, %dma_wait3A_137] : memref<10240x64xf32, #tpu.memory_space<hbm>> -> memref<10240x64xf32, #tpu.memory_space<hbm>>
      tpu.wait_indirect_dma semaphore(%arg18 : memref<!tpu.dma_semaphore, #tpu.memory_space<semaphore_mem>>) src(%dma_wait3A_138 : memref<10240x64xf32, #tpu.memory_space<hbm>>) dst(%arg13 : memref<128x64xf32, #tpu.memory_space<vmem>>)
      "tpu.region"() ({
        %run_scoped3A_146 = tpu.sem_alloc : memref<!tpu.dma_semaphore, #tpu.memory_space<semaphore_mem>>
        %dma_start3A_147 = arith.constant 0 : i32
        %dma_start3A_148 = tpu.memref_slice %arg9[%add3A_132, %dma_start3A_147] : memref<80x128xi32, #tpu.memory_space<vmem>> -> memref<1x128xi32, #tpu.memory_space<vmem>>
        %dma_start3A_149 = tpu.memref_squeeze %dma_start3A_148 : memref<1x128xi32, #tpu.memory_space<vmem>> -> memref<128xi32, #tpu.memory_space<vmem>>
        %dma_start3A_150 = arith.constant 0 : i32
        %dma_start3A_151 = arith.constant 0 : i32
        %dma_start3A_152 = tpu.memref_slice %arg14[%dma_start3A_150, %dma_start3A_151] : memref<10240x64xf32, #tpu.memory_space<vmem_shared>> -> memref<10240x64xf32, #tpu.memory_space<vmem_shared>>
        tpu.enqueue_indirect_dma source(%arg13 : memref<128x64xf32, #tpu.memory_space<vmem>>) target(%dma_start3A_152 : memref<10240x64xf32, #tpu.memory_space<vmem_shared>>) offsets(%dma_start3A_149 : memref<128xi32, #tpu.memory_space<vmem>>) semaphore(%run_scoped3A_146 : memref<!tpu.dma_semaphore, #tpu.memory_space<semaphore_mem>>) {add = true}
        %dma_wait3A_153 = arith.constant 0 : i32
        %dma_wait3A_154 = tpu.memref_slice %arg9[%add3A_132, %dma_wait3A_153] : memref<80x128xi32, #tpu.memory_space<vmem>> -> memref<1x128xi32, #tpu.memory_space<vmem>>
        %dma_wait3A_155 = tpu.memref_squeeze %dma_wait3A_154 : memref<1x128xi32, #tpu.memory_space<vmem>> -> memref<128xi32, #tpu.memory_space<vmem>>
        %dma_wait3A_156 = arith.constant 0 : i32
        %dma_wait3A_157 = arith.constant 0 : i32
        %dma_wait3A_158 = tpu.memref_slice %arg14[%dma_wait3A_156, %dma_wait3A_157] : memref<10240x64xf32, #tpu.memory_space<vmem_shared>> -> memref<10240x64xf32, #tpu.memory_space<vmem_shared>>
        tpu.wait_indirect_dma semaphore(%run_scoped3A_146 : memref<!tpu.dma_semaphore, #tpu.memory_space<semaphore_mem>>) src(%arg13 : memref<128x64xf32, #tpu.memory_space<vmem>>) dst(%dma_wait3A_158 : memref<10240x64xf32, #tpu.memory_space<vmem_shared>>)
        tpu.yield
      }) : () -> ()
      %add3A_139 = arith.constant 4 : i32
      %add3A_140 = arith.addi %add3A_132, %add3A_139 : i32
      %lt3A_141 = arith.constant 80 : i32
      %lt3A_142 = arith.cmpi slt, %add3A_140, %lt3A_141 : i32
      %convert_element_type3A_143 = arith.extui %lt3A_142 : i1 to i32
      %cond3A_144 = arith.constant 0 : i32
      %cond3A_145 = arith.cmpi ne, %convert_element_type3A_143, %cond3A_144 : i32
      scf.if %cond3A_145 {
        %dma_start3A_146 = arith.constant 0 : i32
        %dma_start3A_147 = tpu.memref_slice %arg8[%add3A_140, %dma_start3A_146] : memref<80x128xi32, #tpu.memory_space<vmem>> -> memref<1x128xi32, #tpu.memory_space<vmem>>
        %dma_start3A_148 = tpu.memref_squeeze %dma_start3A_147 : memref<1x128xi32, #tpu.memory_space<vmem>> -> memref<128xi32, #tpu.memory_space<vmem>>
        %dma_start3A_149 = arith.constant 0 : i32
        %dma_start3A_150 = arith.constant 0 : i32
        %dma_start3A_151 = tpu.memref_slice %arg3[%dma_start3A_149, %dma_start3A_150] : memref<10240x64xf32, #tpu.memory_space<hbm>> -> memref<10240x64xf32, #tpu.memory_space<hbm>>
        tpu.enqueue_indirect_dma source(%dma_start3A_151 : memref<10240x64xf32, #tpu.memory_space<hbm>>) target(%arg13 : memref<128x64xf32, #tpu.memory_space<vmem>>) offsets(%dma_start3A_148 : memref<128xi32, #tpu.memory_space<vmem>>) semaphore(%arg18 : memref<!tpu.dma_semaphore, #tpu.memory_space<semaphore_mem>>)
      } else {
      }
    }
    %scan3A_78 = arith.constant 20 : i32
    %barrier3A_79 = arith.constant 0 : index
    tpu.barrier barrier_id(%barrier3A_79)
    %mul3A_80 = arith.constant 640 : i32
    %mul3A_81 = arith.muli %arg1, %mul3A_80 : i32
    %mul3A_82 = arith.constant 640 : i32
    %mul3A_83 = arith.muli %arg1, %mul3A_82 : i32
    %run_scoped3A_84 = arith.constant 1 : i32
    "tpu.region"() ({
      %run_scoped3A_85 = tpu.sem_alloc : memref<!tpu.dma_semaphore, #tpu.memory_space<semaphore_mem>>
      %dma_start3A_86 = arith.constant 0 : i32
      %dma_start3A_87 = tpu.memref_slice %arg7[%arg0, %run_scoped3A_84, %mul3A_83, %dma_start3A_86] : memref<2x2x10240x64xf32, #tpu.memory_space<hbm>> -> memref<1x1x640x64xf32, #tpu.memory_space<hbm>>
      %dma_start3A_88 = tpu.memref_squeeze %dma_start3A_87 : memref<1x1x640x64xf32, #tpu.memory_space<hbm>> -> memref<640x64xf32, #tpu.memory_space<hbm>>
      %dma_start3A_89 = arith.constant 0 : i32
      %dma_start3A_90 = tpu.memref_slice %arg14[%mul3A_81, %dma_start3A_89] : memref<10240x64xf32, #tpu.memory_space<vmem_shared>> -> memref<640x64xf32, #tpu.memory_space<vmem_shared>>
      tpu.enqueue_dma source(%dma_start3A_90 : memref<640x64xf32, #tpu.memory_space<vmem_shared>>) target(%dma_start3A_88 : memref<640x64xf32, #tpu.memory_space<hbm>>) target_semaphore(%run_scoped3A_85 : memref<!tpu.dma_semaphore, #tpu.memory_space<semaphore_mem>>)
      %dma_wait3A = arith.constant 0 : i32
      %dma_wait3A_91 = tpu.memref_slice %arg7[%arg0, %run_scoped3A_84, %mul3A_83, %dma_wait3A] : memref<2x2x10240x64xf32, #tpu.memory_space<hbm>> -> memref<1x1x640x64xf32, #tpu.memory_space<hbm>>
      %dma_wait3A_92 = tpu.memref_squeeze %dma_wait3A_91 : memref<1x1x640x64xf32, #tpu.memory_space<hbm>> -> memref<640x64xf32, #tpu.memory_space<hbm>>
      %dma_wait3A_93 = arith.constant 0 : i32
      %dma_wait3A_94 = tpu.memref_slice %arg14[%mul3A_81, %dma_wait3A_93] : memref<10240x64xf32, #tpu.memory_space<vmem_shared>> -> memref<640x64xf32, #tpu.memory_space<vmem_shared>>
      tpu.wait_dma2 semaphore(%run_scoped3A_85 : memref<!tpu.dma_semaphore, #tpu.memory_space<semaphore_mem>>) src(%dma_wait3A_94 : memref<640x64xf32, #tpu.memory_space<vmem_shared>>) dst(%dma_wait3A_92 : memref<640x64xf32, #tpu.memory_space<hbm>>)
      tpu.yield
    }) : () -> ()
    return
  }
}

module attributes {stable_mosaic.version = 14 : i64} {
  func.func @_prep_body(%arg0: i32, %arg1: memref<1024x2xf32, #tpu.memory_space<vmem>>, %arg2: memref<1024x128xf32, #tpu.memory_space<vmem>>, %arg3: memref<1024x1xf32, #tpu.memory_space<vmem>>, %arg4: memref<1024x64xf32, #tpu.memory_space<vmem>>, %arg5: memref<1024x64xf32, #tpu.memory_space<vmem>>) attributes {dimension_semantics = [#tpu.dimension_semantics<arbitrary>], iteration_bounds = array<i64: 10>, scalar_prefetch = 0 : i64, scratch_operands = 0 : i64, tpu.core_type = #tpu.core_type<tc>, window_params = [{transform_indices = @transform_0, window_bounds = array<i64: 1024, 2>}, {transform_indices = @transform_1, window_bounds = array<i64: 1024, 128>}, {transform_indices = @transform_2, window_bounds = array<i64: 1024, 1>}, {transform_indices = @transform_3, window_bounds = array<i64: 1024, 64>}, {transform_indices = @transform_4, window_bounds = array<i64: 1024, 64>}]} {
    %get3A = arith.constant 0 : index
    %get3A_0 = arith.constant 0 : index
    %get3A_1 = vector.load %arg1[%get3A, %get3A_0] : memref<1024x2xf32, #tpu.memory_space<vmem>>, vector<1024x2xf32>
    %slice3A = vector.extract_strided_slice %get3A_1 {offsets = [0, 0], sizes = [1024, 1], strides = [1, 1]} : vector<1024x2xf32> to vector<1024x1xf32>
    %slice3A_2 = vector.extract_strided_slice %get3A_1 {offsets = [0, 1], sizes = [1024, 1], strides = [1, 1]} : vector<1024x2xf32> to vector<1024x1xf32>
    %add3A = arith.addf %slice3A, %slice3A_2 : vector<1024x1xf32>
    %add3A_3 = arith.constant 1.000000e+00 : f32
    %add3A_4 = vector.broadcast %add3A_3 : f32 to vector<1024x1xf32>
    %add3A_5 = arith.addf %add3A, %add3A_4 : vector<1024x1xf32>
    %mul3A = arith.constant 1024 : i32
    %mul3A_6 = arith.muli %arg0, %mul3A : i32
    %iota3A = tpu.iota {dimensions = array<i32: 0>} : vector<1024x1xi32>
    %add3A_7 = vector.broadcast %mul3A_6 : i32 to vector<1024x1xi32>
    %add3A_8 = arith.addi %add3A_7, %iota3A : vector<1024x1xi32>
    %lt3A = arith.constant 10000 : i32
    %lt3A_9 = vector.broadcast %lt3A : i32 to vector<1024x1xi32>
    %lt3A_10 = arith.cmpi slt, %add3A_8, %lt3A_9 : vector<1024x1xi32>
    %rsqrt3A = math.rsqrt %add3A_5 : vector<1024x1xf32>
    %jit3A = arith.constant 0.000000e+00 : f32
    %broadcast_in_dim3A = vector.broadcast %jit3A : f32 to vector<1024x1xf32>
    %select_n3A = arith.select %lt3A_10, %rsqrt3A, %broadcast_in_dim3A : vector<1024x1xi1>, vector<1024x1xf32>
    %swap3A = arith.constant 0 : index
    %swap3A_11 = arith.constant 0 : index
    %swap3A_12 = vector.load %arg3[%swap3A, %swap3A_11] : memref<1024x1xf32, #tpu.memory_space<vmem>>, vector<1024x1xf32>
    tpu.vector_store %arg3[%swap3A, %swap3A_11], %select_n3A {strides = array<i32>} : memref<1024x1xf32, #tpu.memory_space<vmem>>, vector<1024x1xf32>,
    %get3A_13 = arith.constant 0 : index
    %get3A_14 = arith.constant 0 : index
    %get3A_15 = vector.load %arg2[%get3A_13, %get3A_14] : memref<1024x128xf32, #tpu.memory_space<vmem>>, vector<1024x128xf32>
    %mul3A_16 = vector.broadcast %select_n3A : vector<1024x1xf32> to vector<1024x128xf32>
    %mul3A_17 = arith.mulf %get3A_15, %mul3A_16 : vector<1024x128xf32>
    %slice3A_18 = vector.extract_strided_slice %mul3A_17 {offsets = [0, 0], sizes = [1024, 64], strides = [1, 1]} : vector<1024x128xf32> to vector<1024x64xf32>
    %swap3A_19 = arith.constant 0 : index
    %swap3A_20 = arith.constant 0 : index
    %swap3A_21 = vector.load %arg4[%swap3A_19, %swap3A_20] : memref<1024x64xf32, #tpu.memory_space<vmem>>, vector<1024x64xf32>
    tpu.vector_store %arg4[%swap3A_19, %swap3A_20], %slice3A_18 {strides = array<i32>} : memref<1024x64xf32, #tpu.memory_space<vmem>>, vector<1024x64xf32>,
    %slice3A_22 = vector.extract_strided_slice %mul3A_17 {offsets = [0, 64], sizes = [1024, 64], strides = [1, 1]} : vector<1024x128xf32> to vector<1024x64xf32>
    %swap3A_23 = arith.constant 0 : index
    %swap3A_24 = arith.constant 0 : index
    %swap3A_25 = vector.load %arg5[%swap3A_23, %swap3A_24] : memref<1024x64xf32, #tpu.memory_space<vmem>>, vector<1024x64xf32>
    tpu.vector_store %arg5[%swap3A_23, %swap3A_24], %slice3A_22 {strides = array<i32>} : memref<1024x64xf32, #tpu.memory_space<vmem>>, vector<1024x64xf32>,
    return
  }
  func.func @transform_0(%arg0: i32) -> (i32, i32) {
    %c0_i32 = arith.constant 0 : i32
    %c0_i32_0 = arith.constant 0 : i32
    return %arg0, %c0_i32 : i32, i32
  }
  func.func @transform_1(%arg0: i32) -> (i32, i32) {
    %c0_i32 = arith.constant 0 : i32
    %c0_i32_0 = arith.constant 0 : i32
    return %arg0, %c0_i32 : i32, i32
  }
  func.func @transform_2(%arg0: i32) -> (i32, i32) {
    %c0_i32 = arith.constant 0 : i32
    %c0_i32_0 = arith.constant 0 : i32
    return %arg0, %c0_i32 : i32, i32
  }
  func.func @transform_3(%arg0: i32) -> (i32, i32) {
    %c0_i32 = arith.constant 0 : i32
    %c0_i32_0 = arith.constant 0 : i32
    return %arg0, %c0_i32 : i32, i32
  }
  func.func @transform_4(%arg0: i32) -> (i32, i32) {
    %c0_i32 = arith.constant 0 : i32
    %c0_i32_0 = arith.constant 0 : i32
    return %arg0, %c0_i32 : i32, i32
  }
}

module attributes {stable_mosaic.version = 14 : i64} {
  func.func @_layer_body(%arg0: i32, %arg1: memref<2x2x1024x64xf32, #tpu.memory_space<vmem>>, %arg2: memref<1024x64xf32, #tpu.memory_space<vmem>>, %arg3: memref<1024x64xf32, #tpu.memory_space<vmem>>, %arg4: memref<1024x1xf32, #tpu.memory_space<vmem>>, %arg5: memref<128x256xf32, #tpu.memory_space<vmem>>, %arg6: memref<1x256xf32, #tpu.memory_space<vmem>>, %arg7: memref<256x128xf32, #tpu.memory_space<vmem>>, %arg8: memref<1024x64xf32, #tpu.memory_space<vmem>>, %arg9: memref<1024x64xf32, #tpu.memory_space<vmem>>) attributes {dimension_semantics = [#tpu.dimension_semantics<arbitrary>], iteration_bounds = array<i64: 10>, scalar_prefetch = 0 : i64, scratch_operands = 0 : i64, tpu.core_type = #tpu.core_type<tc>, window_params = [{transform_indices = @transform_0, window_bounds = array<i64: 2, 2, 1024, 64>}, {transform_indices = @transform_1, window_bounds = array<i64: 1024, 64>}, {transform_indices = @transform_2, window_bounds = array<i64: 1024, 64>}, {transform_indices = @transform_3, window_bounds = array<i64: 1024, 1>}, {pipeline_mode = #tpu.pipeline_mode<synchronous>, transform_indices = @transform_4, window_bounds = array<i64: 128, 256>}, {pipeline_mode = #tpu.pipeline_mode<synchronous>, transform_indices = @transform_5, window_bounds = array<i64: 1, 256>}, {pipeline_mode = #tpu.pipeline_mode<synchronous>, transform_indices = @transform_6, window_bounds = array<i64: 256, 128>}, {transform_indices = @transform_7, window_bounds = array<i64: 1024, 64>}, {transform_indices = @transform_8, window_bounds = array<i64: 1024, 64>}]} {
    %get3A = arith.constant 0 : index
    %get3A_0 = arith.constant 0 : index
    %get3A_1 = arith.constant 0 : index
    %get3A_2 = arith.constant 0 : index
    %get3A_3 = vector.load %arg1[%get3A, %get3A_0, %get3A_1, %get3A_2] : memref<2x2x1024x64xf32, #tpu.memory_space<vmem>>, vector<2x2x1024x64xf32>
    %get3A_4 = arith.constant 0 : index
    %get3A_5 = arith.constant 0 : index
    %get3A_6 = vector.load %arg4[%get3A_4, %get3A_5] : memref<1024x1xf32, #tpu.memory_space<vmem>>, vector<1024x1xf32>
    %slice3A = vector.extract_strided_slice %get3A_3 {offsets = [0, 0, 0, 0], sizes = [1, 1, 1024, 64], strides = [1, 1, 1, 1]} : vector<2x2x1024x64xf32> to vector<1x1x1024x64xf32>
    %squeeze3A = vector.shape_cast %slice3A : vector<1x1x1024x64xf32> to vector<1024x64xf32>
    %slice3A_7 = vector.extract_strided_slice %get3A_3 {offsets = [1, 0, 0, 0], sizes = [1, 1, 1024, 64], strides = [1, 1, 1, 1]} : vector<2x2x1024x64xf32> to vector<1x1x1024x64xf32>
    %squeeze3A_8 = vector.shape_cast %slice3A_7 : vector<1x1x1024x64xf32> to vector<1024x64xf32>
    %add3A = arith.addf %squeeze3A, %squeeze3A_8 : vector<1024x64xf32>
    %get3A_9 = arith.constant 0 : index
    %get3A_10 = arith.constant 0 : index
    %get3A_11 = vector.load %arg2[%get3A_9, %get3A_10] : memref<1024x64xf32, #tpu.memory_space<vmem>>, vector<1024x64xf32>
    %add3A_12 = arith.addf %add3A, %get3A_11 : vector<1024x64xf32>
    %slice3A_13 = vector.extract_strided_slice %get3A_3 {offsets = [0, 1, 0, 0], sizes = [1, 1, 1024, 64], strides = [1, 1, 1, 1]} : vector<2x2x1024x64xf32> to vector<1x1x1024x64xf32>
    %squeeze3A_14 = vector.shape_cast %slice3A_13 : vector<1x1x1024x64xf32> to vector<1024x64xf32>
    %slice3A_15 = vector.extract_strided_slice %get3A_3 {offsets = [1, 1, 0, 0], sizes = [1, 1, 1024, 64], strides = [1, 1, 1, 1]} : vector<2x2x1024x64xf32> to vector<1x1x1024x64xf32>
    %squeeze3A_16 = vector.shape_cast %slice3A_15 : vector<1x1x1024x64xf32> to vector<1024x64xf32>
    %add3A_17 = arith.addf %squeeze3A_14, %squeeze3A_16 : vector<1024x64xf32>
    %get3A_18 = arith.constant 0 : index
    %get3A_19 = arith.constant 0 : index
    %get3A_20 = vector.load %arg3[%get3A_18, %get3A_19] : memref<1024x64xf32, #tpu.memory_space<vmem>>, vector<1024x64xf32>
    %add3A_21 = arith.addf %add3A_17, %get3A_20 : vector<1024x64xf32>
    %concatenate3A = tpu.concatenate %add3A_12, %add3A_21 in 1 : vector<1024x64xf32>, vector<1024x64xf32> -> vector<1024x128xf32>
    %mul3A = vector.broadcast %get3A_6 : vector<1024x1xf32> to vector<1024x128xf32>
    %mul3A_22 = arith.mulf %concatenate3A, %mul3A : vector<1024x128xf32>
    %get3A_23 = arith.constant 0 : index
    %get3A_24 = arith.constant 0 : index
    %get3A_25 = vector.load %arg5[%get3A_23, %get3A_24] : memref<128x256xf32, #tpu.memory_space<vmem>>, vector<128x256xf32>
    %dot_general3A = arith.constant dense<0.000000e+00> : vector<1024x256xf32>
    %dot_general3A_26 = tpu.matmul %mul3A_22, %get3A_25, %dot_general3A {dimension_numbers = #tpu.dot_dimension_numbers<[1], [0], [0], [1], [0, 0, 1, 1], [], []>, transpose_lhs_hint = false} : vector<1024x128xf32>, vector<128x256xf32>, vector<1024x256xf32> -> vector<1024x256xf32>
    %get3A_27 = arith.constant 0 : index
    %get3A_28 = arith.constant 0 : index
    %get3A_29 = vector.load %arg6[%get3A_27, %get3A_28] : memref<1x256xf32, #tpu.memory_space<vmem>>, vector<1x256xf32>
    %add3A_30 = vector.broadcast %get3A_29 : vector<1x256xf32> to vector<1024x256xf32>
    %add3A_31 = arith.addf %dot_general3A_26, %add3A_30 : vector<1024x256xf32>
    %max3A = arith.constant 0.000000e+00 : f32
    %max3A_32 = vector.broadcast %max3A : f32 to vector<1024x256xf32>
    %max3A_33 = arith.maximumf %add3A_31, %max3A_32 : vector<1024x256xf32>
    %get3A_34 = arith.constant 0 : index
    %get3A_35 = arith.constant 0 : index
    %get3A_36 = vector.load %arg7[%get3A_34, %get3A_35] : memref<256x128xf32, #tpu.memory_space<vmem>>, vector<256x128xf32>
    %dot_general3A_37 = arith.constant dense<0.000000e+00> : vector<1024x128xf32>
    %dot_general3A_38 = tpu.matmul %max3A_33, %get3A_36, %dot_general3A_37 {dimension_numbers = #tpu.dot_dimension_numbers<[1], [0], [0], [1], [0, 0, 1, 1], [], []>, transpose_lhs_hint = false} : vector<1024x256xf32>, vector<256x128xf32>, vector<1024x128xf32> -> vector<1024x128xf32>
    %mul3A_39 = vector.broadcast %get3A_6 : vector<1024x1xf32> to vector<1024x128xf32>
    %mul3A_40 = arith.mulf %dot_general3A_38, %mul3A_39 : vector<1024x128xf32>
    %slice3A_41 = vector.extract_strided_slice %mul3A_40 {offsets = [0, 0], sizes = [1024, 64], strides = [1, 1]} : vector<1024x128xf32> to vector<1024x64xf32>
    %swap3A = arith.constant 0 : index
    %swap3A_42 = arith.constant 0 : index
    %swap3A_43 = vector.load %arg8[%swap3A, %swap3A_42] : memref<1024x64xf32, #tpu.memory_space<vmem>>, vector<1024x64xf32>
    tpu.vector_store %arg8[%swap3A, %swap3A_42], %slice3A_41 {strides = array<i32>} : memref<1024x64xf32, #tpu.memory_space<vmem>>, vector<1024x64xf32>,
    %slice3A_44 = vector.extract_strided_slice %mul3A_40 {offsets = [0, 64], sizes = [1024, 64], strides = [1, 1]} : vector<1024x128xf32> to vector<1024x64xf32>
    %swap3A_45 = arith.constant 0 : index
    %swap3A_46 = arith.constant 0 : index
    %swap3A_47 = vector.load %arg9[%swap3A_45, %swap3A_46] : memref<1024x64xf32, #tpu.memory_space<vmem>>, vector<1024x64xf32>
    tpu.vector_store %arg9[%swap3A_45, %swap3A_46], %slice3A_44 {strides = array<i32>} : memref<1024x64xf32, #tpu.memory_space<vmem>>, vector<1024x64xf32>,
    return
  }
  func.func @transform_0(%arg0: i32) -> (i32, i32, i32, i32) {
    %c0_i32 = arith.constant 0 : i32
    %c0_i32_0 = arith.constant 0 : i32
    %c0_i32_1 = arith.constant 0 : i32
    %c0_i32_2 = arith.constant 0 : i32
    return %c0_i32, %c0_i32_0, %arg0, %c0_i32_1 : i32, i32, i32, i32
  }
  func.func @transform_1(%arg0: i32) -> (i32, i32) {
    %c0_i32 = arith.constant 0 : i32
    %c0_i32_0 = arith.constant 0 : i32
    return %arg0, %c0_i32 : i32, i32
  }
  func.func @transform_2(%arg0: i32) -> (i32, i32) {
    %c0_i32 = arith.constant 0 : i32
    %c0_i32_0 = arith.constant 0 : i32
    return %arg0, %c0_i32 : i32, i32
  }
  func.func @transform_3(%arg0: i32) -> (i32, i32) {
    %c0_i32 = arith.constant 0 : i32
    %c0_i32_0 = arith.constant 0 : i32
    return %arg0, %c0_i32 : i32, i32
  }
  func.func @transform_4(%arg0: i32) -> (i32, i32) {
    %c0_i32 = arith.constant 0 : i32
    %c0_i32_0 = arith.constant 0 : i32
    %c0_i32_1 = arith.constant 0 : i32
    return %c0_i32, %c0_i32_0 : i32, i32
  }
  func.func @transform_5(%arg0: i32) -> (i32, i32) {
    %c0_i32 = arith.constant 0 : i32
    %c0_i32_0 = arith.constant 0 : i32
    %c0_i32_1 = arith.constant 0 : i32
    return %c0_i32, %c0_i32_0 : i32, i32
  }
  func.func @transform_6(%arg0: i32) -> (i32, i32) {
    %c0_i32 = arith.constant 0 : i32
    %c0_i32_0 = arith.constant 0 : i32
    %c0_i32_1 = arith.constant 0 : i32
    return %c0_i32, %c0_i32_0 : i32, i32
  }
  func.func @transform_7(%arg0: i32) -> (i32, i32) {
    %c0_i32 = arith.constant 0 : i32
    %c0_i32_0 = arith.constant 0 : i32
    return %arg0, %c0_i32 : i32, i32
  }
  func.func @transform_8(%arg0: i32) -> (i32, i32) {
    %c0_i32 = arith.constant 0 : i32
    %c0_i32_0 = arith.constant 0 : i32
    return %arg0, %c0_i32 : i32, i32
  }
}

module attributes {stable_mosaic.version = 14 : i64} {
  func.func @_out_body(%arg0: i32, %arg1: memref<2x2x1000x64xf32, #tpu.memory_space<vmem>>, %arg2: memref<1000x64xf32, #tpu.memory_space<vmem>>, %arg3: memref<1000x64xf32, #tpu.memory_space<vmem>>, %arg4: memref<1000x1xf32, #tpu.memory_space<vmem>>, %arg5: memref<1x128xf32, #tpu.memory_space<vmem>>, %arg6: memref<1000x128xf32, #tpu.memory_space<vmem>>, %arg7: memref<1000x128xf32, #tpu.memory_space<vmem>>) attributes {dimension_semantics = [#tpu.dimension_semantics<arbitrary>], iteration_bounds = array<i64: 10>, scalar_prefetch = 0 : i64, scratch_operands = 0 : i64, tpu.core_type = #tpu.core_type<tc>, window_params = [{transform_indices = @transform_0, window_bounds = array<i64: 2, 2, 1000, 64>}, {transform_indices = @transform_1, window_bounds = array<i64: 1000, 64>}, {transform_indices = @transform_2, window_bounds = array<i64: 1000, 64>}, {transform_indices = @transform_3, window_bounds = array<i64: 1000, 1>}, {pipeline_mode = #tpu.pipeline_mode<synchronous>, transform_indices = @transform_4, window_bounds = array<i64: 1, 128>}, {transform_indices = @transform_5, window_bounds = array<i64: 1000, 128>}, {transform_indices = @transform_6, window_bounds = array<i64: 1000, 128>}]} {
    %get3A = arith.constant 0 : index
    %get3A_0 = arith.constant 0 : index
    %get3A_1 = arith.constant 0 : index
    %get3A_2 = arith.constant 0 : index
    %get3A_3 = vector.load %arg1[%get3A, %get3A_0, %get3A_1, %get3A_2] : memref<2x2x1000x64xf32, #tpu.memory_space<vmem>>, vector<2x2x1000x64xf32>
    %slice3A = vector.extract_strided_slice %get3A_3 {offsets = [0, 0, 0, 0], sizes = [1, 1, 1000, 64], strides = [1, 1, 1, 1]} : vector<2x2x1000x64xf32> to vector<1x1x1000x64xf32>
    %squeeze3A = vector.shape_cast %slice3A : vector<1x1x1000x64xf32> to vector<1000x64xf32>
    %slice3A_4 = vector.extract_strided_slice %get3A_3 {offsets = [1, 0, 0, 0], sizes = [1, 1, 1000, 64], strides = [1, 1, 1, 1]} : vector<2x2x1000x64xf32> to vector<1x1x1000x64xf32>
    %squeeze3A_5 = vector.shape_cast %slice3A_4 : vector<1x1x1000x64xf32> to vector<1000x64xf32>
    %add3A = arith.addf %squeeze3A, %squeeze3A_5 : vector<1000x64xf32>
    %get3A_6 = arith.constant 0 : index
    %get3A_7 = arith.constant 0 : index
    %get3A_8 = vector.load %arg2[%get3A_6, %get3A_7] : memref<1000x64xf32, #tpu.memory_space<vmem>>, vector<1000x64xf32>
    %add3A_9 = arith.addf %add3A, %get3A_8 : vector<1000x64xf32>
    %slice3A_10 = vector.extract_strided_slice %get3A_3 {offsets = [0, 1, 0, 0], sizes = [1, 1, 1000, 64], strides = [1, 1, 1, 1]} : vector<2x2x1000x64xf32> to vector<1x1x1000x64xf32>
    %squeeze3A_11 = vector.shape_cast %slice3A_10 : vector<1x1x1000x64xf32> to vector<1000x64xf32>
    %slice3A_12 = vector.extract_strided_slice %get3A_3 {offsets = [1, 1, 0, 0], sizes = [1, 1, 1000, 64], strides = [1, 1, 1, 1]} : vector<2x2x1000x64xf32> to vector<1x1x1000x64xf32>
    %squeeze3A_13 = vector.shape_cast %slice3A_12 : vector<1x1x1000x64xf32> to vector<1000x64xf32>
    %add3A_14 = arith.addf %squeeze3A_11, %squeeze3A_13 : vector<1000x64xf32>
    %get3A_15 = arith.constant 0 : index
    %get3A_16 = arith.constant 0 : index
    %get3A_17 = vector.load %arg3[%get3A_15, %get3A_16] : memref<1000x64xf32, #tpu.memory_space<vmem>>, vector<1000x64xf32>
    %add3A_18 = arith.addf %add3A_14, %get3A_17 : vector<1000x64xf32>
    %concatenate3A = tpu.concatenate %add3A_9, %add3A_18 in 1 : vector<1000x64xf32>, vector<1000x64xf32> -> vector<1000x128xf32>
    %get3A_19 = arith.constant 0 : index
    %get3A_20 = arith.constant 0 : index
    %get3A_21 = vector.load %arg4[%get3A_19, %get3A_20] : memref<1000x1xf32, #tpu.memory_space<vmem>>, vector<1000x1xf32>
    %mul3A = vector.broadcast %get3A_21 : vector<1000x1xf32> to vector<1000x128xf32>
    %mul3A_22 = arith.mulf %concatenate3A, %mul3A : vector<1000x128xf32>
    %get3A_23 = arith.constant 0 : index
    %get3A_24 = arith.constant 0 : index
    %get3A_25 = vector.load %arg5[%get3A_23, %get3A_24] : memref<1x128xf32, #tpu.memory_space<vmem>>, vector<1x128xf32>
    %add3A_26 = vector.broadcast %get3A_25 : vector<1x128xf32> to vector<1000x128xf32>
    %add3A_27 = arith.addf %mul3A_22, %add3A_26 : vector<1000x128xf32>
    %reduce_max3A = arith.constant dense<0xFF800000> : vector<1000xf32>
    %reduce_max3A_28 = vector.multi_reduction <maximumf>, %add3A_27, %reduce_max3A [1] : vector<1000x128xf32> to vector<1000xf32>
    %broadcast_in_dim3A = vector.shape_cast %reduce_max3A_28 : vector<1000xf32> to vector<1000x1xf32>
    %sub3A = vector.broadcast %broadcast_in_dim3A : vector<1000x1xf32> to vector<1000x128xf32>
    %sub3A_29 = arith.subf %add3A_27, %sub3A : vector<1000x128xf32>
    %exp3A = math.exp %sub3A_29 : vector<1000x128xf32>
    %reduce_sum3A = arith.constant dense<0.000000e+00> : vector<1000xf32>
    %reduce_sum3A_30 = vector.multi_reduction <add>, %exp3A, %reduce_sum3A [1] : vector<1000x128xf32> to vector<1000xf32>
    %broadcast_in_dim3A_31 = vector.shape_cast %reduce_sum3A_30 : vector<1000xf32> to vector<1000x1xf32>
    %swap3A = arith.constant 0 : index
    %swap3A_32 = arith.constant 0 : index
    %swap3A_33 = vector.load %arg6[%swap3A, %swap3A_32] : memref<1000x128xf32, #tpu.memory_space<vmem>>, vector<1000x128xf32>
    tpu.vector_store %arg6[%swap3A, %swap3A_32], %add3A_27 {strides = array<i32>} : memref<1000x128xf32, #tpu.memory_space<vmem>>, vector<1000x128xf32>,
    %sub3A_34 = vector.broadcast %broadcast_in_dim3A : vector<1000x1xf32> to vector<1000x128xf32>
    %sub3A_35 = arith.subf %add3A_27, %sub3A_34 : vector<1000x128xf32>
    %log3A = math.log %broadcast_in_dim3A_31 : vector<1000x1xf32>
    %sub3A_36 = vector.broadcast %log3A : vector<1000x1xf32> to vector<1000x128xf32>
    %sub3A_37 = arith.subf %sub3A_35, %sub3A_36 : vector<1000x128xf32>
    %swap3A_38 = arith.constant 0 : index
    %swap3A_39 = arith.constant 0 : index
    %swap3A_40 = vector.load %arg7[%swap3A_38, %swap3A_39] : memref<1000x128xf32, #tpu.memory_space<vmem>>, vector<1000x128xf32>
    tpu.vector_store %arg7[%swap3A_38, %swap3A_39], %sub3A_37 {strides = array<i32>} : memref<1000x128xf32, #tpu.memory_space<vmem>>, vector<1000x128xf32>,
    return
  }
  func.func @transform_0(%arg0: i32) -> (i32, i32, i32, i32) {
    %c0_i32 = arith.constant 0 : i32
    %c0_i32_0 = arith.constant 0 : i32
    %c0_i32_1 = arith.constant 0 : i32
    %c0_i32_2 = arith.constant 0 : i32
    return %c0_i32, %c0_i32_0, %arg0, %c0_i32_1 : i32, i32, i32, i32
  }
  func.func @transform_1(%arg0: i32) -> (i32, i32) {
    %c0_i32 = arith.constant 0 : i32
    %c0_i32_0 = arith.constant 0 : i32
    return %arg0, %c0_i32 : i32, i32
  }
  func.func @transform_2(%arg0: i32) -> (i32, i32) {
    %c0_i32 = arith.constant 0 : i32
    %c0_i32_0 = arith.constant 0 : i32
    return %arg0, %c0_i32 : i32, i32
  }
  func.func @transform_3(%arg0: i32) -> (i32, i32) {
    %c0_i32 = arith.constant 0 : i32
    %c0_i32_0 = arith.constant 0 : i32
    return %arg0, %c0_i32 : i32, i32
  }
  func.func @transform_4(%arg0: i32) -> (i32, i32) {
    %c0_i32 = arith.constant 0 : i32
    %c0_i32_0 = arith.constant 0 : i32
    %c0_i32_1 = arith.constant 0 : i32
    return %c0_i32, %c0_i32_0 : i32, i32
  }
  func.func @transform_5(%arg0: i32) -> (i32, i32) {
    %c0_i32 = arith.constant 0 : i32
    %c0_i32_0 = arith.constant 0 : i32
    return %arg0, %c0_i32 : i32, i32
  }
  func.func @transform_6(%arg0: i32) -> (i32, i32) {
    %c0_i32 = arith.constant 0 : i32
    %c0_i32_0 = arith.constant 0 : i32
    return %arg0, %c0_i32 : i32, i32
  }
}

</mosaic_0001>

<sc_bundles>
// kernel: kernel.11.cloned.1.call-start
scs
__scs_entry_jumppad:
0x0: {  	(pc) =	sbr.rel $0x88, $3  }
0x1: {  	(tag) =	ssettag $0x0;
	lr =	simm.s32 $0x1  }
0x2: {  	[smem:$0x3F9B] =	sst lr;
	_ =	strace $0xD0000000  }
0x3: {  	_ = 	snop  }
0x4: {  	_ = 	snop  }
0x5: {  	_ = 	snop  }
0x6: {  	_ = 	snop  }
0x7: {  	_ = 	snop  }
__scs_overlays_trampoline_lowered:
0x8: {  	[smem:$0x3FAA] =	sst s0  }
0x9: {  	[smem:$0x3FAB] =	sst s1  }
0xa: {  	[smem:$0x3FAC] =	sst s2  }
0xb: {  	[smem:$0x3FAD] =	sst s3  }
0xc: {  	[smem:$0x3FAE] =	sst s4  }
0xd: {  	[smem:$0x3FAF] =	sst s5  }
0xe: {  	[smem:$0x3FB0] =	sst s6  }
0xf: {  	[smem:$0x3FB1] =	sst s7  }
0x10: {  	[smem:$0x3FB2] =	sst s8  }
0x11: {  	[smem:$0x3FB3] =	sst s9;
	s0 =	simm.s32 @!p0 $0x0  }
0x12: {  	s1 =	sld [smem:$0x3F99];
	s0 =	simm.s32 @p0 $0x1  }
0x13: {  	[smem:$0x3FB4] =	sst s0;
	s0 =	simm.s32 @!p1 $0x0  }
0x14: {  	s2 =	sld [smem:$0x3F98];
	s0 =	simm.s32 @p1 $0x1  }
0x15: {  	[smem:$0x3FB5] =	sst s0;
	s0 =	simm.s32 @!p2 $0x0  }
0x16: {  	s3 =	sld [smem:$0x3FDB];
	s0 =	simm.s32 @p2 $0x1  }
0x17: {  	s4 =	simm.s32 $0x1BF5;
	[smem:$0x3FB7] =	sst s0  }
0x18: {  	s0 =	sld [smem:$0x3F9A];
	_ =	swait.ge [sflag:s4], $0x0  }
0x19: {  	s7 =	sld [smem:$0x3F9B]  }
0x1a: {  	s8 =	sadd.s32 $0xFFFFE003, lr  }
0x1b: {  	s9 =	sadd.s32 $0xFFFFFEF7, lr;
	s5 =	simm.s32 $0xFFFFFFFF;
	p2 =	slt.u32 s8, $0xFFFFF086  }
0x1c: {  	p1 =	slt.u32 s9, $0xF7A;
	s5 =	simm.s32 @!p2 $0x0  }
0x1d: {  	s5 =	simm.s32 @p1 $0x1;
	p0 =	seq.s32 s7, s2  }
0x1e: {  	s7 =	smul.u32 @!p0 $0xF7A, s2;
	p2 =	seq.s32 @!p0 s5, $0x0  }
0x1f: {  	s9 =	smul.u32 $0xF7A, s1;
	s8 =	simm.s32 @!p0 $0x1BF5;
	p2 =	por !p2, p0  }
0x20: {  	[sflag:s8] =	ssyncset.s32 @!p0 $0xFFFFF086;
	s6 =	sadd.s32 @!p0 s3, s7;
	s7 =	simm.s32 @!p0 $0x108  }
0x21: {  	s3 =	sadd.s32 s3, s9;
	s6 =	sadd.s32 @!p0 $0x88, s6;
	s7 =	simm.s32 @p2 $0x1082  }
0x22: {  	[simem:s7], [sflag:s8] =	dma.local @!p0 [hbm:s6], $0xF7A  }
0x23: {  	s9 =	sor.u32 $0xD0000000, s2;
	s6 =	simm.s32 $0x108;
	_ =	swait.ge @!p0 [sflag:s8], $0x0  }
0x24: {  	s3 =	sadd.s32 $0x88, s3;
	s6 =	simm.s32 @!p1 $0x1082;
	[sflag:s4] =	ssyncset.s32 $0xFFFFF086  }
0x25: {  	[simem:s6], [sflag:s4] =	dma.local [hbm:s3], $0xF7A  }
0x26: {  	[smem:$0x3F9B] =	sst s1;
	(tag) =	ssettag s2;
	_ =	strace s9  }
0x27: {  	s1 =	sld [smem:$0x3FAB]  }
0x28: {  	s2 =	sld [smem:$0x3FAC]  }
0x29: {  	s4 =	sld [smem:$0x3FAE]  }
0x2a: {  	p0 =	seq.s32 s5, $0x0;
	s5 =	sld [smem:$0x3FAF]  }
0x2b: {  	s6 =	sld [smem:$0x3FB0]  }
0x2c: {  	s7 =	sld [smem:$0x3FB1]  }
0x2d: {  	s3 =	simm.s32 $0x108;
	s8 =	sld [smem:$0x3FB2]  }
0x2e: {  	s3 =	simm.s32 @!p0 $0x1082;
	s9 =	sld [smem:$0x3FB3]  }
0x2f: {  	lr =	sadd.s32 s0, s3;
	s0 =	sld [smem:$0x3FAA]  }
0x30: {  	s3 =	sld [smem:$0x3FAD]  }
0x31: {  	[smem:$0x3FB6] =	sst s10  }
0x32: {  	s10 =	sld [smem:$0x3FB4];
	_ =	sdelay $0x3  }
0x33: {  	p0 =	seq.s32 s10, $0x1;
	s10 =	sld [smem:$0x3FB6];
	_ =	sdelay $0x3  }
0x34: {  	[smem:$0x3FB6] =	sst s10  }
0x35: {  	s10 =	sld [smem:$0x3FB5];
	_ =	sdelay $0x3  }
0x36: {  	p1 =	seq.s32 s10, $0x1;
	s10 =	sld [smem:$0x3FB6];
	_ =	sdelay $0x3  }
0x37: {  	[smem:$0x3FB6] =	sst s10  }
0x38: {  	s10 =	sld [smem:$0x3FB7]  }
0x39: {  	_ = 	snop;
	(pc) =	sbr.ind lr, $3  }
0x3a: {  	_ = 	snop  }
0x3b: {  	_ = 	snop  }
0x3c: {  	p2 =	seq.s32 s10, $0x1;
	s10 =	sld [smem:$0x3FB6]  }
0x3d: {  	_ =	shalt  }
0x3e: {  	_ =	shalt  }
0x3f: {  	_ =	shalt  }
0x40: {  	_ =	shalt  }
0x41: {  	_ =	shalt  }
0x42: {  	_ =	shalt  }
0x43: {  	_ =	shalt  }
0x44: {  	_ =	shalt  }
0x45: {  	_ =	shalt  }
0x46: {  	_ =	shalt  }
0x47: {  	_ =	shalt  }
0x48: {  	_ =	shalt  }
0x49: {  	_ =	shalt  }
0x4a: {  	_ =	shalt  }
0x4b: {  	_ =	shalt  }
0x4c: {  	_ =	shalt  }
0x4d: {  	_ =	shalt  }
0x4e: {  	_ =	shalt  }
0x4f: {  	_ =	shalt  }
0x50: {  	_ =	shalt  }
0x51: {  	_ =	shalt  }
0x52: {  	_ =	shalt  }
0x53: {  	_ =	shalt  }
0x54: {  	_ =	shalt  }
0x55: {  	_ =	shalt  }
0x56: {  	_ =	shalt  }
0x57: {  	_ =	shalt  }
0x58: {  	_ =	shalt  }
0x59: {  	_ =	shalt  }
0x5a: {  	_ =	shalt  }
0x5b: {  	_ =	shalt  }
0x5c: {  	_ =	shalt  }
0x5d: {  	_ =	shalt  }
0x5e: {  	_ =	shalt  }
0x5f: {  	_ =	shalt  }
0x60: {  	_ =	shalt  }
0x61: {  	_ =	shalt  }
0x62: {  	_ =	shalt  }
0x63: {  	_ =	shalt  }
0x64: {  	_ =	shalt  }
0x65: {  	_ =	shalt  }
0x66: {  	_ =	shalt  }
0x67: {  	_ =	shalt  }
0x68: {  	_ =	shalt  }
0x69: {  	_ =	shalt  }
0x6a: {  	_ =	shalt  }
0x6b: {  	_ =	shalt  }
0x6c: {  	_ =	shalt  }
0x6d: {  	_ =	shalt  }
0x6e: {  	_ =	shalt  }
0x6f: {  	_ =	shalt  }
0x70: {  	_ =	shalt  }
0x71: {  	_ =	shalt  }
0x72: {  	_ =	shalt  }
0x73: {  	_ =	shalt  }
0x74: {  	_ =	shalt  }
0x75: {  	_ =	shalt  }
0x76: {  	_ =	shalt  }
0x77: {  	_ =	shalt  }
0x78: {  	_ =	shalt  }
0x79: {  	_ =	shalt  }
0x7a: {  	_ =	shalt  }
0x7b: {  	_ =	shalt  }
0x7c: {  	_ =	shalt  }
0x7d: {  	_ =	shalt  }
0x7e: {  	_ =	shalt  }
0x7f: {  	_ =	shalt  }
0x80: {  	_ =	shalt  }
0x81: {  	_ =	shalt  }
0x82: {  	_ =	shalt  }
0x83: {  	_ =	shalt  }
0x84: {  	_ =	shalt  }
0x85: {  	_ =	shalt  }
0x86: {  	_ =	shalt  }
0x87: {  	_ =	shalt  }
.Lfunc_end0:
.L_simem_size_0:
called_computation.1_lowered:
.L_overlay_start_0:
0x88: {  	s2 =	sld [smem:$0x3FD9]  }
0x89: {  	s3 =	sld [smem:$0x3FFE];
	_ =	sdelay $0x1  }
0x8a: {  	s1 =	srdreg.scid  }
0x8b: {  	s0 =	sand.u32 $0x1, s1  }
0x8c: {  	s14 =	sshll.u32 s0, $0xA;
	s2 =	sadd.s32 s3, s2  }
0x8d: {  	s2 =	sadd.s32 s2, s14  }
0x8e: {  	[smem:$0x3FC2] =	sst s2  }
0x8f: {  	_ = 	snop  }
0x90: {  	s2 =	sld [smem:$0x3FD0];
	_ =	sdelay $0x2  }
0x91: {  	s15 =	simm.s32 $0xA;
	s4 =	simm.s32 $0x10  }
0x92: {  	[smem:s4], [sflag:s15] =	dma.local [hbm:s2], $0x1  }
0x93: {  	_ =	swait.eq [sflag:s15], $0x1  }
0x94: {  	[sflag:s15] =	ssyncset.done $0x0  }
0x95: {  	s16 =	sld [smem:$0x10];
	[sflag:s15] =	ssyncadd.s32 $0xFFFFFFFF  }
0x96: {  	s17 =	sld [smem:$0x11];
	(tm) =	ssettm $0x1  }
0x97: {  	s18 =	sld [smem:$0x3FFB];
	_ =	sdelay $0x3  }
0x98: {  	_ =	strace s18  }
0x99: {  	s4 =	sld [smem:$0x3FFC];
	_ =	sdelay $0x3  }
0x9a: {  	_ =	strace s4  }
0x9b: {  	s4 =	sld [smem:$0x3FFD];
	_ =	sdelay $0x3  }
0x9c: {  	_ =	strace s4  }
0x9d: {  	_ =	strace $0x8FFFFFFF  }
0x9e: {  	s19 =	sld [smem:$0x3FDB];
	_ =	sdelay $0x1  }
0x9f: {  	s5 =	simm.s32 $_scs_section_size  }
0xa0: {  	s6 =	simm.s32 $_size__tile_overlayer_lowered;
	s7 =	simm.s32 $_tile_overlayer_lowered  }
0xa1: {  	s22 =	simm.s32 $0x1BFF;
	s21 =	sshll.u32 s7, $0x1;
	s4 =	sadd.s32 s5, s19  }
0xa2: {  	s8 =	simm.s32 $0x0;
	s20 =	sshll.u32 s6, $0x1;
	s6 =	sadd.s32 s21, s4  }
0xa3: {  	[timem:s8], [sflag:s22] =	dma.local [hbm:s6], s20  }
0xa4: {  	_ =	swait.ge [sflag:s22], s20  }
0xa5: {  	s5 =	ssub.s32 $0x0, s20;
	[sflag:s22] =	ssyncset.done $0x0  }
0xa6: {  	[sflag:s22] =	ssyncadd.s32 s5;
	_ =	sdelay $0x1  }
0xa7: {  	s23 =	simm.s32 $0x1B8B  }
0xa8: {  	_ =	swait.ge [sflag:s23], $0x1  }
0xa9: {  	[sflag:s23] =	ssyncset.done $0x0  }
0xaa: {  	s25 =	simm.s32 $0x1B8E;
	s24 =	sld [smem:$0x3FFE];
	[sflag:s23] =	ssyncadd.s32 $0xFFFFFFFF  }
0xab: {  	s26 =	simm.s32 $execute0_lowered;
	[smem:$0x3FD2] =	sst s25  }
0xac: {  	s6 =	sshll.u32 s26, $0x1;
	_ =	strace $0x80000049;
	[dreg:$0x1] =	wrdreg $0xFFFFFFFF  }
0xad: {  	s28 =	simm.s32 $_size_execute0_lowered;
	s4 =	sadd.s32 s4, s6;
	[dreg:$0x0] =	wrdreg $0x0  }
0xae: {  	s6 =	sshll.u32 s28, $0x1;
	[dreg:$0x2] =	wrdreg s4  }
0xaf: {  	[dreg:$0x3] =	wrdreg s6  }
0xb0: {  	[dreg:$0x4] =	wrdreg $0xC0  }
0xb1: {  	_ =	task [dreg:s8], $0x5FFFF  }
0xb2: {  	[dreg:$0x1] =	wrdreg $0xFFFFFFFF  }
0xb3: {  	[dreg:$0x0] =	wrdreg $0x60  }
0xb4: {  	[dreg:$0x2] =	wrdreg s17  }
0xb5: {  	[dreg:$0x3] =	wrdreg s16  }
0xb6: {  	[dreg:$0x4] =	wrdreg s24  }
0xb7: {  	[dreg:$0x5] =	wrdreg $0xD0000  }
0xb8: {  	[dreg:$0x6] =	wrdreg $0x9  }
0xb9: {  	_ =	task.clear_ibuf [dreg:s8], $0x7FFFF;
	_ =	strace $0x90000049  }
0xba: {  	s29 =	simm.s32 $0x9;
	_ =	strace $0x8000004B  }
0xbb: {  	_ =	swait.ge [sflag:s29], $0x1  }
0xbc: {  	[sflag:s29] =	ssyncadd.s32 $0xFFFFFFFF  }
0xbd: {  	_ =	strace $0x9000004B  }
0xbe: {  	_ =	sfence  }
0xbf: {  	s30 =	sld [smem:$0x0];
	_ =	sdelay $0x2  }
0xc0: {  	s31 =	sshll.u32 s1, $0xD;
	s1 =	sshrl.u32 s1, $0x2  }
0xc1: {  	s3 =	sand.u32 $0x4000, s31;
	s1 =	sadd.s32 s1, s30  }
0xc2: {  	s0 =	sor.u32 s3, s0;
	s1 =	sshll.u32 s1, $0x11  }
0xc3: {  	s0 =	sor.u32 s1, s0  }
0xc4: {  	s0 =	sadd.s32 $0x8F2B, s0  }
0xc5: {  	[sflag:s0] =	ssyncadd.remote.s32 $0x1  }
0xc6: {  	_ =	sfence.sel $0xFFFF  }
0xc7: {  	[dreg:$0x0] =	wrdreg $0xFFFFFFFF;
	(pc) =	sbr.abs _section_cstart, $3  }
0xc8: {  	[dreg:$0x1] =	wrdreg $0xFFFFFFFF  }
0xc9: {  	_ =	task.clear_ibuf [dreg:s8], $0x2FFFF;
	_ =	strace $0x9FFFFFFF  }
0xca: {  	(tm) =	ssettm $0x7FFFFFFF  }
0xcb: {  	_ =	shalt  }
tec
execute0_lowered:
.L_overlay_start_1:
0x0: {  	(tag) =	ssettag $0x1  }
0x1: {  	s1 =	rddreg [dreg:$0x0]  }
0x2: {  	s2 =	rddreg [dreg:$0x1]  }
0x3: {  	s0 =	srdreg.scid;
	s6 =	rddreg [dreg:$0x2]  }
0x4: {  	s13 =	stileid.u32;
	s4 =	rddreg [dreg:$0x3];
	s5 =	simm.s32 $0x0  }
0x5: {  	s12 =	simm.s32 $0x5;
	s16 =	simm.s32 $0x80;
	s17 =	simm.s32 $0x5000  }
0x6: {  	s18 =	simm.s32 $0x7000;
	s19 =	simm.s32 $0x100;
	s20 =	simm.s32 $0x9000  }
0x7: {  	s21 =	simm.s32 $0x180;
	s22 =	simm.s32 $0xB000;
	s23 =	simm.s32 $0x1  }
0x8: {  	s28 =	simm.s32 $0x4E00;
	s29 =	simm.s32 $0x4E80;
	s30 =	simm.s32 $0x4F00  }
0x9: {  	s31 =	simm.s32 $0x4F80;
	s0 =	sand.u32 $0x1, s0;
	s3 =	sshll.u32 s13, $0x1  }
0xa: {  	s8 =	smul.u32 $0xA000, s13;
	[smem:$0x7FF] =	sst s5;
	s26 =	sshll.u32 s13, $0x6  }
0xb: {  	s3 =	sor.u32 s0, s3;
	s7 =	smul.u32 $0x140000, s0;
	_ =	strace $0x8000004A  }
0xc: {  	s0 =	ssub.s32 $0x2, s0;
	s14 =	sor.u32 $0x1C05, s26;
	s26 =	simm.s32 $0x4  }
0xd: {  	s3 =	smul.u32 $0x500, s3;
	s9 =	sshrl.u32 s8, $0x3;
	s10 =	sshrl.u32 s0, $0x1  }
0xe: {  	s25 =	sadd.s32 s8, s4;
	s7 =	sadd.s32 s8, s7;
	s9 =	sadd.s32 s9, s6  }
0xf: {  	s0 =	ssub.s32 s0, s10;
	s15 =	sshrl.u32 s25, $0x3;
	s25 =	simm.s32 $0x3  }
0x10: {  	s3 =	sadd.s32 s3, s6;
	s7 =	sshrl.u32 s7, $0x3;
	s8 =	sadd.s32 $0x66E00, s9  }
0x11: {  	s11 =	sadd.s32 s7, s6;
	s24 =	sadd.s32 $0x2E00, s3;
	s7 =	sadd.s32 $0xCE00, s3  }
0x12: {  	s3 =	simm.s32 $0x0;
	[dreg:$0x5] =	wrdreg s24;
	s9 =	sadd.s32 $0x7AE00, s11  }
0x13: {  	s10 =	sadd.s32 $0x8EE00, s11;
	s11 =	smax.u32 s0, $0x1;
	s24 =	simm.s32 $0x2  }
.LBB2_1:
0x14: {  	s0 =	rddreg [dreg:$0x5]  }
0x15: {  	[tilespmem:s5], [sflag:$0x5] =	stream.linear.gather [hbm4b:s0+s5], $0x2800, $0x38;
	[tilespmem:$0x17000] =	vst v63  }
0x16: {  	_ =	swait.ge [sflag:s12], $0x2800  }
0x17: {  	[sflag:s12] =	ssyncset.done $0x0  }
0x18: {  	s6 =	simm.s32 $0x2800;
	[sflag:s12] =	ssyncadd.s32 $0xFFFFD800  }
0x19: {  	[tilespmem:s6], [sflag:$0x5] =	stream.linear.gather [hbm4b:s7+s5], $0x2800, $0x38;
	[tilespmem:$0x17000] =	vst v63  }
0x1a: {  	_ =	swait.ge [sflag:s12], $0x2800  }
0x1b: {  	[sflag:s12] =	ssyncset.done $0x0  }
0x1c: {  	[sflag:s12] =	ssyncadd.s32 $0xFFFFD800  }
0x1d: {  	[spmem:s15], [sflag:s14] =	dma.local [hbm:s8], $0x1400  }
0x1e: {  	_ =	swait.ge [sflag:s12], $0x1400  }
0x1f: {  	[sflag:s12] =	ssyncset.done $0x0  }
0x20: {  	[sflag:s12] =	ssyncadd.s32 $0xFFFFEC00  }
0x21: {  	[bflag:$0x0] =	sbarrier.arrive $0xFFFF  }
0x22: {  	[tilespmem:s17], [sflag:$0x1] =	stream.indirect.gather [hbm4b:s1+s16], $0x40, s5, s16, $0xb8;
	[tilespmem:$0x17000] =	vst v63  }
0x23: {  	_ = 	snop  }
0x24: {  	[tilespmem:s18], [sflag:$0x2] =	stream.indirect.gather [hbm4b:s1+s16], $0x40, s16, s16, $0xb8;
	[tilespmem:$0x17000] =	vst v63  }
0x25: {  	_ = 	snop  }
0x26: {  	[tilespmem:s20], [sflag:$0x3] =	stream.indirect.gather [hbm4b:s1+s16], $0x40, s19, s16, $0xb8;
	[tilespmem:$0x17000] =	vst v63  }
0x27: {  	_ = 	snop  }
0x28: {  	[tilespmem:s22], [sflag:$0x4] =	stream.indirect.gather [hbm4b:s1+s16], $0x40, s21, s16, $0xb8;
	[tilespmem:$0x17000] =	vst v63  }
0x29: {  	_ =	swait.ge [sflag:s23], $0x2000  }
0x2a: {  	[sflag:s23] =	ssyncset.done $0x0  }
0x2b: {  	s13 =	simm.s32 $0x2800;
	[sflag:s23] =	ssyncadd.s32 $0xFFFFE000  }
0x2c: {  	[spmem:s4] =	stream.indirect.scatter.add.f32 [tilespmem:s17], [sflag:$0x5], $0x40, s13, s16, $0xb8;
	[tilespmem:$0x17000] =	vst v63  }
0x2d: {  	_ =	swait.ge [sflag:s12], $0x2000  }
0x2e: {  	[sflag:s12] =	ssyncset.done $0x0  }
0x2f: {  	s6 =	simm.s32 $0x200;
	[sflag:s12] =	ssyncadd.s32 $0xFFFFE000  }
0x30: {  	[tilespmem:s17], [sflag:$0x1] =	stream.indirect.gather [hbm4b:s1+s16], $0x40, s6, s16, $0xb8;
	[tilespmem:$0x17000] =	vst v63  }
0x31: {  	_ =	swait.ge [sflag:s24], $0x2000  }
0x32: {  	[sflag:s24] =	ssyncset.done $0x0  }
0x33: {  	s13 =	simm.s32 $0x2880;
	[sflag:s24] =	ssyncadd.s32 $0xFFFFE000  }
0x34: {  	[spmem:s4] =	stream.indirect.scatter.add.f32 [tilespmem:s18], [sflag:$0x5], $0x40, s13, s16, $0xb8;
	[tilespmem:$0x17000] =	vst v63  }
0x35: {  	_ =	swait.ge [sflag:s12], $0x2000  }
0x36: {  	[sflag:s12] =	ssyncset.done $0x0  }
0x37: {  	s6 =	simm.s32 $0x280;
	[sflag:s12] =	ssyncadd.s32 $0xFFFFE000  }
0x38: {  	[tilespmem:s18], [sflag:$0x2] =	stream.indirect.gather [hbm4b:s1+s16], $0x40, s6, s16, $0xb8;
	[tilespmem:$0x17000] =	vst v63  }
0x39: {  	_ =	swait.ge [sflag:s25], $0x2000  }
0x3a: {  	[sflag:s25] =	ssyncset.done $0x0  }
0x3b: {  	s13 =	simm.s32 $0x2900;
	[sflag:s25] =	ssyncadd.s32 $0xFFFFE000  }
0x3c: {  	[spmem:s4] =	stream.indirect.scatter.add.f32 [tilespmem:s20], [sflag:$0x5], $0x40, s13, s16, $0xb8;
	[tilespmem:$0x17000] =	vst v63  }
0x3d: {  	_ =	swait.ge [sflag:s12], $0x2000  }
0x3e: {  	[sflag:s12] =	ssyncset.done $0x0  }
0x3f: {  	s6 =	simm.s32 $0x300;
	[sflag:s12] =	ssyncadd.s32 $0xFFFFE000  }
0x40: {  	[tilespmem:s20], [sflag:$0x3] =	stream.indirect.gather [hbm4b:s1+s16], $0x40, s6, s16, $0xb8;
	[tilespmem:$0x17000] =	vst v63  }
0x41: {  	_ =	swait.ge [sflag:s26], $0x2000  }
0x42: {  	[sflag:s26] =	ssyncset.done $0x0  }
0x43: {  	s13 =	simm.s32 $0x2980;
	[sflag:s26] =	ssyncadd.s32 $0xFFFFE000  }
0x44: {  	[spmem:s4] =	stream.indirect.scatter.add.f32 [tilespmem:s22], [sflag:$0x5], $0x40, s13, s16, $0xb8;
	[tilespmem:$0x17000] =	vst v63  }
0x45: {  	_ =	swait.ge [sflag:s12], $0x2000  }
0x46: {  	[sflag:s12] =	ssyncset.done $0x0  }
0x47: {  	s0 =	simm.s32 $0x800;
	s13 =	simm.s32 $0x380;
	[sflag:s12] =	ssyncadd.s32 $0xFFFFE000  }
.LBB2_2:
0x48: {  	[tilespmem:s22], [sflag:$0x4] =	stream.indirect.gather [hbm4b:s1+s16], $0x40, s13, s16, $0xb8;
	[tilespmem:$0x17000] =	vst v63  }
0x49: {  	s13 =	smov.u32 s0  }
0x4a: {  	p0 =	sne.s32 s0, $0x9000;
	s0 =	sadd.s32 $0x800, s0;
	_ =	swait.ge [sflag:s23], $0x2000  }
0x4b: {  	s13 =	sshra.s32 s13, $0x2;
	[sflag:s23] =	ssyncset.done $0x0  }
0x4c: {  	s6 =	sadd.s32 $0x2800, s13;
	[sflag:s23] =	ssyncadd.s32 $0xFFFFE000  }
0x4d: {  	[spmem:s4] =	stream.indirect.scatter.add.f32 [tilespmem:s17], [sflag:$0x5], $0x40, s6, s16, $0xb8;
	[tilespmem:$0x17000] =	vst v63  }
0x4e: {  	_ =	swait.ge [sflag:s12], $0x2000  }
0x4f: {  	[sflag:s12] =	ssyncset.done $0x0  }
0x50: {  	s6 =	sadd.s32 $0x200, s13;
	[sflag:s12] =	ssyncadd.s32 $0xFFFFE000  }
0x51: {  	[tilespmem:s17], [sflag:$0x1] =	stream.indirect.gather [hbm4b:s1+s16], $0x40, s6, s16, $0xb8;
	[tilespmem:$0x17000] =	vst v63  }
0x52: {  	_ =	swait.ge [sflag:s24], $0x2000  }
0x53: {  	[sflag:s24] =	ssyncset.done $0x0  }
0x54: {  	s6 =	sadd.s32 $0x2880, s13;
	[sflag:s24] =	ssyncadd.s32 $0xFFFFE000  }
0x55: {  	[spmem:s4] =	stream.indirect.scatter.add.f32 [tilespmem:s18], [sflag:$0x5], $0x40, s6, s16, $0xb8;
	[tilespmem:$0x17000] =	vst v63  }
0x56: {  	_ =	swait.ge [sflag:s12], $0x2000  }
0x57: {  	[sflag:s12] =	ssyncset.done $0x0  }
0x58: {  	s6 =	sadd.s32 $0x280, s13;
	[sflag:s12] =	ssyncadd.s32 $0xFFFFE000  }
0x59: {  	[tilespmem:s18], [sflag:$0x2] =	stream.indirect.gather [hbm4b:s1+s16], $0x40, s6, s16, $0xb8;
	[tilespmem:$0x17000] =	vst v63  }
0x5a: {  	_ =	swait.ge [sflag:s25], $0x2000  }
0x5b: {  	[sflag:s25] =	ssyncset.done $0x0  }
0x5c: {  	s6 =	sadd.s32 $0x2900, s13;
	[sflag:s25] =	ssyncadd.s32 $0xFFFFE000  }
0x5d: {  	[spmem:s4] =	stream.indirect.scatter.add.f32 [tilespmem:s20], [sflag:$0x5], $0x40, s6, s16, $0xb8;
	[tilespmem:$0x17000] =	vst v63  }
0x5e: {  	_ =	swait.ge [sflag:s12], $0x2000  }
0x5f: {  	[sflag:s12] =	ssyncset.done $0x0  }
0x60: {  	s6 =	sadd.s32 $0x300, s13;
	[sflag:s12] =	ssyncadd.s32 $0xFFFFE000  }
0x61: {  	[tilespmem:s20], [sflag:$0x3] =	stream.indirect.gather [hbm4b:s1+s16], $0x40, s6, s16, $0xb8;
	[tilespmem:$0x17000] =	vst v63  }
0x62: {  	_ =	swait.ge [sflag:s26], $0x2000  }
0x63: {  	[sflag:s26] =	ssyncset.done $0x0  }
.Ltmp0:
0x64: {  	s6 =	sadd.s32 $0x2980, s13;
	[sflag:s26] =	ssyncadd.s32 $0xFFFFE000;
	(pc) =	sbr.rel @p0 .LBB2_2-.Ltmp0, $4  }
0x65: {  	[spmem:s4] =	stream.indirect.scatter.add.f32 [tilespmem:s22], [sflag:$0x5], $0x40, s6, s16, $0xb8;
	[tilespmem:$0x17000] =	vst v63  }
0x66: {  	_ =	swait.ge [sflag:s12], $0x2000  }
0x67: {  	[sflag:s12] =	ssyncset.done $0x0  }
0x68: {  	s13 =	sadd.s32 $0x380, s13;
	[sflag:s12] =	ssyncadd.s32 $0xFFFFE000  }
0x69: {  	[tilespmem:s22], [sflag:$0x4] =	stream.indirect.gather [hbm4b:s1+s16], $0x40, s13, s16, $0xb8;
	[tilespmem:$0x17000] =	vst v63  }
0x6a: {  	_ =	swait.ge [sflag:s23], $0x2000  }
0x6b: {  	[sflag:s23] =	ssyncset.done $0x0  }
0x6c: {  	[sflag:s23] =	ssyncadd.s32 $0xFFFFE000  }
0x6d: {  	[spmem:s4] =	stream.indirect.scatter.add.f32 [tilespmem:s17], [sflag:$0x5], $0x40, s28, s16, $0xb8;
	[tilespmem:$0x17000] =	vst v63  }
0x6e: {  	_ =	swait.ge [sflag:s12], $0x2000  }
0x6f: {  	[sflag:s12] =	ssyncset.done $0x0  }
0x70: {  	[sflag:s12] =	ssyncadd.s32 $0xFFFFE000  }
0x71: {  	_ =	swait.ge [sflag:s24], $0x2000  }
0x72: {  	[sflag:s24] =	ssyncset.done $0x0  }
0x73: {  	[sflag:s24] =	ssyncadd.s32 $0xFFFFE000  }
0x74: {  	[spmem:s4] =	stream.indirect.scatter.add.f32 [tilespmem:s18], [sflag:$0x5], $0x40, s29, s16, $0xb8;
	[tilespmem:$0x17000] =	vst v63  }
0x75: {  	_ =	swait.ge [sflag:s12], $0x2000  }
0x76: {  	[sflag:s12] =	ssyncset.done $0x0  }
0x77: {  	[sflag:s12] =	ssyncadd.s32 $0xFFFFE000  }
0x78: {  	_ =	swait.ge [sflag:s25], $0x2000  }
0x79: {  	[sflag:s25] =	ssyncset.done $0x0  }
0x7a: {  	[sflag:s25] =	ssyncadd.s32 $0xFFFFE000  }
0x7b: {  	[spmem:s4] =	stream.indirect.scatter.add.f32 [tilespmem:s20], [sflag:$0x5], $0x40, s30, s16, $0xb8;
	[tilespmem:$0x17000] =	vst v63  }
0x7c: {  	_ =	swait.ge [sflag:s12], $0x2000  }
0x7d: {  	[sflag:s12] =	ssyncset.done $0x0  }
0x7e: {  	[sflag:s12] =	ssyncadd.s32 $0xFFFFE000  }
0x7f: {  	_ =	swait.ge [sflag:s26], $0x2000  }
0x80: {  	[sflag:s26] =	ssyncset.done $0x0  }
0x81: {  	[sflag:s26] =	ssyncadd.s32 $0xFFFFE000  }
0x82: {  	[spmem:s4] =	stream.indirect.scatter.add.f32 [tilespmem:s22], [sflag:$0x5], $0x40, s31, s16, $0xb8;
	[tilespmem:$0x17000] =	vst v63  }
0x83: {  	_ =	swait.ge [sflag:s12], $0x2000  }
0x84: {  	[sflag:s12] =	ssyncset.done $0x0  }
0x85: {  	[sflag:s12] =	ssyncadd.s32 $0xFFFFE000  }
0x86: {  	[bflag:$0x0] =	sbarrier.arrive $0xFFFF  }
0x87: {  	[hbm:s9], [sflag:s14] =	dma.local [spmem:s15], $0x1400  }
0x88: {  	_ =	swait.ge [sflag:s12], $0x1400  }
0x89: {  	[sflag:s12] =	ssyncset.done $0x0  }
0x8a: {  	[sflag:s12] =	ssyncadd.s32 $0xFFFFEC00  }
0x8b: {  	[spmem:s15], [sflag:s14] =	dma.local [hbm:s8], $0x1400  }
0x8c: {  	_ =	swait.ge [sflag:s12], $0x1400  }
0x8d: {  	[sflag:s12] =	ssyncset.done $0x0  }
0x8e: {  	[sflag:s12] =	ssyncadd.s32 $0xFFFFEC00  }
0x8f: {  	s0 =	simm.s32 $0x0;
	[bflag:$0x0] =	sbarrier.arrive $0xFFFF  }
0x90: {  	[tilespmem:s17], [sflag:$0x1] =	stream.indirect.gather [hbm4b:s2+s16], $0x40, s0, s16, $0xb8;
	[tilespmem:$0x17000] =	vst v63  }
0x91: {  	_ = 	snop  }
0x92: {  	[tilespmem:s18], [sflag:$0x2] =	stream.indirect.gather [hbm4b:s2+s16], $0x40, s16, s16, $0xb8;
	[tilespmem:$0x17000] =	vst v63  }
0x93: {  	_ = 	snop  }
0x94: {  	[tilespmem:s20], [sflag:$0x3] =	stream.indirect.gather [hbm4b:s2+s16], $0x40, s19, s16, $0xb8;
	[tilespmem:$0x17000] =	vst v63  }
0x95: {  	_ = 	snop  }
0x96: {  	[tilespmem:s22], [sflag:$0x4] =	stream.indirect.gather [hbm4b:s2+s16], $0x40, s21, s16, $0xb8;
	[tilespmem:$0x17000] =	vst v63  }
0x97: {  	_ =	swait.ge [sflag:s23], $0x2000  }
0x98: {  	[sflag:s23] =	ssyncset.done $0x0  }
0x99: {  	s13 =	simm.s32 $0x2800;
	[sflag:s23] =	ssyncadd.s32 $0xFFFFE000  }
0x9a: {  	[spmem:s4] =	stream.indirect.scatter.add.f32 [tilespmem:s17], [sflag:$0x5], $0x40, s13, s16, $0xb8;
	[tilespmem:$0x17000] =	vst v63  }
0x9b: {  	_ =	swait.ge [sflag:s12], $0x2000  }
0x9c: {  	[sflag:s12] =	ssyncset.done $0x0  }
0x9d: {  	s6 =	simm.s32 $0x200;
	[sflag:s12] =	ssyncadd.s32 $0xFFFFE000  }
0x9e: {  	[tilespmem:s17], [sflag:$0x1] =	stream.indirect.gather [hbm4b:s2+s16], $0x40, s6, s16, $0xb8;
	[tilespmem:$0x17000] =	vst v63  }
0x9f: {  	_ =	swait.ge [sflag:s24], $0x2000  }
0xa0: {  	[sflag:s24] =	ssyncset.done $0x0  }
0xa1: {  	s13 =	simm.s32 $0x2880;
	[sflag:s24] =	ssyncadd.s32 $0xFFFFE000  }
0xa2: {  	[spmem:s4] =	stream.indirect.scatter.add.f32 [tilespmem:s18], [sflag:$0x5], $0x40, s13, s16, $0xb8;
	[tilespmem:$0x17000] =	vst v63  }
0xa3: {  	_ =	swait.ge [sflag:s12], $0x2000  }
0xa4: {  	[sflag:s12] =	ssyncset.done $0x0  }
0xa5: {  	s6 =	simm.s32 $0x280;
	[sflag:s12] =	ssyncadd.s32 $0xFFFFE000  }
0xa6: {  	[tilespmem:s18], [sflag:$0x2] =	stream.indirect.gather [hbm4b:s2+s16], $0x40, s6, s16, $0xb8;
	[tilespmem:$0x17000] =	vst v63  }
0xa7: {  	_ =	swait.ge [sflag:s25], $0x2000  }
0xa8: {  	[sflag:s25] =	ssyncset.done $0x0  }
0xa9: {  	s13 =	simm.s32 $0x2900;
	[sflag:s25] =	ssyncadd.s32 $0xFFFFE000  }
0xaa: {  	[spmem:s4] =	stream.indirect.scatter.add.f32 [tilespmem:s20], [sflag:$0x5], $0x40, s13, s16, $0xb8;
	[tilespmem:$0x17000] =	vst v63  }
0xab: {  	_ =	swait.ge [sflag:s12], $0x2000  }
0xac: {  	[sflag:s12] =	ssyncset.done $0x0  }
0xad: {  	s6 =	simm.s32 $0x300;
	[sflag:s12] =	ssyncadd.s32 $0xFFFFE000  }
0xae: {  	[tilespmem:s20], [sflag:$0x3] =	stream.indirect.gather [hbm4b:s2+s16], $0x40, s6, s16, $0xb8;
	[tilespmem:$0x17000] =	vst v63  }
0xaf: {  	_ =	swait.ge [sflag:s26], $0x2000  }
0xb0: {  	[sflag:s26] =	ssyncset.done $0x0  }
0xb1: {  	s13 =	simm.s32 $0x2980;
	[sflag:s26] =	ssyncadd.s32 $0xFFFFE000  }
0xb2: {  	[spmem:s4] =	stream.indirect.scatter.add.f32 [tilespmem:s22], [sflag:$0x5], $0x40, s13, s16, $0xb8;
	[tilespmem:$0x17000] =	vst v63  }
0xb3: {  	_ =	swait.ge [sflag:s12], $0x2000  }
0xb4: {  	[sflag:s12] =	ssyncset.done $0x0  }
0xb5: {  	s0 =	simm.s32 $0x800;
	s13 =	simm.s32 $0x380;
	[sflag:s12] =	ssyncadd.s32 $0xFFFFE000  }
.LBB2_4:
0xb6: {  	[tilespmem:s22], [sflag:$0x4] =	stream.indirect.gather [hbm4b:s2+s16], $0x40, s13, s16, $0xb8;
	[tilespmem:$0x17000] =	vst v63  }
0xb7: {  	s6 =	smov.u32 s0  }
0xb8: {  	p0 =	sne.s32 s0, $0x9000;
	s0 =	sadd.s32 $0x800, s0;
	_ =	swait.ge [sflag:s23], $0x2000  }
0xb9: {  	s13 =	sshra.s32 s6, $0x2;
	[sflag:s23] =	ssyncset.done $0x0  }
0xba: {  	s6 =	sadd.s32 $0x2800, s13;
	[sflag:s23] =	ssyncadd.s32 $0xFFFFE000  }
0xbb: {  	[spmem:s4] =	stream.indirect.scatter.add.f32 [tilespmem:s17], [sflag:$0x5], $0x40, s6, s16, $0xb8;
	[tilespmem:$0x17000] =	vst v63  }
0xbc: {  	_ =	swait.ge [sflag:s12], $0x2000  }
0xbd: {  	[sflag:s12] =	ssyncset.done $0x0  }
0xbe: {  	s6 =	sadd.s32 $0x200, s13;
	[sflag:s12] =	ssyncadd.s32 $0xFFFFE000  }
0xbf: {  	[tilespmem:s17], [sflag:$0x1] =	stream.indirect.gather [hbm4b:s2+s16], $0x40, s6, s16, $0xb8;
	[tilespmem:$0x17000] =	vst v63  }
0xc0: {  	_ =	swait.ge [sflag:s24], $0x2000  }
0xc1: {  	[sflag:s24] =	ssyncset.done $0x0  }
0xc2: {  	s6 =	sadd.s32 $0x2880, s13;
	[sflag:s24] =	ssyncadd.s32 $0xFFFFE000  }
0xc3: {  	[spmem:s4] =	stream.indirect.scatter.add.f32 [tilespmem:s18], [sflag:$0x5], $0x40, s6, s16, $0xb8;
	[tilespmem:$0x17000] =	vst v63  }
0xc4: {  	_ =	swait.ge [sflag:s12], $0x2000  }
0xc5: {  	[sflag:s12] =	ssyncset.done $0x0  }
0xc6: {  	s6 =	sadd.s32 $0x280, s13;
	[sflag:s12] =	ssyncadd.s32 $0xFFFFE000  }
0xc7: {  	[tilespmem:s18], [sflag:$0x2] =	stream.indirect.gather [hbm4b:s2+s16], $0x40, s6, s16, $0xb8;
	[tilespmem:$0x17000] =	vst v63  }
0xc8: {  	_ =	swait.ge [sflag:s25], $0x2000  }
0xc9: {  	[sflag:s25] =	ssyncset.done $0x0  }
0xca: {  	s6 =	sadd.s32 $0x2900, s13;
	[sflag:s25] =	ssyncadd.s32 $0xFFFFE000  }
0xcb: {  	[spmem:s4] =	stream.indirect.scatter.add.f32 [tilespmem:s20], [sflag:$0x5], $0x40, s6, s16, $0xb8;
	[tilespmem:$0x17000] =	vst v63  }
0xcc: {  	_ =	swait.ge [sflag:s12], $0x2000  }
0xcd: {  	[sflag:s12] =	ssyncset.done $0x0  }
0xce: {  	s6 =	sadd.s32 $0x300, s13;
	[sflag:s12] =	ssyncadd.s32 $0xFFFFE000  }
0xcf: {  	[tilespmem:s20], [sflag:$0x3] =	stream.indirect.gather [hbm4b:s2+s16], $0x40, s6, s16, $0xb8;
	[tilespmem:$0x17000] =	vst v63  }
0xd0: {  	_ =	swait.ge [sflag:s26], $0x2000  }
0xd1: {  	[sflag:s26] =	ssyncset.done $0x0  }
.Ltmp1:
0xd2: {  	s6 =	sadd.s32 $0x2980, s13;
	[sflag:s26] =	ssyncadd.s32 $0xFFFFE000;
	(pc) =	sbr.rel @p0 .LBB2_4-.Ltmp1, $4  }
0xd3: {  	[spmem:s4] =	stream.indirect.scatter.add.f32 [tilespmem:s22], [sflag:$0x5], $0x40, s6, s16, $0xb8;
	[tilespmem:$0x17000] =	vst v63  }
0xd4: {  	_ =	swait.ge [sflag:s12], $0x2000  }
0xd5: {  	[sflag:s12] =	ssyncset.done $0x0  }
0xd6: {  	s13 =	sadd.s32 $0x380, s13;
	[sflag:s12] =	ssyncadd.s32 $0xFFFFE000  }
0xd7: {  	[tilespmem:s22], [sflag:$0x4] =	stream.indirect.gather [hbm4b:s2+s16], $0x40, s13, s16, $0xb8;
	[tilespmem:$0x17000] =	vst v63  }
0xd8: {  	_ =	swait.ge [sflag:s23], $0x2000  }
0xd9: {  	[sflag:s23] =	ssyncset.done $0x0  }
0xda: {  	[sflag:s23] =	ssyncadd.s32 $0xFFFFE000  }
0xdb: {  	[spmem:s4] =	stream.indirect.scatter.add.f32 [tilespmem:s17], [sflag:$0x5], $0x40, s28, s16, $0xb8;
	[tilespmem:$0x17000] =	vst v63  }
0xdc: {  	_ =	swait.ge [sflag:s12], $0x2000  }
0xdd: {  	[sflag:s12] =	ssyncset.done $0x0  }
0xde: {  	[sflag:s12] =	ssyncadd.s32 $0xFFFFE000  }
0xdf: {  	_ =	swait.ge [sflag:s24], $0x2000  }
0xe0: {  	[sflag:s24] =	ssyncset.done $0x0  }
0xe1: {  	[sflag:s24] =	ssyncadd.s32 $0xFFFFE000  }
0xe2: {  	[spmem:s4] =	stream.indirect.scatter.add.f32 [tilespmem:s18], [sflag:$0x5], $0x40, s29, s16, $0xb8;
	[tilespmem:$0x17000] =	vst v63  }
0xe3: {  	_ =	swait.ge [sflag:s12], $0x2000  }
0xe4: {  	[sflag:s12] =	ssyncset.done $0x0  }
0xe5: {  	[sflag:s12] =	ssyncadd.s32 $0xFFFFE000  }
0xe6: {  	_ =	swait.ge [sflag:s25], $0x2000  }
0xe7: {  	[sflag:s25] =	ssyncset.done $0x0  }
0xe8: {  	[sflag:s25] =	ssyncadd.s32 $0xFFFFE000  }
0xe9: {  	[spmem:s4] =	stream.indirect.scatter.add.f32 [tilespmem:s20], [sflag:$0x5], $0x40, s30, s16, $0xb8;
	[tilespmem:$0x17000] =	vst v63  }
0xea: {  	_ =	swait.ge [sflag:s12], $0x2000  }
0xeb: {  	[sflag:s12] =	ssyncset.done $0x0  }
0xec: {  	[sflag:s12] =	ssyncadd.s32 $0xFFFFE000  }
0xed: {  	_ =	swait.ge [sflag:s26], $0x2000  }
0xee: {  	[sflag:s26] =	ssyncset.done $0x0  }
0xef: {  	[sflag:s26] =	ssyncadd.s32 $0xFFFFE000  }
0xf0: {  	[spmem:s4] =	stream.indirect.scatter.add.f32 [tilespmem:s22], [sflag:$0x5], $0x40, s31, s16, $0xb8;
	[tilespmem:$0x17000] =	vst v63  }
0xf1: {  	_ =	swait.ge [sflag:s12], $0x2000  }
0xf2: {  	s3 =	sadd.s32 $0x1, s3;
	[sflag:s12] =	ssyncset.done $0x0  }
0xf3: {  	p0 =	sne.s32 s3, s11;
	[sflag:s12] =	ssyncadd.s32 $0xFFFFE000  }
.Ltmp2:
0xf4: {  	[bflag:$0x0] =	sbarrier.arrive $0xFFFF;
	(pc) =	sbr.rel @p0 .LBB2_1-.Ltmp2, $4  }
0xf5: {  	[hbm:s10], [sflag:s14] =	dma.local [spmem:s15], $0x1400  }
0xf6: {  	_ =	swait.ge [sflag:s12], $0x1400  }
0xf7: {  	[sflag:s12] =	ssyncset.done $0x0  }
0xf8: {  	[sflag:s12] =	ssyncadd.s32 $0xFFFFEC00  }
0xf9: {  	_ =	sfence.sel $0x180000  }
0xfa: {  	[bflag:$0x0] =	sbarrier.arrive $0xFFFF  }
0xfb: {  	_ =	strace $0x9000004A  }
0xfc: {  	s0 =	stileid.u32;
	[bflag:$0x2] =	sbarrier.arrive $0xFFFF  }
0xfd: {  	p0 =	sne.s32 s0, $0x0;
	s0 =	rddreg [dreg:$0x4]  }
0xfe: {  	s0 =	sadd.s32 @!p0 $0x100000, s0  }
0xff: {  	[sflag:s0] =	ssyncadd.tile.s32 @!p0 $0x1;
	_ =	shalt  }
.Lfunc_end2:
_tile_overlayer_lowered:
.L_overlay_start_2:
0x100: {  	(tag) =	ssettag $0x2  }
0x101: {  	s0 =	rddreg [dreg:$0x0];
	s2 =	stileid.u32  }
0x102: {  	s1 =	rddreg [dreg:$0x1];
	p0 =	sne.s32 s2, $0x0  }
0x103: {  	s3 =	rddreg [dreg:$0x2];
	[bflag:$0x3] =	sbarrier.arrive $0xFFFF;
	s2 =	simm.s32 @!p0 $0x1C05  }
0x104: {  	[timem:s3], [sflag:s2] =	dma.local @!p0 [hbm:s0], s1  }
0x105: {  	s0 =	simm.s32 @!p0 $0x5  }
0x106: {  	_ =	swait.ge @!p0 [sflag:s0], s1  }
0x107: {  	s1 =	ssub.s32 @!p0 $0x0, s1;
	[sflag:s0] =	ssyncset.done @!p0 $0x0  }
0x108: {  	[sflag:s0] =	ssyncadd.s32 @!p0 s1  }
0x109: {  	[bflag:$0x3] =	sbarrier.arrive $0xFFFF  }
0x10a: {  	_ =	shalt  }

// kernel: kernel.14.cloned.1.call-start
scs
__scs_entry_jumppad:
0x0: {  	(pc) =	sbr.rel $0x88, $3  }
0x1: {  	(tag) =	ssettag $0x0;
	lr =	simm.s32 $0x1  }
0x2: {  	[smem:$0x3F9B] =	sst lr;
	_ =	strace $0xD0000000  }
0x3: {  	_ = 	snop  }
0x4: {  	_ = 	snop  }
0x5: {  	_ = 	snop  }
0x6: {  	_ = 	snop  }
0x7: {  	_ = 	snop  }
__scs_overlays_trampoline_lowered:
0x8: {  	[smem:$0x3FAA] =	sst s0  }
0x9: {  	[smem:$0x3FAB] =	sst s1  }
0xa: {  	[smem:$0x3FAC] =	sst s2  }
0xb: {  	[smem:$0x3FAD] =	sst s3  }
0xc: {  	[smem:$0x3FAE] =	sst s4  }
0xd: {  	[smem:$0x3FAF] =	sst s5  }
0xe: {  	[smem:$0x3FB0] =	sst s6  }
0xf: {  	[smem:$0x3FB1] =	sst s7  }
0x10: {  	[smem:$0x3FB2] =	sst s8  }
0x11: {  	[smem:$0x3FB3] =	sst s9;
	s0 =	simm.s32 @!p0 $0x0  }
0x12: {  	s1 =	sld [smem:$0x3F99];
	s0 =	simm.s32 @p0 $0x1  }
0x13: {  	[smem:$0x3FB4] =	sst s0;
	s0 =	simm.s32 @!p1 $0x0  }
0x14: {  	s2 =	sld [smem:$0x3F98];
	s0 =	simm.s32 @p1 $0x1  }
0x15: {  	[smem:$0x3FB5] =	sst s0;
	s0 =	simm.s32 @!p2 $0x0  }
0x16: {  	s3 =	sld [smem:$0x3FDB];
	s0 =	simm.s32 @p2 $0x1  }
0x17: {  	s4 =	simm.s32 $0x1BF5;
	[smem:$0x3FB7] =	sst s0  }
0x18: {  	s0 =	sld [smem:$0x3F9A];
	_ =	swait.ge [sflag:s4], $0x0  }
0x19: {  	s7 =	sld [smem:$0x3F9B]  }
0x1a: {  	s8 =	sadd.s32 $0xFFFFE003, lr  }
0x1b: {  	s9 =	sadd.s32 $0xFFFFFEF7, lr;
	s5 =	simm.s32 $0xFFFFFFFF;
	p2 =	slt.u32 s8, $0xFFFFF086  }
0x1c: {  	p1 =	slt.u32 s9, $0xF7A;
	s5 =	simm.s32 @!p2 $0x0  }
0x1d: {  	s5 =	simm.s32 @p1 $0x1;
	p0 =	seq.s32 s7, s2  }
0x1e: {  	s7 =	smul.u32 @!p0 $0xF7A, s2;
	p2 =	seq.s32 @!p0 s5, $0x0  }
0x1f: {  	s9 =	smul.u32 $0xF7A, s1;
	s8 =	simm.s32 @!p0 $0x1BF5;
	p2 =	por !p2, p0  }
0x20: {  	[sflag:s8] =	ssyncset.s32 @!p0 $0xFFFFF086;
	s6 =	sadd.s32 @!p0 s3, s7;
	s7 =	simm.s32 @!p0 $0x108  }
0x21: {  	s3 =	sadd.s32 s3, s9;
	s6 =	sadd.s32 @!p0 $0x88, s6;
	s7 =	simm.s32 @p2 $0x1082  }
0x22: {  	[simem:s7], [sflag:s8] =	dma.local @!p0 [hbm:s6], $0xF7A  }
0x23: {  	s9 =	sor.u32 $0xD0000000, s2;
	s6 =	simm.s32 $0x108;
	_ =	swait.ge @!p0 [sflag:s8], $0x0  }
0x24: {  	s3 =	sadd.s32 $0x88, s3;
	s6 =	simm.s32 @!p1 $0x1082;
	[sflag:s4] =	ssyncset.s32 $0xFFFFF086  }
0x25: {  	[simem:s6], [sflag:s4] =	dma.local [hbm:s3], $0xF7A  }
0x26: {  	[smem:$0x3F9B] =	sst s1;
	(tag) =	ssettag s2;
	_ =	strace s9  }
0x27: {  	s1 =	sld [smem:$0x3FAB]  }
0x28: {  	s2 =	sld [smem:$0x3FAC]  }
0x29: {  	s4 =	sld [smem:$0x3FAE]  }
0x2a: {  	p0 =	seq.s32 s5, $0x0;
	s5 =	sld [smem:$0x3FAF]  }
0x2b: {  	s6 =	sld [smem:$0x3FB0]  }
0x2c: {  	s7 =	sld [smem:$0x3FB1]  }
0x2d: {  	s3 =	simm.s32 $0x108;
	s8 =	sld [smem:$0x3FB2]  }
0x2e: {  	s3 =	simm.s32 @!p0 $0x1082;
	s9 =	sld [smem:$0x3FB3]  }
0x2f: {  	lr =	sadd.s32 s0, s3;
	s0 =	sld [smem:$0x3FAA]  }
0x30: {  	s3 =	sld [smem:$0x3FAD]  }
0x31: {  	[smem:$0x3FB6] =	sst s10  }
0x32: {  	s10 =	sld [smem:$0x3FB4];
	_ =	sdelay $0x3  }
0x33: {  	p0 =	seq.s32 s10, $0x1;
	s10 =	sld [smem:$0x3FB6];
	_ =	sdelay $0x3  }
0x34: {  	[smem:$0x3FB6] =	sst s10  }
0x35: {  	s10 =	sld [smem:$0x3FB5];
	_ =	sdelay $0x3  }
0x36: {  	p1 =	seq.s32 s10, $0x1;
	s10 =	sld [smem:$0x3FB6];
	_ =	sdelay $0x3  }
0x37: {  	[smem:$0x3FB6] =	sst s10  }
0x38: {  	s10 =	sld [smem:$0x3FB7]  }
0x39: {  	_ = 	snop;
	(pc) =	sbr.ind lr, $3  }
0x3a: {  	_ = 	snop  }
0x3b: {  	_ = 	snop  }
0x3c: {  	p2 =	seq.s32 s10, $0x1;
	s10 =	sld [smem:$0x3FB6]  }
0x3d: {  	_ =	shalt  }
0x3e: {  	_ =	shalt  }
0x3f: {  	_ =	shalt  }
0x40: {  	_ =	shalt  }
0x41: {  	_ =	shalt  }
0x42: {  	_ =	shalt  }
0x43: {  	_ =	shalt  }
0x44: {  	_ =	shalt  }
0x45: {  	_ =	shalt  }
0x46: {  	_ =	shalt  }
0x47: {  	_ =	shalt  }
0x48: {  	_ =	shalt  }
0x49: {  	_ =	shalt  }
0x4a: {  	_ =	shalt  }
0x4b: {  	_ =	shalt  }
0x4c: {  	_ =	shalt  }
0x4d: {  	_ =	shalt  }
0x4e: {  	_ =	shalt  }
0x4f: {  	_ =	shalt  }
0x50: {  	_ =	shalt  }
0x51: {  	_ =	shalt  }
0x52: {  	_ =	shalt  }
0x53: {  	_ =	shalt  }
0x54: {  	_ =	shalt  }
0x55: {  	_ =	shalt  }
0x56: {  	_ =	shalt  }
0x57: {  	_ =	shalt  }
0x58: {  	_ =	shalt  }
0x59: {  	_ =	shalt  }
0x5a: {  	_ =	shalt  }
0x5b: {  	_ =	shalt  }
0x5c: {  	_ =	shalt  }
0x5d: {  	_ =	shalt  }
0x5e: {  	_ =	shalt  }
0x5f: {  	_ =	shalt  }
0x60: {  	_ =	shalt  }
0x61: {  	_ =	shalt  }
0x62: {  	_ =	shalt  }
0x63: {  	_ =	shalt  }
0x64: {  	_ =	shalt  }
0x65: {  	_ =	shalt  }
0x66: {  	_ =	shalt  }
0x67: {  	_ =	shalt  }
0x68: {  	_ =	shalt  }
0x69: {  	_ =	shalt  }
0x6a: {  	_ =	shalt  }
0x6b: {  	_ =	shalt  }
0x6c: {  	_ =	shalt  }
0x6d: {  	_ =	shalt  }
0x6e: {  	_ =	shalt  }
0x6f: {  	_ =	shalt  }
0x70: {  	_ =	shalt  }
0x71: {  	_ =	shalt  }
0x72: {  	_ =	shalt  }
0x73: {  	_ =	shalt  }
0x74: {  	_ =	shalt  }
0x75: {  	_ =	shalt  }
0x76: {  	_ =	shalt  }
0x77: {  	_ =	shalt  }
0x78: {  	_ =	shalt  }
0x79: {  	_ =	shalt  }
0x7a: {  	_ =	shalt  }
0x7b: {  	_ =	shalt  }
0x7c: {  	_ =	shalt  }
0x7d: {  	_ =	shalt  }
0x7e: {  	_ =	shalt  }
0x7f: {  	_ =	shalt  }
0x80: {  	_ =	shalt  }
0x81: {  	_ =	shalt  }
0x82: {  	_ =	shalt  }
0x83: {  	_ =	shalt  }
0x84: {  	_ =	shalt  }
0x85: {  	_ =	shalt  }
0x86: {  	_ =	shalt  }
0x87: {  	_ =	shalt  }
.Lfunc_end0:
.L_simem_size_0:
called_computation.2_lowered:
.L_overlay_start_0:
0x88: {  	s2 =	sld [smem:$0x3FD9]  }
0x89: {  	s3 =	sld [smem:$0x3FFE];
	_ =	sdelay $0x1  }
0x8a: {  	s1 =	srdreg.scid  }
0x8b: {  	s0 =	sand.u32 $0x1, s1  }
0x8c: {  	s14 =	sshll.u32 s0, $0xA;
	s2 =	sadd.s32 s3, s2  }
0x8d: {  	s2 =	sadd.s32 s2, s14  }
0x8e: {  	[smem:$0x3FC2] =	sst s2  }
0x8f: {  	_ = 	snop  }
0x90: {  	s2 =	sld [smem:$0x3FD0];
	_ =	sdelay $0x2  }
0x91: {  	s15 =	simm.s32 $0xA;
	s4 =	simm.s32 $0x10  }
0x92: {  	[smem:s4], [sflag:s15] =	dma.local [hbm:s2], $0x1  }
0x93: {  	_ =	swait.eq [sflag:s15], $0x1  }
0x94: {  	[sflag:s15] =	ssyncset.done $0x0  }
0x95: {  	s16 =	sld [smem:$0x10];
	[sflag:s15] =	ssyncadd.s32 $0xFFFFFFFF  }
0x96: {  	s17 =	sld [smem:$0x11];
	(tm) =	ssettm $0x1  }
0x97: {  	s18 =	sld [smem:$0x3FFB];
	_ =	sdelay $0x3  }
0x98: {  	_ =	strace s18  }
0x99: {  	s4 =	sld [smem:$0x3FFC];
	_ =	sdelay $0x3  }
0x9a: {  	_ =	strace s4  }
0x9b: {  	s4 =	sld [smem:$0x3FFD];
	_ =	sdelay $0x3  }
0x9c: {  	_ =	strace s4  }
0x9d: {  	_ =	strace $0x8FFFFFFF  }
0x9e: {  	s19 =	sld [smem:$0x3FDB];
	_ =	sdelay $0x1  }
0x9f: {  	s5 =	simm.s32 $_scs_section_size  }
0xa0: {  	s6 =	simm.s32 $_size__tile_overlayer_lowered;
	s7 =	simm.s32 $_tile_overlayer_lowered  }
0xa1: {  	s22 =	simm.s32 $0x1BFF;
	s21 =	sshll.u32 s7, $0x1;
	s4 =	sadd.s32 s5, s19  }
0xa2: {  	s8 =	simm.s32 $0x0;
	s20 =	sshll.u32 s6, $0x1;
	s6 =	sadd.s32 s21, s4  }
0xa3: {  	[timem:s8], [sflag:s22] =	dma.local [hbm:s6], s20  }
0xa4: {  	_ =	swait.ge [sflag:s22], s20  }
0xa5: {  	s5 =	ssub.s32 $0x0, s20;
	[sflag:s22] =	ssyncset.done $0x0  }
0xa6: {  	[sflag:s22] =	ssyncadd.s32 s5;
	_ =	sdelay $0x1  }
0xa7: {  	s23 =	simm.s32 $0x1B8B  }
0xa8: {  	_ =	swait.ge [sflag:s23], $0x1  }
0xa9: {  	[sflag:s23] =	ssyncset.done $0x0  }
0xaa: {  	s25 =	simm.s32 $0x1B8E;
	s24 =	sld [smem:$0x3FFE];
	[sflag:s23] =	ssyncadd.s32 $0xFFFFFFFF  }
0xab: {  	s26 =	simm.s32 $execute0_lowered;
	[smem:$0x3FD2] =	sst s25  }
0xac: {  	s6 =	sshll.u32 s26, $0x1;
	_ =	strace $0x8000004C;
	[dreg:$0x1] =	wrdreg $0xFFFFFFFF  }
0xad: {  	s28 =	simm.s32 $_size_execute0_lowered;
	s4 =	sadd.s32 s4, s6;
	[dreg:$0x0] =	wrdreg $0x0  }
0xae: {  	s6 =	sshll.u32 s28, $0x1;
	[dreg:$0x2] =	wrdreg s4  }
0xaf: {  	[dreg:$0x3] =	wrdreg s6  }
0xb0: {  	[dreg:$0x4] =	wrdreg $0xC0  }
0xb1: {  	_ =	task [dreg:s8], $0x5FFFF  }
0xb2: {  	[dreg:$0x1] =	wrdreg $0xFFFFFFFF  }
0xb3: {  	[dreg:$0x0] =	wrdreg $0x60  }
0xb4: {  	[dreg:$0x2] =	wrdreg s17  }
0xb5: {  	[dreg:$0x3] =	wrdreg s16  }
0xb6: {  	[dreg:$0x4] =	wrdreg s24  }
0xb7: {  	[dreg:$0x5] =	wrdreg $0xD0000  }
0xb8: {  	[dreg:$0x6] =	wrdreg $0x9  }
0xb9: {  	_ =	task.clear_ibuf [dreg:s8], $0x7FFFF;
	_ =	strace $0x9000004C  }
0xba: {  	s29 =	simm.s32 $0x9;
	_ =	strace $0x8000004E  }
0xbb: {  	_ =	swait.ge [sflag:s29], $0x1  }
0xbc: {  	[sflag:s29] =	ssyncadd.s32 $0xFFFFFFFF  }
0xbd: {  	_ =	strace $0x9000004E  }
0xbe: {  	_ =	sfence  }
0xbf: {  	s30 =	sld [smem:$0x0];
	_ =	sdelay $0x2  }
0xc0: {  	s31 =	sshll.u32 s1, $0xD;
	s1 =	sshrl.u32 s1, $0x2  }
0xc1: {  	s3 =	sand.u32 $0x4000, s31;
	s1 =	sadd.s32 s1, s30  }
0xc2: {  	s0 =	sor.u32 s3, s0;
	s1 =	sshll.u32 s1, $0x11  }
0xc3: {  	s0 =	sor.u32 s1, s0  }
0xc4: {  	s0 =	sadd.s32 $0x8F2B, s0  }
0xc5: {  	[sflag:s0] =	ssyncadd.remote.s32 $0x1  }
0xc6: {  	_ =	sfence.sel $0xFFFF  }
0xc7: {  	[dreg:$0x0] =	wrdreg $0xFFFFFFFF;
	(pc) =	sbr.abs _section_cstart, $3  }
0xc8: {  	[dreg:$0x1] =	wrdreg $0xFFFFFFFF  }
0xc9: {  	_ =	task.clear_ibuf [dreg:s8], $0x2FFFF;
	_ =	strace $0x9FFFFFFF  }
0xca: {  	(tm) =	ssettm $0x7FFFFFFF  }
0xcb: {  	_ =	shalt  }
tec
execute0_lowered:
.L_overlay_start_1:
0x0: {  	(tag) =	ssettag $0x1  }
0x1: {  	s1 =	rddreg [dreg:$0x0]  }
0x2: {  	s2 =	rddreg [dreg:$0x1]  }
0x3: {  	s0 =	srdreg.scid;
	s6 =	rddreg [dreg:$0x2]  }
0x4: {  	s13 =	stileid.u32;
	s4 =	rddreg [dreg:$0x3];
	s5 =	simm.s32 $0x0  }
0x5: {  	s12 =	simm.s32 $0x5;
	s16 =	simm.s32 $0x80;
	s17 =	simm.s32 $0x5000  }
0x6: {  	s18 =	simm.s32 $0x7000;
	s19 =	simm.s32 $0x100;
	s20 =	simm.s32 $0x9000  }
0x7: {  	s21 =	simm.s32 $0x180;
	s22 =	simm.s32 $0xB000;
	s23 =	simm.s32 $0x1  }
0x8: {  	s28 =	simm.s32 $0x4E00;
	s29 =	simm.s32 $0x4E80;
	s30 =	simm.s32 $0x4F00  }
0x9: {  	s31 =	simm.s32 $0x4F80;
	s0 =	sand.u32 $0x1, s0;
	s3 =	sshll.u32 s13, $0x1  }
0xa: {  	s8 =	smul.u32 $0xA000, s13;
	[smem:$0x7FF] =	sst s5;
	s26 =	sshll.u32 s13, $0x6  }
0xb: {  	s3 =	sor.u32 s0, s3;
	s7 =	smul.u32 $0x140000, s0;
	_ =	strace $0x8000004D  }
0xc: {  	s0 =	ssub.s32 $0x2, s0;
	s14 =	sor.u32 $0x1C05, s26;
	s26 =	simm.s32 $0x4  }
0xd: {  	s3 =	smul.u32 $0x500, s3;
	s9 =	sshrl.u32 s8, $0x3;
	s10 =	sshrl.u32 s0, $0x1  }
0xe: {  	s25 =	sadd.s32 s8, s4;
	s7 =	sadd.s32 s8, s7;
	s9 =	sadd.s32 s9, s6  }
0xf: {  	s0 =	ssub.s32 s0, s10;
	s15 =	sshrl.u32 s25, $0x3;
	s25 =	simm.s32 $0x3  }
0x10: {  	s3 =	sadd.s32 s3, s6;
	s7 =	sshrl.u32 s7, $0x3;
	s8 =	sadd.s32 $0x66E00, s9  }
0x11: {  	s11 =	sadd.s32 s7, s6;
	s24 =	sadd.s32 $0x2E00, s3;
	s7 =	sadd.s32 $0xCE00, s3  }
0x12: {  	s3 =	simm.s32 $0x0;
	[dreg:$0x5] =	wrdreg s24;
	s9 =	sadd.s32 $0x7AE00, s11  }
0x13: {  	s10 =	sadd.s32 $0x8EE00, s11;
	s11 =	smax.u32 s0, $0x1;
	s24 =	simm.s32 $0x2  }
.LBB2_1:
0x14: {  	s0 =	rddreg [dreg:$0x5]  }
0x15: {  	[tilespmem:s5], [sflag:$0x5] =	stream.linear.gather [hbm4b:s0+s5], $0x2800, $0x38;
	[tilespmem:$0x17000] =	vst v63  }
0x16: {  	_ =	swait.ge [sflag:s12], $0x2800  }
0x17: {  	[sflag:s12] =	ssyncset.done $0x0  }
0x18: {  	s6 =	simm.s32 $0x2800;
	[sflag:s12] =	ssyncadd.s32 $0xFFFFD800  }
0x19: {  	[tilespmem:s6], [sflag:$0x5] =	stream.linear.gather [hbm4b:s7+s5], $0x2800, $0x38;
	[tilespmem:$0x17000] =	vst v63  }
0x1a: {  	_ =	swait.ge [sflag:s12], $0x2800  }
0x1b: {  	[sflag:s12] =	ssyncset.done $0x0  }
0x1c: {  	[sflag:s12] =	ssyncadd.s32 $0xFFFFD800  }
0x1d: {  	[spmem:s15], [sflag:s14] =	dma.local [hbm:s8], $0x1400  }
0x1e: {  	_ =	swait.ge [sflag:s12], $0x1400  }
0x1f: {  	[sflag:s12] =	ssyncset.done $0x0  }
0x20: {  	[sflag:s12] =	ssyncadd.s32 $0xFFFFEC00  }
0x21: {  	[bflag:$0x0] =	sbarrier.arrive $0xFFFF  }
0x22: {  	[tilespmem:s17], [sflag:$0x1] =	stream.indirect.gather [hbm4b:s1+s16], $0x40, s5, s16, $0xb8;
	[tilespmem:$0x17000] =	vst v63  }
0x23: {  	_ = 	snop  }
0x24: {  	[tilespmem:s18], [sflag:$0x2] =	stream.indirect.gather [hbm4b:s1+s16], $0x40, s16, s16, $0xb8;
	[tilespmem:$0x17000] =	vst v63  }
0x25: {  	_ = 	snop  }
0x26: {  	[tilespmem:s20], [sflag:$0x3] =	stream.indirect.gather [hbm4b:s1+s16], $0x40, s19, s16, $0xb8;
	[tilespmem:$0x17000] =	vst v63  }
0x27: {  	_ = 	snop  }
0x28: {  	[tilespmem:s22], [sflag:$0x4] =	stream.indirect.gather [hbm4b:s1+s16], $0x40, s21, s16, $0xb8;
	[tilespmem:$0x17000] =	vst v63  }
0x29: {  	_ =	swait.ge [sflag:s23], $0x2000  }
0x2a: {  	[sflag:s23] =	ssyncset.done $0x0  }
0x2b: {  	s13 =	simm.s32 $0x2800;
	[sflag:s23] =	ssyncadd.s32 $0xFFFFE000  }
0x2c: {  	[spmem:s4] =	stream.indirect.scatter.add.f32 [tilespmem:s17], [sflag:$0x5], $0x40, s13, s16, $0xb8;
	[tilespmem:$0x17000] =	vst v63  }
0x2d: {  	_ =	swait.ge [sflag:s12], $0x2000  }
0x2e: {  	[sflag:s12] =	ssyncset.done $0x0  }
0x2f: {  	s6 =	simm.s32 $0x200;
	[sflag:s12] =	ssyncadd.s32 $0xFFFFE000  }
0x30: {  	[tilespmem:s17], [sflag:$0x1] =	stream.indirect.gather [hbm4b:s1+s16], $0x40, s6, s16, $0xb8;
	[tilespmem:$0x17000] =	vst v63  }
0x31: {  	_ =	swait.ge [sflag:s24], $0x2000  }
0x32: {  	[sflag:s24] =	ssyncset.done $0x0  }
0x33: {  	s13 =	simm.s32 $0x2880;
	[sflag:s24] =	ssyncadd.s32 $0xFFFFE000  }
0x34: {  	[spmem:s4] =	stream.indirect.scatter.add.f32 [tilespmem:s18], [sflag:$0x5], $0x40, s13, s16, $0xb8;
	[tilespmem:$0x17000] =	vst v63  }
0x35: {  	_ =	swait.ge [sflag:s12], $0x2000  }
0x36: {  	[sflag:s12] =	ssyncset.done $0x0  }
0x37: {  	s6 =	simm.s32 $0x280;
	[sflag:s12] =	ssyncadd.s32 $0xFFFFE000  }
0x38: {  	[tilespmem:s18], [sflag:$0x2] =	stream.indirect.gather [hbm4b:s1+s16], $0x40, s6, s16, $0xb8;
	[tilespmem:$0x17000] =	vst v63  }
0x39: {  	_ =	swait.ge [sflag:s25], $0x2000  }
0x3a: {  	[sflag:s25] =	ssyncset.done $0x0  }
0x3b: {  	s13 =	simm.s32 $0x2900;
	[sflag:s25] =	ssyncadd.s32 $0xFFFFE000  }
0x3c: {  	[spmem:s4] =	stream.indirect.scatter.add.f32 [tilespmem:s20], [sflag:$0x5], $0x40, s13, s16, $0xb8;
	[tilespmem:$0x17000] =	vst v63  }
0x3d: {  	_ =	swait.ge [sflag:s12], $0x2000  }
0x3e: {  	[sflag:s12] =	ssyncset.done $0x0  }
0x3f: {  	s6 =	simm.s32 $0x300;
	[sflag:s12] =	ssyncadd.s32 $0xFFFFE000  }
0x40: {  	[tilespmem:s20], [sflag:$0x3] =	stream.indirect.gather [hbm4b:s1+s16], $0x40, s6, s16, $0xb8;
	[tilespmem:$0x17000] =	vst v63  }
0x41: {  	_ =	swait.ge [sflag:s26], $0x2000  }
0x42: {  	[sflag:s26] =	ssyncset.done $0x0  }
0x43: {  	s13 =	simm.s32 $0x2980;
	[sflag:s26] =	ssyncadd.s32 $0xFFFFE000  }
0x44: {  	[spmem:s4] =	stream.indirect.scatter.add.f32 [tilespmem:s22], [sflag:$0x5], $0x40, s13, s16, $0xb8;
	[tilespmem:$0x17000] =	vst v63  }
0x45: {  	_ =	swait.ge [sflag:s12], $0x2000  }
0x46: {  	[sflag:s12] =	ssyncset.done $0x0  }
0x47: {  	s0 =	simm.s32 $0x800;
	s13 =	simm.s32 $0x380;
	[sflag:s12] =	ssyncadd.s32 $0xFFFFE000  }
.LBB2_2:
0x48: {  	[tilespmem:s22], [sflag:$0x4] =	stream.indirect.gather [hbm4b:s1+s16], $0x40, s13, s16, $0xb8;
	[tilespmem:$0x17000] =	vst v63  }
0x49: {  	s13 =	smov.u32 s0  }
0x4a: {  	p0 =	sne.s32 s0, $0x9000;
	s0 =	sadd.s32 $0x800, s0;
	_ =	swait.ge [sflag:s23], $0x2000  }
0x4b: {  	s13 =	sshra.s32 s13, $0x2;
	[sflag:s23] =	ssyncset.done $0x0  }
0x4c: {  	s6 =	sadd.s32 $0x2800, s13;
	[sflag:s23] =	ssyncadd.s32 $0xFFFFE000  }
0x4d: {  	[spmem:s4] =	stream.indirect.scatter.add.f32 [tilespmem:s17], [sflag:$0x5], $0x40, s6, s16, $0xb8;
	[tilespmem:$0x17000] =	vst v63  }
0x4e: {  	_ =	swait.ge [sflag:s12], $0x2000  }
0x4f: {  	[sflag:s12] =	ssyncset.done $0x0  }
0x50: {  	s6 =	sadd.s32 $0x200, s13;
	[sflag:s12] =	ssyncadd.s32 $0xFFFFE000  }
0x51: {  	[tilespmem:s17], [sflag:$0x1] =	stream.indirect.gather [hbm4b:s1+s16], $0x40, s6, s16, $0xb8;
	[tilespmem:$0x17000] =	vst v63  }
0x52: {  	_ =	swait.ge [sflag:s24], $0x2000  }
0x53: {  	[sflag:s24] =	ssyncset.done $0x0  }
0x54: {  	s6 =	sadd.s32 $0x2880, s13;
	[sflag:s24] =	ssyncadd.s32 $0xFFFFE000  }
0x55: {  	[spmem:s4] =	stream.indirect.scatter.add.f32 [tilespmem:s18], [sflag:$0x5], $0x40, s6, s16, $0xb8;
	[tilespmem:$0x17000] =	vst v63  }
0x56: {  	_ =	swait.ge [sflag:s12], $0x2000  }
0x57: {  	[sflag:s12] =	ssyncset.done $0x0  }
0x58: {  	s6 =	sadd.s32 $0x280, s13;
	[sflag:s12] =	ssyncadd.s32 $0xFFFFE000  }
0x59: {  	[tilespmem:s18], [sflag:$0x2] =	stream.indirect.gather [hbm4b:s1+s16], $0x40, s6, s16, $0xb8;
	[tilespmem:$0x17000] =	vst v63  }
0x5a: {  	_ =	swait.ge [sflag:s25], $0x2000  }
0x5b: {  	[sflag:s25] =	ssyncset.done $0x0  }
0x5c: {  	s6 =	sadd.s32 $0x2900, s13;
	[sflag:s25] =	ssyncadd.s32 $0xFFFFE000  }
0x5d: {  	[spmem:s4] =	stream.indirect.scatter.add.f32 [tilespmem:s20], [sflag:$0x5], $0x40, s6, s16, $0xb8;
	[tilespmem:$0x17000] =	vst v63  }
0x5e: {  	_ =	swait.ge [sflag:s12], $0x2000  }
0x5f: {  	[sflag:s12] =	ssyncset.done $0x0  }
0x60: {  	s6 =	sadd.s32 $0x300, s13;
	[sflag:s12] =	ssyncadd.s32 $0xFFFFE000  }
0x61: {  	[tilespmem:s20], [sflag:$0x3] =	stream.indirect.gather [hbm4b:s1+s16], $0x40, s6, s16, $0xb8;
	[tilespmem:$0x17000] =	vst v63  }
0x62: {  	_ =	swait.ge [sflag:s26], $0x2000  }
0x63: {  	[sflag:s26] =	ssyncset.done $0x0  }
.Ltmp0:
0x64: {  	s6 =	sadd.s32 $0x2980, s13;
	[sflag:s26] =	ssyncadd.s32 $0xFFFFE000;
	(pc) =	sbr.rel @p0 .LBB2_2-.Ltmp0, $4  }
0x65: {  	[spmem:s4] =	stream.indirect.scatter.add.f32 [tilespmem:s22], [sflag:$0x5], $0x40, s6, s16, $0xb8;
	[tilespmem:$0x17000] =	vst v63  }
0x66: {  	_ =	swait.ge [sflag:s12], $0x2000  }
0x67: {  	[sflag:s12] =	ssyncset.done $0x0  }
0x68: {  	s13 =	sadd.s32 $0x380, s13;
	[sflag:s12] =	ssyncadd.s32 $0xFFFFE000  }
0x69: {  	[tilespmem:s22], [sflag:$0x4] =	stream.indirect.gather [hbm4b:s1+s16], $0x40, s13, s16, $0xb8;
	[tilespmem:$0x17000] =	vst v63  }
0x6a: {  	_ =	swait.ge [sflag:s23], $0x2000  }
0x6b: {  	[sflag:s23] =	ssyncset.done $0x0  }
0x6c: {  	[sflag:s23] =	ssyncadd.s32 $0xFFFFE000  }
0x6d: {  	[spmem:s4] =	stream.indirect.scatter.add.f32 [tilespmem:s17], [sflag:$0x5], $0x40, s28, s16, $0xb8;
	[tilespmem:$0x17000] =	vst v63  }
0x6e: {  	_ =	swait.ge [sflag:s12], $0x2000  }
0x6f: {  	[sflag:s12] =	ssyncset.done $0x0  }
0x70: {  	[sflag:s12] =	ssyncadd.s32 $0xFFFFE000  }
0x71: {  	_ =	swait.ge [sflag:s24], $0x2000  }
0x72: {  	[sflag:s24] =	ssyncset.done $0x0  }
0x73: {  	[sflag:s24] =	ssyncadd.s32 $0xFFFFE000  }
0x74: {  	[spmem:s4] =	stream.indirect.scatter.add.f32 [tilespmem:s18], [sflag:$0x5], $0x40, s29, s16, $0xb8;
	[tilespmem:$0x17000] =	vst v63  }
0x75: {  	_ =	swait.ge [sflag:s12], $0x2000  }
0x76: {  	[sflag:s12] =	ssyncset.done $0x0  }
0x77: {  	[sflag:s12] =	ssyncadd.s32 $0xFFFFE000  }
0x78: {  	_ =	swait.ge [sflag:s25], $0x2000  }
0x79: {  	[sflag:s25] =	ssyncset.done $0x0  }
0x7a: {  	[sflag:s25] =	ssyncadd.s32 $0xFFFFE000  }
0x7b: {  	[spmem:s4] =	stream.indirect.scatter.add.f32 [tilespmem:s20], [sflag:$0x5], $0x40, s30, s16, $0xb8;
	[tilespmem:$0x17000] =	vst v63  }
0x7c: {  	_ =	swait.ge [sflag:s12], $0x2000  }
0x7d: {  	[sflag:s12] =	ssyncset.done $0x0  }
0x7e: {  	[sflag:s12] =	ssyncadd.s32 $0xFFFFE000  }
0x7f: {  	_ =	swait.ge [sflag:s26], $0x2000  }
0x80: {  	[sflag:s26] =	ssyncset.done $0x0  }
0x81: {  	[sflag:s26] =	ssyncadd.s32 $0xFFFFE000  }
0x82: {  	[spmem:s4] =	stream.indirect.scatter.add.f32 [tilespmem:s22], [sflag:$0x5], $0x40, s31, s16, $0xb8;
	[tilespmem:$0x17000] =	vst v63  }
0x83: {  	_ =	swait.ge [sflag:s12], $0x2000  }
0x84: {  	[sflag:s12] =	ssyncset.done $0x0  }
0x85: {  	[sflag:s12] =	ssyncadd.s32 $0xFFFFE000  }
0x86: {  	[bflag:$0x0] =	sbarrier.arrive $0xFFFF  }
0x87: {  	[hbm:s9], [sflag:s14] =	dma.local [spmem:s15], $0x1400  }
0x88: {  	_ =	swait.ge [sflag:s12], $0x1400  }
0x89: {  	[sflag:s12] =	ssyncset.done $0x0  }
0x8a: {  	[sflag:s12] =	ssyncadd.s32 $0xFFFFEC00  }
0x8b: {  	[spmem:s15], [sflag:s14] =	dma.local [hbm:s8], $0x1400  }
0x8c: {  	_ =	swait.ge [sflag:s12], $0x1400  }
0x8d: {  	[sflag:s12] =	ssyncset.done $0x0  }
0x8e: {  	[sflag:s12] =	ssyncadd.s32 $0xFFFFEC00  }
0x8f: {  	s0 =	simm.s32 $0x0;
	[bflag:$0x0] =	sbarrier.arrive $0xFFFF  }
0x90: {  	[tilespmem:s17], [sflag:$0x1] =	stream.indirect.gather [hbm4b:s2+s16], $0x40, s0, s16, $0xb8;
	[tilespmem:$0x17000] =	vst v63  }
0x91: {  	_ = 	snop  }
0x92: {  	[tilespmem:s18], [sflag:$0x2] =	stream.indirect.gather [hbm4b:s2+s16], $0x40, s16, s16, $0xb8;
	[tilespmem:$0x17000] =	vst v63  }
0x93: {  	_ = 	snop  }
0x94: {  	[tilespmem:s20], [sflag:$0x3] =	stream.indirect.gather [hbm4b:s2+s16], $0x40, s19, s16, $0xb8;
	[tilespmem:$0x17000] =	vst v63  }
0x95: {  	_ = 	snop  }
0x96: {  	[tilespmem:s22], [sflag:$0x4] =	stream.indirect.gather [hbm4b:s2+s16], $0x40, s21, s16, $0xb8;
	[tilespmem:$0x17000] =	vst v63  }
0x97: {  	_ =	swait.ge [sflag:s23], $0x2000  }
0x98: {  	[sflag:s23] =	ssyncset.done $0x0  }
0x99: {  	s13 =	simm.s32 $0x2800;
	[sflag:s23] =	ssyncadd.s32 $0xFFFFE000  }
0x9a: {  	[spmem:s4] =	stream.indirect.scatter.add.f32 [tilespmem:s17], [sflag:$0x5], $0x40, s13, s16, $0xb8;
	[tilespmem:$0x17000] =	vst v63  }
0x9b: {  	_ =	swait.ge [sflag:s12], $0x2000  }
0x9c: {  	[sflag:s12] =	ssyncset.done $0x0  }
0x9d: {  	s6 =	simm.s32 $0x200;
	[sflag:s12] =	ssyncadd.s32 $0xFFFFE000  }
0x9e: {  	[tilespmem:s17], [sflag:$0x1] =	stream.indirect.gather [hbm4b:s2+s16], $0x40, s6, s16, $0xb8;
	[tilespmem:$0x17000] =	vst v63  }
0x9f: {  	_ =	swait.ge [sflag:s24], $0x2000  }
0xa0: {  	[sflag:s24] =	ssyncset.done $0x0  }
0xa1: {  	s13 =	simm.s32 $0x2880;
	[sflag:s24] =	ssyncadd.s32 $0xFFFFE000  }
0xa2: {  	[spmem:s4] =	stream.indirect.scatter.add.f32 [tilespmem:s18], [sflag:$0x5], $0x40, s13, s16, $0xb8;
	[tilespmem:$0x17000] =	vst v63  }
0xa3: {  	_ =	swait.ge [sflag:s12], $0x2000  }
0xa4: {  	[sflag:s12] =	ssyncset.done $0x0  }
0xa5: {  	s6 =	simm.s32 $0x280;
	[sflag:s12] =	ssyncadd.s32 $0xFFFFE000  }
0xa6: {  	[tilespmem:s18], [sflag:$0x2] =	stream.indirect.gather [hbm4b:s2+s16], $0x40, s6, s16, $0xb8;
	[tilespmem:$0x17000] =	vst v63  }
0xa7: {  	_ =	swait.ge [sflag:s25], $0x2000  }
0xa8: {  	[sflag:s25] =	ssyncset.done $0x0  }
0xa9: {  	s13 =	simm.s32 $0x2900;
	[sflag:s25] =	ssyncadd.s32 $0xFFFFE000  }
0xaa: {  	[spmem:s4] =	stream.indirect.scatter.add.f32 [tilespmem:s20], [sflag:$0x5], $0x40, s13, s16, $0xb8;
	[tilespmem:$0x17000] =	vst v63  }
0xab: {  	_ =	swait.ge [sflag:s12], $0x2000  }
0xac: {  	[sflag:s12] =	ssyncset.done $0x0  }
0xad: {  	s6 =	simm.s32 $0x300;
	[sflag:s12] =	ssyncadd.s32 $0xFFFFE000  }
0xae: {  	[tilespmem:s20], [sflag:$0x3] =	stream.indirect.gather [hbm4b:s2+s16], $0x40, s6, s16, $0xb8;
	[tilespmem:$0x17000] =	vst v63  }
0xaf: {  	_ =	swait.ge [sflag:s26], $0x2000  }
0xb0: {  	[sflag:s26] =	ssyncset.done $0x0  }
0xb1: {  	s13 =	simm.s32 $0x2980;
	[sflag:s26] =	ssyncadd.s32 $0xFFFFE000  }
0xb2: {  	[spmem:s4] =	stream.indirect.scatter.add.f32 [tilespmem:s22], [sflag:$0x5], $0x40, s13, s16, $0xb8;
	[tilespmem:$0x17000] =	vst v63  }
0xb3: {  	_ =	swait.ge [sflag:s12], $0x2000  }
0xb4: {  	[sflag:s12] =	ssyncset.done $0x0  }
0xb5: {  	s0 =	simm.s32 $0x800;
	s13 =	simm.s32 $0x380;
	[sflag:s12] =	ssyncadd.s32 $0xFFFFE000  }
.LBB2_4:
0xb6: {  	[tilespmem:s22], [sflag:$0x4] =	stream.indirect.gather [hbm4b:s2+s16], $0x40, s13, s16, $0xb8;
	[tilespmem:$0x17000] =	vst v63  }
0xb7: {  	s6 =	smov.u32 s0  }
0xb8: {  	p0 =	sne.s32 s0, $0x9000;
	s0 =	sadd.s32 $0x800, s0;
	_ =	swait.ge [sflag:s23], $0x2000  }
0xb9: {  	s13 =	sshra.s32 s6, $0x2;
	[sflag:s23] =	ssyncset.done $0x0  }
0xba: {  	s6 =	sadd.s32 $0x2800, s13;
	[sflag:s23] =	ssyncadd.s32 $0xFFFFE000  }
0xbb: {  	[spmem:s4] =	stream.indirect.scatter.add.f32 [tilespmem:s17], [sflag:$0x5], $0x40, s6, s16, $0xb8;
	[tilespmem:$0x17000] =	vst v63  }
0xbc: {  	_ =	swait.ge [sflag:s12], $0x2000  }
0xbd: {  	[sflag:s12] =	ssyncset.done $0x0  }
0xbe: {  	s6 =	sadd.s32 $0x200, s13;
	[sflag:s12] =	ssyncadd.s32 $0xFFFFE000  }
0xbf: {  	[tilespmem:s17], [sflag:$0x1] =	stream.indirect.gather [hbm4b:s2+s16], $0x40, s6, s16, $0xb8;
	[tilespmem:$0x17000] =	vst v63  }
0xc0: {  	_ =	swait.ge [sflag:s24], $0x2000  }
0xc1: {  	[sflag:s24] =	ssyncset.done $0x0  }
0xc2: {  	s6 =	sadd.s32 $0x2880, s13;
	[sflag:s24] =	ssyncadd.s32 $0xFFFFE000  }
0xc3: {  	[spmem:s4] =	stream.indirect.scatter.add.f32 [tilespmem:s18], [sflag:$0x5], $0x40, s6, s16, $0xb8;
	[tilespmem:$0x17000] =	vst v63  }
0xc4: {  	_ =	swait.ge [sflag:s12], $0x2000  }
0xc5: {  	[sflag:s12] =	ssyncset.done $0x0  }
0xc6: {  	s6 =	sadd.s32 $0x280, s13;
	[sflag:s12] =	ssyncadd.s32 $0xFFFFE000  }
0xc7: {  	[tilespmem:s18], [sflag:$0x2] =	stream.indirect.gather [hbm4b:s2+s16], $0x40, s6, s16, $0xb8;
	[tilespmem:$0x17000] =	vst v63  }
0xc8: {  	_ =	swait.ge [sflag:s25], $0x2000  }
0xc9: {  	[sflag:s25] =	ssyncset.done $0x0  }
0xca: {  	s6 =	sadd.s32 $0x2900, s13;
	[sflag:s25] =	ssyncadd.s32 $0xFFFFE000  }
0xcb: {  	[spmem:s4] =	stream.indirect.scatter.add.f32 [tilespmem:s20], [sflag:$0x5], $0x40, s6, s16, $0xb8;
	[tilespmem:$0x17000] =	vst v63  }
0xcc: {  	_ =	swait.ge [sflag:s12], $0x2000  }
0xcd: {  	[sflag:s12] =	ssyncset.done $0x0  }
0xce: {  	s6 =	sadd.s32 $0x300, s13;
	[sflag:s12] =	ssyncadd.s32 $0xFFFFE000  }
0xcf: {  	[tilespmem:s20], [sflag:$0x3] =	stream.indirect.gather [hbm4b:s2+s16], $0x40, s6, s16, $0xb8;
	[tilespmem:$0x17000] =	vst v63  }
0xd0: {  	_ =	swait.ge [sflag:s26], $0x2000  }
0xd1: {  	[sflag:s26] =	ssyncset.done $0x0  }
.Ltmp1:
0xd2: {  	s6 =	sadd.s32 $0x2980, s13;
	[sflag:s26] =	ssyncadd.s32 $0xFFFFE000;
	(pc) =	sbr.rel @p0 .LBB2_4-.Ltmp1, $4  }
0xd3: {  	[spmem:s4] =	stream.indirect.scatter.add.f32 [tilespmem:s22], [sflag:$0x5], $0x40, s6, s16, $0xb8;
	[tilespmem:$0x17000] =	vst v63  }
0xd4: {  	_ =	swait.ge [sflag:s12], $0x2000  }
0xd5: {  	[sflag:s12] =	ssyncset.done $0x0  }
0xd6: {  	s13 =	sadd.s32 $0x380, s13;
	[sflag:s12] =	ssyncadd.s32 $0xFFFFE000  }
0xd7: {  	[tilespmem:s22], [sflag:$0x4] =	stream.indirect.gather [hbm4b:s2+s16], $0x40, s13, s16, $0xb8;
	[tilespmem:$0x17000] =	vst v63  }
0xd8: {  	_ =	swait.ge [sflag:s23], $0x2000  }
0xd9: {  	[sflag:s23] =	ssyncset.done $0x0  }
0xda: {  	[sflag:s23] =	ssyncadd.s32 $0xFFFFE000  }
0xdb: {  	[spmem:s4] =	stream.indirect.scatter.add.f32 [tilespmem:s17], [sflag:$0x5], $0x40, s28, s16, $0xb8;
	[tilespmem:$0x17000] =	vst v63  }
0xdc: {  	_ =	swait.ge [sflag:s12], $0x2000  }
0xdd: {  	[sflag:s12] =	ssyncset.done $0x0  }
0xde: {  	[sflag:s12] =	ssyncadd.s32 $0xFFFFE000  }
0xdf: {  	_ =	swait.ge [sflag:s24], $0x2000  }
0xe0: {  	[sflag:s24] =	ssyncset.done $0x0  }
0xe1: {  	[sflag:s24] =	ssyncadd.s32 $0xFFFFE000  }
0xe2: {  	[spmem:s4] =	stream.indirect.scatter.add.f32 [tilespmem:s18], [sflag:$0x5], $0x40, s29, s16, $0xb8;
	[tilespmem:$0x17000] =	vst v63  }
0xe3: {  	_ =	swait.ge [sflag:s12], $0x2000  }
0xe4: {  	[sflag:s12] =	ssyncset.done $0x0  }
0xe5: {  	[sflag:s12] =	ssyncadd.s32 $0xFFFFE000  }
0xe6: {  	_ =	swait.ge [sflag:s25], $0x2000  }
0xe7: {  	[sflag:s25] =	ssyncset.done $0x0  }
0xe8: {  	[sflag:s25] =	ssyncadd.s32 $0xFFFFE000  }
0xe9: {  	[spmem:s4] =	stream.indirect.scatter.add.f32 [tilespmem:s20], [sflag:$0x5], $0x40, s30, s16, $0xb8;
	[tilespmem:$0x17000] =	vst v63  }
0xea: {  	_ =	swait.ge [sflag:s12], $0x2000  }
0xeb: {  	[sflag:s12] =	ssyncset.done $0x0  }
0xec: {  	[sflag:s12] =	ssyncadd.s32 $0xFFFFE000  }
0xed: {  	_ =	swait.ge [sflag:s26], $0x2000  }
0xee: {  	[sflag:s26] =	ssyncset.done $0x0  }
0xef: {  	[sflag:s26] =	ssyncadd.s32 $0xFFFFE000  }
0xf0: {  	[spmem:s4] =	stream.indirect.scatter.add.f32 [tilespmem:s22], [sflag:$0x5], $0x40, s31, s16, $0xb8;
	[tilespmem:$0x17000] =	vst v63  }
0xf1: {  	_ =	swait.ge [sflag:s12], $0x2000  }
0xf2: {  	s3 =	sadd.s32 $0x1, s3;
	[sflag:s12] =	ssyncset.done $0x0  }
0xf3: {  	p0 =	sne.s32 s3, s11;
	[sflag:s12] =	ssyncadd.s32 $0xFFFFE000  }
.Ltmp2:
0xf4: {  	[bflag:$0x0] =	sbarrier.arrive $0xFFFF;
	(pc) =	sbr.rel @p0 .LBB2_1-.Ltmp2, $4  }
0xf5: {  	[hbm:s10], [sflag:s14] =	dma.local [spmem:s15], $0x1400  }
0xf6: {  	_ =	swait.ge [sflag:s12], $0x1400  }
0xf7: {  	[sflag:s12] =	ssyncset.done $0x0  }
0xf8: {  	[sflag:s12] =	ssyncadd.s32 $0xFFFFEC00  }
0xf9: {  	_ =	sfence.sel $0x180000  }
0xfa: {  	[bflag:$0x0] =	sbarrier.arrive $0xFFFF  }
0xfb: {  	_ =	strace $0x9000004D  }
0xfc: {  	s0 =	stileid.u32;
	[bflag:$0x2] =	sbarrier.arrive $0xFFFF  }
0xfd: {  	p0 =	sne.s32 s0, $0x0;
	s0 =	rddreg [dreg:$0x4]  }
0xfe: {  	s0 =	sadd.s32 @!p0 $0x100000, s0  }
0xff: {  	[sflag:s0] =	ssyncadd.tile.s32 @!p0 $0x1;
	_ =	shalt  }
.Lfunc_end2:
_tile_overlayer_lowered:
.L_overlay_start_2:
0x100: {  	(tag) =	ssettag $0x2  }
0x101: {  	s0 =	rddreg [dreg:$0x0];
	s2 =	stileid.u32  }
0x102: {  	s1 =	rddreg [dreg:$0x1];
	p0 =	sne.s32 s2, $0x0  }
0x103: {  	s3 =	rddreg [dreg:$0x2];
	[bflag:$0x3] =	sbarrier.arrive $0xFFFF;
	s2 =	simm.s32 @!p0 $0x1C05  }
0x104: {  	[timem:s3], [sflag:s2] =	dma.local @!p0 [hbm:s0], s1  }
0x105: {  	s0 =	simm.s32 @!p0 $0x5  }
0x106: {  	_ =	swait.ge @!p0 [sflag:s0], s1  }
0x107: {  	s1 =	ssub.s32 @!p0 $0x0, s1;
	[sflag:s0] =	ssyncset.done @!p0 $0x0  }
0x108: {  	[sflag:s0] =	ssyncadd.s32 @!p0 s1  }
0x109: {  	[bflag:$0x3] =	sbarrier.arrive $0xFFFF  }
0x10a: {  	_ =	shalt  }

// kernel: kernel.8.cloned.1.call-start
scs
__scs_entry_jumppad:
0x0: {  	(pc) =	sbr.rel $0x88, $3  }
0x1: {  	(tag) =	ssettag $0x0;
	lr =	simm.s32 $0x1  }
0x2: {  	[smem:$0x3F9B] =	sst lr;
	_ =	strace $0xD0000000  }
0x3: {  	_ = 	snop  }
0x4: {  	_ = 	snop  }
0x5: {  	_ = 	snop  }
0x6: {  	_ = 	snop  }
0x7: {  	_ = 	snop  }
__scs_overlays_trampoline_lowered:
0x8: {  	[smem:$0x3FAA] =	sst s0  }
0x9: {  	[smem:$0x3FAB] =	sst s1  }
0xa: {  	[smem:$0x3FAC] =	sst s2  }
0xb: {  	[smem:$0x3FAD] =	sst s3  }
0xc: {  	[smem:$0x3FAE] =	sst s4  }
0xd: {  	[smem:$0x3FAF] =	sst s5  }
0xe: {  	[smem:$0x3FB0] =	sst s6  }
0xf: {  	[smem:$0x3FB1] =	sst s7  }
0x10: {  	[smem:$0x3FB2] =	sst s8  }
0x11: {  	[smem:$0x3FB3] =	sst s9;
	s0 =	simm.s32 @!p0 $0x0  }
0x12: {  	s1 =	sld [smem:$0x3F99];
	s0 =	simm.s32 @p0 $0x1  }
0x13: {  	[smem:$0x3FB4] =	sst s0;
	s0 =	simm.s32 @!p1 $0x0  }
0x14: {  	s2 =	sld [smem:$0x3F98];
	s0 =	simm.s32 @p1 $0x1  }
0x15: {  	[smem:$0x3FB5] =	sst s0;
	s0 =	simm.s32 @!p2 $0x0  }
0x16: {  	s3 =	sld [smem:$0x3FDB];
	s0 =	simm.s32 @p2 $0x1  }
0x17: {  	s4 =	simm.s32 $0x1BF5;
	[smem:$0x3FB7] =	sst s0  }
0x18: {  	s0 =	sld [smem:$0x3F9A];
	_ =	swait.ge [sflag:s4], $0x0  }
0x19: {  	s7 =	sld [smem:$0x3F9B]  }
0x1a: {  	s8 =	sadd.s32 $0xFFFFE003, lr  }
0x1b: {  	s9 =	sadd.s32 $0xFFFFFEF7, lr;
	s5 =	simm.s32 $0xFFFFFFFF;
	p2 =	slt.u32 s8, $0xFFFFF086  }
0x1c: {  	p1 =	slt.u32 s9, $0xF7A;
	s5 =	simm.s32 @!p2 $0x0  }
0x1d: {  	s5 =	simm.s32 @p1 $0x1;
	p0 =	seq.s32 s7, s2  }
0x1e: {  	s7 =	smul.u32 @!p0 $0xF7A, s2;
	p2 =	seq.s32 @!p0 s5, $0x0  }
0x1f: {  	s9 =	smul.u32 $0xF7A, s1;
	s8 =	simm.s32 @!p0 $0x1BF5;
	p2 =	por !p2, p0  }
0x20: {  	[sflag:s8] =	ssyncset.s32 @!p0 $0xFFFFF086;
	s6 =	sadd.s32 @!p0 s3, s7;
	s7 =	simm.s32 @!p0 $0x108  }
0x21: {  	s3 =	sadd.s32 s3, s9;
	s6 =	sadd.s32 @!p0 $0x88, s6;
	s7 =	simm.s32 @p2 $0x1082  }
0x22: {  	[simem:s7], [sflag:s8] =	dma.local @!p0 [hbm:s6], $0xF7A  }
0x23: {  	s9 =	sor.u32 $0xD0000000, s2;
	s6 =	simm.s32 $0x108;
	_ =	swait.ge @!p0 [sflag:s8], $0x0  }
0x24: {  	s3 =	sadd.s32 $0x88, s3;
	s6 =	simm.s32 @!p1 $0x1082;
	[sflag:s4] =	ssyncset.s32 $0xFFFFF086  }
0x25: {  	[simem:s6], [sflag:s4] =	dma.local [hbm:s3], $0xF7A  }
0x26: {  	[smem:$0x3F9B] =	sst s1;
	(tag) =	ssettag s2;
	_ =	strace s9  }
0x27: {  	s1 =	sld [smem:$0x3FAB]  }
0x28: {  	s2 =	sld [smem:$0x3FAC]  }
0x29: {  	s4 =	sld [smem:$0x3FAE]  }
0x2a: {  	p0 =	seq.s32 s5, $0x0;
	s5 =	sld [smem:$0x3FAF]  }
0x2b: {  	s6 =	sld [smem:$0x3FB0]  }
0x2c: {  	s7 =	sld [smem:$0x3FB1]  }
0x2d: {  	s3 =	simm.s32 $0x108;
	s8 =	sld [smem:$0x3FB2]  }
0x2e: {  	s3 =	simm.s32 @!p0 $0x1082;
	s9 =	sld [smem:$0x3FB3]  }
0x2f: {  	lr =	sadd.s32 s0, s3;
	s0 =	sld [smem:$0x3FAA]  }
0x30: {  	s3 =	sld [smem:$0x3FAD]  }
0x31: {  	[smem:$0x3FB6] =	sst s10  }
0x32: {  	s10 =	sld [smem:$0x3FB4];
	_ =	sdelay $0x3  }
0x33: {  	p0 =	seq.s32 s10, $0x1;
	s10 =	sld [smem:$0x3FB6];
	_ =	sdelay $0x3  }
0x34: {  	[smem:$0x3FB6] =	sst s10  }
0x35: {  	s10 =	sld [smem:$0x3FB5];
	_ =	sdelay $0x3  }
0x36: {  	p1 =	seq.s32 s10, $0x1;
	s10 =	sld [smem:$0x3FB6];
	_ =	sdelay $0x3  }
0x37: {  	[smem:$0x3FB6] =	sst s10  }
0x38: {  	s10 =	sld [smem:$0x3FB7]  }
0x39: {  	_ = 	snop;
	(pc) =	sbr.ind lr, $3  }
0x3a: {  	_ = 	snop  }
0x3b: {  	_ = 	snop  }
0x3c: {  	p2 =	seq.s32 s10, $0x1;
	s10 =	sld [smem:$0x3FB6]  }
0x3d: {  	_ =	shalt  }
0x3e: {  	_ =	shalt  }
0x3f: {  	_ =	shalt  }
0x40: {  	_ =	shalt  }
0x41: {  	_ =	shalt  }
0x42: {  	_ =	shalt  }
0x43: {  	_ =	shalt  }
0x44: {  	_ =	shalt  }
0x45: {  	_ =	shalt  }
0x46: {  	_ =	shalt  }
0x47: {  	_ =	shalt  }
0x48: {  	_ =	shalt  }
0x49: {  	_ =	shalt  }
0x4a: {  	_ =	shalt  }
0x4b: {  	_ =	shalt  }
0x4c: {  	_ =	shalt  }
0x4d: {  	_ =	shalt  }
0x4e: {  	_ =	shalt  }
0x4f: {  	_ =	shalt  }
0x50: {  	_ =	shalt  }
0x51: {  	_ =	shalt  }
0x52: {  	_ =	shalt  }
0x53: {  	_ =	shalt  }
0x54: {  	_ =	shalt  }
0x55: {  	_ =	shalt  }
0x56: {  	_ =	shalt  }
0x57: {  	_ =	shalt  }
0x58: {  	_ =	shalt  }
0x59: {  	_ =	shalt  }
0x5a: {  	_ =	shalt  }
0x5b: {  	_ =	shalt  }
0x5c: {  	_ =	shalt  }
0x5d: {  	_ =	shalt  }
0x5e: {  	_ =	shalt  }
0x5f: {  	_ =	shalt  }
0x60: {  	_ =	shalt  }
0x61: {  	_ =	shalt  }
0x62: {  	_ =	shalt  }
0x63: {  	_ =	shalt  }
0x64: {  	_ =	shalt  }
0x65: {  	_ =	shalt  }
0x66: {  	_ =	shalt  }
0x67: {  	_ =	shalt  }
0x68: {  	_ =	shalt  }
0x69: {  	_ =	shalt  }
0x6a: {  	_ =	shalt  }
0x6b: {  	_ =	shalt  }
0x6c: {  	_ =	shalt  }
0x6d: {  	_ =	shalt  }
0x6e: {  	_ =	shalt  }
0x6f: {  	_ =	shalt  }
0x70: {  	_ =	shalt  }
0x71: {  	_ =	shalt  }
0x72: {  	_ =	shalt  }
0x73: {  	_ =	shalt  }
0x74: {  	_ =	shalt  }
0x75: {  	_ =	shalt  }
0x76: {  	_ =	shalt  }
0x77: {  	_ =	shalt  }
0x78: {  	_ =	shalt  }
0x79: {  	_ =	shalt  }
0x7a: {  	_ =	shalt  }
0x7b: {  	_ =	shalt  }
0x7c: {  	_ =	shalt  }
0x7d: {  	_ =	shalt  }
0x7e: {  	_ =	shalt  }
0x7f: {  	_ =	shalt  }
0x80: {  	_ =	shalt  }
0x81: {  	_ =	shalt  }
0x82: {  	_ =	shalt  }
0x83: {  	_ =	shalt  }
0x84: {  	_ =	shalt  }
0x85: {  	_ =	shalt  }
0x86: {  	_ =	shalt  }
0x87: {  	_ =	shalt  }
.Lfunc_end0:
.L_simem_size_0:
called_computation_lowered:
.L_overlay_start_0:
0x88: {  	s2 =	sld [smem:$0x3FD9]  }
0x89: {  	s3 =	sld [smem:$0x3FFE];
	_ =	sdelay $0x1  }
0x8a: {  	s1 =	srdreg.scid  }
0x8b: {  	s0 =	sand.u32 $0x1, s1  }
0x8c: {  	s14 =	sshll.u32 s0, $0xA;
	s2 =	sadd.s32 s3, s2  }
0x8d: {  	s2 =	sadd.s32 s2, s14  }
0x8e: {  	[smem:$0x3FC2] =	sst s2  }
0x8f: {  	_ = 	snop  }
0x90: {  	s2 =	sld [smem:$0x3FD0];
	_ =	sdelay $0x2  }
0x91: {  	s15 =	simm.s32 $0xA;
	s4 =	simm.s32 $0x10  }
0x92: {  	[smem:s4], [sflag:s15] =	dma.local [hbm:s2], $0x1  }
0x93: {  	_ =	swait.eq [sflag:s15], $0x1  }
0x94: {  	[sflag:s15] =	ssyncset.done $0x0  }
0x95: {  	s16 =	sld [smem:$0x10];
	[sflag:s15] =	ssyncadd.s32 $0xFFFFFFFF  }
0x96: {  	s17 =	sld [smem:$0x11];
	(tm) =	ssettm $0x1  }
0x97: {  	s18 =	sld [smem:$0x3FFB];
	_ =	sdelay $0x3  }
0x98: {  	_ =	strace s18  }
0x99: {  	s4 =	sld [smem:$0x3FFC];
	_ =	sdelay $0x3  }
0x9a: {  	_ =	strace s4  }
0x9b: {  	s4 =	sld [smem:$0x3FFD];
	_ =	sdelay $0x3  }
0x9c: {  	_ =	strace s4  }
0x9d: {  	_ =	strace $0x8FFFFFFF  }
0x9e: {  	s19 =	sld [smem:$0x3FDB];
	_ =	sdelay $0x1  }
0x9f: {  	s5 =	simm.s32 $_scs_section_size  }
0xa0: {  	s6 =	simm.s32 $_size__tile_overlayer_lowered;
	s7 =	simm.s32 $_tile_overlayer_lowered  }
0xa1: {  	s22 =	simm.s32 $0x1BFF;
	s21 =	sshll.u32 s7, $0x1;
	s4 =	sadd.s32 s5, s19  }
0xa2: {  	s8 =	simm.s32 $0x0;
	s20 =	sshll.u32 s6, $0x1;
	s6 =	sadd.s32 s21, s4  }
0xa3: {  	[timem:s8], [sflag:s22] =	dma.local [hbm:s6], s20  }
0xa4: {  	_ =	swait.ge [sflag:s22], s20  }
0xa5: {  	s5 =	ssub.s32 $0x0, s20;
	[sflag:s22] =	ssyncset.done $0x0  }
0xa6: {  	[sflag:s22] =	ssyncadd.s32 s5;
	_ =	sdelay $0x1  }
0xa7: {  	s23 =	simm.s32 $0x1B8B  }
0xa8: {  	_ =	swait.ge [sflag:s23], $0x1  }
0xa9: {  	[sflag:s23] =	ssyncset.done $0x0  }
0xaa: {  	s25 =	simm.s32 $0x1B8E;
	s24 =	sld [smem:$0x3FFE];
	[sflag:s23] =	ssyncadd.s32 $0xFFFFFFFF  }
0xab: {  	s26 =	simm.s32 $execute0_lowered;
	[smem:$0x3FD2] =	sst s25  }
0xac: {  	s6 =	sshll.u32 s26, $0x1;
	_ =	strace $0x80000046;
	[dreg:$0x1] =	wrdreg $0xFFFFFFFF  }
0xad: {  	s28 =	simm.s32 $_size_execute0_lowered;
	s4 =	sadd.s32 s4, s6;
	[dreg:$0x0] =	wrdreg $0x0  }
0xae: {  	s6 =	sshll.u32 s28, $0x1;
	[dreg:$0x2] =	wrdreg s4  }
0xaf: {  	[dreg:$0x3] =	wrdreg s6  }
0xb0: {  	[dreg:$0x4] =	wrdreg $0xC0  }
0xb1: {  	_ =	task [dreg:s8], $0x5FFFF  }
0xb2: {  	[dreg:$0x1] =	wrdreg $0xFFFFFFFF  }
0xb3: {  	[dreg:$0x0] =	wrdreg $0x60  }
0xb4: {  	[dreg:$0x2] =	wrdreg s24  }
0xb5: {  	[dreg:$0x3] =	wrdreg s16  }
0xb6: {  	[dreg:$0x4] =	wrdreg s17  }
0xb7: {  	[dreg:$0x5] =	wrdreg $0x28800  }
0xb8: {  	[dreg:$0x6] =	wrdreg $0x9  }
0xb9: {  	_ =	task.clear_ibuf [dreg:s8], $0x7FFFF;
	_ =	strace $0x90000046  }
0xba: {  	s29 =	simm.s32 $0x9;
	_ =	strace $0x80000048  }
0xbb: {  	_ =	swait.ge [sflag:s29], $0x1  }
0xbc: {  	[sflag:s29] =	ssyncadd.s32 $0xFFFFFFFF  }
0xbd: {  	_ =	strace $0x90000048  }
0xbe: {  	_ =	sfence  }
0xbf: {  	s30 =	sld [smem:$0x0];
	_ =	sdelay $0x2  }
0xc0: {  	s31 =	sshll.u32 s1, $0xD;
	s1 =	sshrl.u32 s1, $0x2  }
0xc1: {  	s3 =	sand.u32 $0x4000, s31;
	s1 =	sadd.s32 s1, s30  }
0xc2: {  	s0 =	sor.u32 s3, s0;
	s1 =	sshll.u32 s1, $0x11  }
0xc3: {  	s0 =	sor.u32 s1, s0  }
0xc4: {  	s0 =	sadd.s32 $0x8F2B, s0  }
0xc5: {  	[sflag:s0] =	ssyncadd.remote.s32 $0x1  }
0xc6: {  	_ =	sfence.sel $0xFFFF  }
0xc7: {  	[dreg:$0x0] =	wrdreg $0xFFFFFFFF;
	(pc) =	sbr.abs _section_cstart, $3  }
0xc8: {  	[dreg:$0x1] =	wrdreg $0xFFFFFFFF  }
0xc9: {  	_ =	task.clear_ibuf [dreg:s8], $0x2FFFF;
	_ =	strace $0x9FFFFFFF  }
0xca: {  	(tm) =	ssettm $0x7FFFFFFF  }
0xcb: {  	_ =	shalt  }
tec
execute0_lowered:
.L_overlay_start_1:
0x0: {  	(tag) =	ssettag $0x1  }
0x1: {  	s4 =	rddreg [dreg:$0x0]  }
0x2: {  	s5 =	rddreg [dreg:$0x1]  }
0x3: {  	s7 =	rddreg [dreg:$0x2]  }
0x4: {  	s1 =	srdreg.scid;
	s0 =	stileid.u32  }
0x5: {  	s2 =	rddreg [dreg:$0x3];
	s3 =	simm.s32 $0x0;
	s13 =	simm.s32 $0x20  }
0x6: {  	s14 =	simm.s32 $0x10;
	s15 =	simm.s32 $0x0;
	s6 =	sand.u32 $0x1, s1  }
0x7: {  	s8 =	sshll.u32 s0, $0x1;
	s1 =	rddreg [dreg:$0x4];
	s11 =	smul.u32 $0x280, s0  }
0x8: {  	[smem:$0x7FF] =	sst s3;
	s28 =	smul.u32 $0x500, s0;
	s30 =	sshll.u32 s0, $0x6  }
0x9: {  	s8 =	sor.u32 s6, s8;
	s9 =	ssub.s32 $0x2, s6;
	_ =	strace $0x80000047  }
0xa: {  	s6 =	sshll.u32 s6, $0x7;
	s8 =	smul.u32 $0x500, s8;
	s10 =	sshrl.u32 s9, $0x1  }
0xb: {  	s12 =	sadd.s32 s11, s2;
	s29 =	sshrl.u32 s11, $0x3;
	s11 =	simm.s32 $0x80  }
0xc: {  	s9 =	ssub.s32 s9, s10;
	s10 =	sor.u32 s6, s28;
	s8 =	sadd.s32 s8, s4  }
0xd: {  	s4 =	sadd.s32 s5, s29;
	s5 =	sor.u32 $0x1C01, s30;
	s31 =	sshrl.u32 s10, $0x3  }
0xe: {  	s10 =	simm.s32 $0x1;
	s6 =	sadd.s32 $0xCE00, s8;
	s7 =	sadd.s32 s7, s31  }
0xf: {  	v0 =	vimm.f32 $1.000000000e+00;
	s8 =	smax.u32 s9, $0x1;
	s9 =	sshrl.u32 s12, $0x3;
	s12 =	simm.s32 $0x2800  }
.LBB2_1:
0x10: {  	[spmem:s9], [sflag:s5] =	dma.local [hbm:s4], $0x50  }
0x11: {  	_ =	swait.ge [sflag:s10], $0x50  }
0x12: {  	[sflag:s10] =	ssyncset.done $0x0  }
0x13: {  	[sflag:s10] =	ssyncadd.s32 $0xFFFFFFB0  }
0x14: {  	[tilespmem:s3], [sflag:$0x1] =	stream.linear.gather [hbm4b:s6+s3], $0x2800, $0x38;
	[tilespmem:$0x2B00] =	vst v63  }
0x15: {  	_ =	swait.ge [sflag:s10], $0x2800  }
0x16: {  	[sflag:s10] =	ssyncset.done $0x0  }
0x17: {  	[sflag:s10] =	ssyncadd.s32 $0xFFFFD800  }
0x18: {  	[tilespmem:$0x2800] =	vst v0  }
0x19: {  	[tilespmem:$0x2810] =	vst v0  }
0x1a: {  	[tilespmem:$0x2820] =	vst v0  }
0x1b: {  	[tilespmem:$0x2830] =	vst v0  }
0x1c: {  	[tilespmem:$0x2840] =	vst v0  }
0x1d: {  	[tilespmem:$0x2850] =	vst v0  }
0x1e: {  	[tilespmem:$0x2860] =	vst v0  }
0x1f: {  	[tilespmem:$0x2870] =	vst v0  }
0x20: {  	s16 =	simm.s32 $0x0;
	[bflag:$0x0] =	sbarrier.arrive $0xFFFF  }
0x21: {  	[spmem:s2] =	stream.indirect.scatter.add.f32 [tilespmem:s12], [sflag:$0x1], $0x1, s16, s11, $0xb8;
	[tilespmem:$0x2B00] =	vst v63  }
0x22: {  	_ =	swait.ge [sflag:s10], $0x80  }
0x23: {  	s16 =	simm.s32 $0x200;
	[sflag:s10] =	ssyncset.done $0x0  }
.LBB2_2:
0x24: {  	s17 =	sshra.s32 s16, $0x2;
	[sflag:s10] =	ssyncadd.s32 $0xFFFFFF80;
	p0 =	sne.s32 s16, $0x9E00  }
0x25: {  	[spmem:s2] =	stream.indirect.scatter.add.f32 [tilespmem:s12], [sflag:$0x1], $0x1, s17, s11, $0xb8;
	[tilespmem:$0x2B00] =	vst v63  }
.Ltmp0:
0x26: {  	_ = 	snop;
	(pc) =	sbr.rel @p0 .LBB2_2-.Ltmp0, $4  }
0x27: {  	_ = 	snop  }
0x28: {  	s16 =	sadd.s32 $0x200, s16  }
0x29: {  	_ =	swait.ge [sflag:s10], $0x80  }
0x2a: {  	[sflag:s10] =	ssyncset.done $0x0  }
0x2b: {  	s15 =	sadd.s32 $0x1, s15  }
0x2c: {  	[sflag:s10] =	ssyncadd.s32 $0xFFFFFF80;
	p0 =	sne.s32 s15, s8  }
.Ltmp1:
0x2d: {  	[bflag:$0x0] =	sbarrier.arrive $0xFFFF;
	(pc) =	sbr.rel @p0 .LBB2_1-.Ltmp1, $4  }
0x2e: {  	[hbm:s7@s13], [sflag:s5] =	dma.strided [spmem:s9@s14], $0x50, s10, $0x10   }
0x2f: {  	_ =	swait.ge [sflag:s10], $0x50  }
0x30: {  	[sflag:s10] =	ssyncset.done $0x0  }
0x31: {  	[sflag:s10] =	ssyncadd.s32 $0xFFFFFFB0  }
0x32: {  	_ =	sfence.sel $0x180000  }
0x33: {  	[bflag:$0x0] =	sbarrier.arrive $0xFFFF  }
0x34: {  	p0 =	sne.s32 s0, $0x0;
	_ =	strace $0x90000047  }
0x35: {  	s0 =	sadd.s32 @!p0 $0x100000, s1;
	[bflag:$0x2] =	sbarrier.arrive $0xFFFF  }
0x36: {  	[sflag:s0] =	ssyncadd.tile.s32 @!p0 $0x1;
	_ =	shalt  }
.Lfunc_end2:
_tile_overlayer_lowered:
.L_overlay_start_2:
0x37: {  	(tag) =	ssettag $0x2  }
0x38: {  	s0 =	rddreg [dreg:$0x0];
	s2 =	stileid.u32  }
0x39: {  	s1 =	rddreg [dreg:$0x1];
	p0 =	sne.s32 s2, $0x0  }
0x3a: {  	s3 =	rddreg [dreg:$0x2];
	[bflag:$0x3] =	sbarrier.arrive $0xFFFF;
	s2 =	simm.s32 @!p0 $0x1C01  }
0x3b: {  	[timem:s3], [sflag:s2] =	dma.local @!p0 [hbm:s0], s1  }
0x3c: {  	s0 =	simm.s32 @!p0 $0x1  }
0x3d: {  	_ =	swait.ge @!p0 [sflag:s0], s1  }
0x3e: {  	s1 =	ssub.s32 @!p0 $0x0, s1;
	[sflag:s0] =	ssyncset.done @!p0 $0x0  }
0x3f: {  	[sflag:s0] =	ssyncadd.s32 @!p0 s1  }
0x40: {  	[bflag:$0x3] =	sbarrier.arrive $0xFFFF  }
0x41: {  	_ =	shalt  }

</sc_bundles>
